<compile_context>
chip_gen: v7x
topology: tpu7x:2x2x1
jax: 0.10.2.dev20260603
libtpu: 0.0.44.dev20260713+nightly
codegen_flags: <defaults>
</compile_context>

<pallas_src>
import jax
import jax.numpy as jnp
from jax import lax
from jax.experimental import pallas as pl
from jax.experimental.pallas import tpu as pltpu
from jax.experimental.pallas import tpu_sc as plsc

L = 16
NB = 64
NPT = 4096
NV = 32768
NWORK = 32
CHUNKS = NPT // L


def _rsqrt(x):
    i = lax.bitcast_convert_type(x, jnp.int32)
    i = jnp.int32(0x5F3759DF) - lax.shift_right_arithmetic(i, 1)
    y = lax.bitcast_convert_type(i, jnp.float32)
    for _ in range(3):
        y = y * (1.5 - 0.5 * x * y * y)
    return y


def _bload(ref, i):
    return ref[pl.ds(i * L, L)]


def _body(prm_hbm, cp_hbm, volw_hbm, smp_hbm, out_hbm,
          prm_v, cp_v, volw_v, smp_v, out_v):
    cid = lax.axis_index("c")
    sid = lax.axis_index("s")
    wid = sid * 2 + cid

    def dist_term(qx, qy, qz):
        vx = jnp.minimum(jnp.maximum(qx * 32.0 + 15.5, 0.0), 31.0)
        vy = jnp.minimum(jnp.maximum(qy * 32.0 + 15.5, 0.0), 31.0)
        vz = jnp.minimum(jnp.maximum(qz * 32.0 + 15.5, 0.0), 31.0)
        ix = (vx + 0.5).astype(jnp.int32)
        iy = (vy + 0.5).astype(jnp.int32)
        iz = (vz + 0.5).astype(jnp.int32)
        ind = ix * 1024 + iy * 32 + iz
        w = plsc.load_gather(volw_v, [lax.shift_right_arithmetic(ind, 1)])
        half = (ind & 1) * 16
        bits = lax.shift_right_logical(w, half) & 0xFFFF
        vol = lax.bitcast_convert_type(lax.shift_left(bits, 16), jnp.float32)
        m = 1.0 - vol
        i3 = ind * 3
        gx = plsc.load_gather(cp_v, [i3])
        gy = plsc.load_gather(cp_v, [i3 + 1])
        gz = plsc.load_gather(cp_v, [i3 + 2])
        dx = (qx - gx) * m
        dy = (qy - gy) * m
        dz = (qz - gz) * m
        d2 = dx * dx + dy * dy + dz * dz
        return d2 * _rsqrt(jnp.maximum(d2, 1e-12))

    def load_pt(c):
        o = c * L
        px = smp_v[pl.ds(o, L)]
        py = smp_v[pl.ds(NPT + o, L)]
        pz = smp_v[pl.ds(2 * NPT + o, L)]
        return px, py, pz

    def k_plane(k, acc):
        base = k * 4
        nx = _bload(prm_v, base)
        ny = _bload(prm_v, base + 1)
        nz = _bload(prm_v, base + 2)
        dd = _bload(prm_v, base + 3)
        inv = 2.0 / (nx * nx + ny * ny + nz * nz + 1e-8)
        cx = nx * inv
        cy = ny * inv
        cz = nz * inv

        def c_body(c, a):
            px, py, pz = load_pt(c)
            s = px * nx + py * ny + pz * nz + dd
            return a + dist_term(px - s * cx, py - s * cy, pz - s * cz)

        return lax.fori_loop(0, CHUNKS, c_body, acc)

    def k_quat(k, acc):
        base = 32 + k * 4
        qw = _bload(prm_v, base)
        ax = _bload(prm_v, base + 1)
        ay = _bload(prm_v, base + 2)
        az = _bload(prm_v, base + 3)
        a2 = qw * qw - (ax * ax + ay * ay + az * az)
        tw = 2.0 * qw

        def c_body(c, a):
            px, py, pz = load_pt(c)
            dot2 = 2.0 * (px * ax + py * ay + pz * az)
            crx = ay * pz - az * py
            cry = az * px - ax * pz
            crz = ax * py - ay * px
            qx = a2 * px + dot2 * ax + tw * crx
            qy = a2 * py + dot2 * ay + tw * cry
            qz = a2 * pz + dot2 * az + tw * crz
            return a + dist_term(qx, qy, qz)

        return lax.fori_loop(0, CHUNKS, c_body, acc)

    acc_p = jnp.zeros((L,), jnp.float32)
    acc_q = jnp.zeros((L,), jnp.float32)
    for r in range(2):
        b = wid + NWORK * r
        pltpu.sync_copy(cp_hbm.at[b], cp_v)
        pltpu.sync_copy(volw_hbm.at[b], volw_v)
        pltpu.sync_copy(smp_hbm.at[b], smp_v)
        pltpu.sync_copy(prm_hbm.at[b], prm_v)
        acc_p = lax.fori_loop(0, 8, k_plane, acc_p)
        acc_q = lax.fori_loop(0, 8, k_quat, acc_q)
    out_v[pl.ds(0, L)] = acc_p
    out_v[pl.ds(L, L)] = acc_q
    pltpu.sync_copy(out_v, out_hbm.at[wid])


_run = pl.kernel(
    _body,
    out_type=jax.ShapeDtypeStruct((NWORK, 2 * L), jnp.float32),
    mesh=plsc.VectorSubcoreMesh(core_axis_name="c", subcore_axis_name="s"),
    compiler_params=pltpu.CompilerParams(needs_layout_passes=False),
    scratch_types=[
        pltpu.VMEM((64 * L,), jnp.float32),
        pltpu.VMEM((NV * 3,), jnp.float32),
        pltpu.VMEM((NV // 2,), jnp.int32),
        pltpu.VMEM((3 * NPT,), jnp.float32),
        pltpu.VMEM((2 * L,), jnp.float32),
    ],
)


def kernel(planes, quats, closestPoints, surfaceSamples, volume):
    prm = jnp.concatenate(
        [planes.transpose(1, 0, 2).reshape(NB, 32),
         quats.transpose(1, 0, 2).reshape(NB, 32)], axis=1)
    prm = jnp.repeat(prm, L, axis=1)
    cp = closestPoints.reshape(NB, NV * 3)
    volw = lax.bitcast_convert_type(
        volume.reshape(NB, NV // 2, 2).astype(jnp.bfloat16), jnp.int32)
    smp = surfaceSamples.transpose(0, 2, 1).reshape(NB, 3 * NPT)
    part = _run(prm, cp, volw, smp)
    scale = 1.0 / (NB * 8)
    loss_p = part[:, :L].sum() * scale
    loss_q = part[:, L:].sum() * scale
    return (loss_p, loss_q)

# --- scband reference (transcript-rebuilt; emitter-appended) ---
"""Pipeline reference for scband-sym-loss-32384053412216 (READ-ONLY COPY).

The authoritative reference and input builder live on the scoring server;
editing this copy changes nothing except your own understanding.
"""

import jax, jax.numpy as jnp
import numpy as np

GRID = 32


def point2voxel(px, gridSize=32, gridBound=0.5):
    gridMin = -gridBound + gridBound / gridSize
    return (px - gridMin) * gridSize / (2 * gridBound)


def calculate_distance(points, closestPoints, volume, gridSize=32):
    inds = point2voxel(points)
    inds = jnp.round(jnp.clip(inds, 0, gridSize - 1))
    inds = (inds @ jnp.array([gridSize ** 2, gridSize, 1], dtype=jnp.float32)).astype(jnp.int32)
    v = volume.reshape(-1, gridSize ** 3)
    mask = (1.0 - jnp.take_along_axis(v, inds, axis=1))[..., None]
    cps = closestPoints.reshape(closestPoints.shape[0], -1, 3)
    inds3 = jnp.broadcast_to(inds[..., None], inds.shape + (3,))
    cps_g = jnp.take_along_axis(cps, inds3, axis=1)
    return (points - cps_g) * mask, cps_g * mask


def plane_point(p, plane):
    length = 2 * (jnp.sum(p * plane[..., :3], axis=2, keepdims=True) + plane[..., 3:4])
    norm2 = jnp.sum(plane[..., :3] ** 2, axis=2, keepdims=True)
    return p - length * plane[..., :3] / (norm2 + 1e-08)


def quaternion_conjugate(q):
    w, x, y, z = q[..., 0], q[..., 1], q[..., 2], q[..., 3]
    return jnp.stack([w, -1 * x, -1 * y, -1 * z], axis=-1)


def quaternion_multiply(q1, q2):
    w1, x1, y1, z1 = q1[..., 0], q1[..., 1], q1[..., 2], q1[..., 3]
    w2, x2, y2, z2 = q2[..., 0], q2[..., 1], q2[..., 2], q2[..., 3]
    w = w1 * w2 - x1 * x2 - y1 * y2 - z1 * z2
    x = w1 * x2 + x1 * w2 + y1 * z2 - z1 * y2
    y = w1 * y2 - x1 * z2 + y1 * w2 + z1 * x2
    z = w1 * z2 + x1 * y2 - y1 * x2 + z1 * w2
    return jnp.stack([w, x, y, z], axis=-1)


def rotate_point(p, q):
    p_quat = jnp.concatenate([jnp.zeros(p.shape[:2] + (1,), p.dtype), p], axis=-1)
    q_conj = quaternion_conjugate(q)
    p_rotated = quaternion_multiply(quaternion_multiply(q, p_quat), q_conj)
    return p_rotated[..., 1:]


def setup_inputs(seed: int = 0) -> dict:
    key = jax.random.key(seed)
    k1, k2, k3, k4, k5 = jax.random.split(key, 5)
    planes = jax.random.normal(k1, (8, 64, 4), dtype=jnp.float32)
    quats = jax.random.normal(k2, (8, 64, 4), dtype=jnp.float32)
    closestPoints = jax.random.uniform(k3, (64, 32768, 3), dtype=jnp.float32)
    surfaceSamples = jax.random.uniform(k4, (64, 4096, 3), dtype=jnp.float32)
    volume = jax.random.uniform(k5, (64, 32, 32, 32), dtype=jnp.float32)
    return {"planes": planes, "quats": quats, "closestPoints": closestPoints, "surfaceSamples": surfaceSamples, "volume": volume}


def reference(planes, quats, closestPoints, surfaceSamples, volume):
    loss_planes_sym = 0.0
    loss_quats_sym = 0.0
    K = planes.shape[0]
    for i in range(K):
        plane = planes[i][:, None, :].astype(jnp.float32)
        quat = quats[i][:, None, :].astype(jnp.float32)
        sym_points_plane = plane_point(surfaceSamples, plane)
        distance, _ = calculate_distance(sym_points_plane, closestPoints, volume)
        loss_planes_sym += jnp.mean(jnp.sum(jnp.sqrt(jnp.sum(distance ** 2, axis=2)), axis=1))
        sym_points_quat = rotate_point(surfaceSamples, quat)
        distance, _ = calculate_distance(sym_points_quat, closestPoints, volume)
        loss_quats_sym += jnp.mean(jnp.sum(jnp.sqrt(jnp.sum(distance ** 2, axis=2)), axis=1))
    return (loss_planes_sym / K, loss_quats_sym / quats.shape[0])

if __name__ == "__main__":
    import jax
    _d = setup_inputs()
    print(jax.jit(kernel)(*tuple(_d.values())))

</pallas_src>

<mosaic_0001>
#map = affine_map<(d0, d1) -> (0, 0)>
module attributes {stable_mosaic.version = 14 : i64} {
  func.func @_body(%arg0: i32, %arg1: i32, %arg2: memref<64x1024xf32, #tpu.memory_space<hbm>>, %arg3: memref<64x98304xf32, #tpu.memory_space<hbm>>, %arg4: memref<64x16384xi32, #tpu.memory_space<hbm>>, %arg5: memref<64x12288xf32, #tpu.memory_space<hbm>>, %arg6: memref<32x32xf32, #tpu.memory_space<hbm>>, %arg7: memref<1024xf32, #tpu.memory_space<vmem>>, %arg8: memref<98304xf32, #tpu.memory_space<vmem>>, %arg9: memref<16384xi32, #tpu.memory_space<vmem>>, %arg10: memref<12288xf32, #tpu.memory_space<vmem>>, %arg11: memref<32xf32, #tpu.memory_space<vmem>>) attributes {dimension_semantics = [#tpu.dimension_semantics<core_parallel>, #tpu.dimension_semantics<subcore_parallel>], iteration_bounds = array<i64: 2, 16>, scalar_prefetch = 0 : i64, scratch_operands = 5 : i64, tpu.core_type = #tpu.core_type<sc_vector_subcore>, window_params = [{transform_indices = #map}, {transform_indices = #map}, {transform_indices = #map}, {transform_indices = #map}, {transform_indices = #map}]} {
    %mul3A = arith.constant 2 : i32
    %mul3A_0 = arith.muli %arg1, %mul3A : i32
    %add3A = arith.addi %mul3A_0, %arg0 : i32
    %broadcast_in_dim3A = arith.constant 0.000000e+00 : f32
    %broadcast_in_dim3A_1 = vector.broadcast %broadcast_in_dim3A : f32 to vector<16xf32>
    %broadcast_in_dim3A_2 = arith.constant 0.000000e+00 : f32
    %broadcast_in_dim3A_3 = vector.broadcast %broadcast_in_dim3A_2 : f32 to vector<16xf32>
    %add3A_4 = arith.constant 0 : i32
    %add3A_5 = arith.addi %add3A, %add3A_4 : i32
    "tpu.region"() ({
      %run_scoped3A = tpu.sem_alloc : memref<!tpu.dma_semaphore, #tpu.memory_space<semaphore_mem>>
      %dma_start3A = arith.constant 0 : i32
      %dma_start3A_34 = tpu.memref_slice %arg3[%add3A_5, %dma_start3A] : memref<64x98304xf32, #tpu.memory_space<hbm>> -> memref<1x98304xf32, #tpu.memory_space<hbm>>
      %dma_start3A_35 = tpu.memref_squeeze %dma_start3A_34 : memref<1x98304xf32, #tpu.memory_space<hbm>> -> memref<98304xf32, #tpu.memory_space<hbm>>
      %dma_start3A_36 = arith.constant 0 : i32
      %dma_start3A_37 = tpu.memref_slice %arg3[%add3A_5, %dma_start3A_36] : memref<64x98304xf32, #tpu.memory_space<hbm>> -> memref<1x98304xf32, #tpu.memory_space<hbm>>
      %dma_start3A_38 = tpu.memref_squeeze %dma_start3A_37 : memref<1x98304xf32, #tpu.memory_space<hbm>> -> memref<98304xf32, #tpu.memory_space<hbm>>
      tpu.enqueue_dma source(%dma_start3A_38 : memref<98304xf32, #tpu.memory_space<hbm>>) target(%arg8 : memref<98304xf32, #tpu.memory_space<vmem>>) target_semaphore(%run_scoped3A : memref<!tpu.dma_semaphore, #tpu.memory_space<semaphore_mem>>)
      %dma_wait3A = arith.constant 0 : i32
      %dma_wait3A_39 = tpu.memref_slice %arg3[%add3A_5, %dma_wait3A] : memref<64x98304xf32, #tpu.memory_space<hbm>> -> memref<1x98304xf32, #tpu.memory_space<hbm>>
      %dma_wait3A_40 = tpu.memref_squeeze %dma_wait3A_39 : memref<1x98304xf32, #tpu.memory_space<hbm>> -> memref<98304xf32, #tpu.memory_space<hbm>>
      %dma_wait3A_41 = arith.constant 0 : i32
      %dma_wait3A_42 = tpu.memref_slice %arg3[%add3A_5, %dma_wait3A_41] : memref<64x98304xf32, #tpu.memory_space<hbm>> -> memref<1x98304xf32, #tpu.memory_space<hbm>>
      %dma_wait3A_43 = tpu.memref_squeeze %dma_wait3A_42 : memref<1x98304xf32, #tpu.memory_space<hbm>> -> memref<98304xf32, #tpu.memory_space<hbm>>
      tpu.wait_dma2 semaphore(%run_scoped3A : memref<!tpu.dma_semaphore, #tpu.memory_space<semaphore_mem>>) src(%dma_wait3A_43 : memref<98304xf32, #tpu.memory_space<hbm>>) dst(%arg8 : memref<98304xf32, #tpu.memory_space<vmem>>)
      tpu.yield
    }) : () -> ()
    "tpu.region"() ({
      %run_scoped3A = tpu.sem_alloc : memref<!tpu.dma_semaphore, #tpu.memory_space<semaphore_mem>>
      %dma_start3A = arith.constant 0 : i32
      %dma_start3A_34 = tpu.memref_slice %arg4[%add3A_5, %dma_start3A] : memref<64x16384xi32, #tpu.memory_space<hbm>> -> memref<1x16384xi32, #tpu.memory_space<hbm>>
      %dma_start3A_35 = tpu.memref_squeeze %dma_start3A_34 : memref<1x16384xi32, #tpu.memory_space<hbm>> -> memref<16384xi32, #tpu.memory_space<hbm>>
      %dma_start3A_36 = arith.constant 0 : i32
      %dma_start3A_37 = tpu.memref_slice %arg4[%add3A_5, %dma_start3A_36] : memref<64x16384xi32, #tpu.memory_space<hbm>> -> memref<1x16384xi32, #tpu.memory_space<hbm>>
      %dma_start3A_38 = tpu.memref_squeeze %dma_start3A_37 : memref<1x16384xi32, #tpu.memory_space<hbm>> -> memref<16384xi32, #tpu.memory_space<hbm>>
      tpu.enqueue_dma source(%dma_start3A_38 : memref<16384xi32, #tpu.memory_space<hbm>>) target(%arg9 : memref<16384xi32, #tpu.memory_space<vmem>>) target_semaphore(%run_scoped3A : memref<!tpu.dma_semaphore, #tpu.memory_space<semaphore_mem>>)
      %dma_wait3A = arith.constant 0 : i32
      %dma_wait3A_39 = tpu.memref_slice %arg4[%add3A_5, %dma_wait3A] : memref<64x16384xi32, #tpu.memory_space<hbm>> -> memref<1x16384xi32, #tpu.memory_space<hbm>>
      %dma_wait3A_40 = tpu.memref_squeeze %dma_wait3A_39 : memref<1x16384xi32, #tpu.memory_space<hbm>> -> memref<16384xi32, #tpu.memory_space<hbm>>
      %dma_wait3A_41 = arith.constant 0 : i32
      %dma_wait3A_42 = tpu.memref_slice %arg4[%add3A_5, %dma_wait3A_41] : memref<64x16384xi32, #tpu.memory_space<hbm>> -> memref<1x16384xi32, #tpu.memory_space<hbm>>
      %dma_wait3A_43 = tpu.memref_squeeze %dma_wait3A_42 : memref<1x16384xi32, #tpu.memory_space<hbm>> -> memref<16384xi32, #tpu.memory_space<hbm>>
      tpu.wait_dma2 semaphore(%run_scoped3A : memref<!tpu.dma_semaphore, #tpu.memory_space<semaphore_mem>>) src(%dma_wait3A_43 : memref<16384xi32, #tpu.memory_space<hbm>>) dst(%arg9 : memref<16384xi32, #tpu.memory_space<vmem>>)
      tpu.yield
    }) : () -> ()
    "tpu.region"() ({
      %run_scoped3A = tpu.sem_alloc : memref<!tpu.dma_semaphore, #tpu.memory_space<semaphore_mem>>
      %dma_start3A = arith.constant 0 : i32
      %dma_start3A_34 = tpu.memref_slice %arg5[%add3A_5, %dma_start3A] : memref<64x12288xf32, #tpu.memory_space<hbm>> -> memref<1x12288xf32, #tpu.memory_space<hbm>>
      %dma_start3A_35 = tpu.memref_squeeze %dma_start3A_34 : memref<1x12288xf32, #tpu.memory_space<hbm>> -> memref<12288xf32, #tpu.memory_space<hbm>>
      %dma_start3A_36 = arith.constant 0 : i32
      %dma_start3A_37 = tpu.memref_slice %arg5[%add3A_5, %dma_start3A_36] : memref<64x12288xf32, #tpu.memory_space<hbm>> -> memref<1x12288xf32, #tpu.memory_space<hbm>>
      %dma_start3A_38 = tpu.memref_squeeze %dma_start3A_37 : memref<1x12288xf32, #tpu.memory_space<hbm>> -> memref<12288xf32, #tpu.memory_space<hbm>>
      tpu.enqueue_dma source(%dma_start3A_38 : memref<12288xf32, #tpu.memory_space<hbm>>) target(%arg10 : memref<12288xf32, #tpu.memory_space<vmem>>) target_semaphore(%run_scoped3A : memref<!tpu.dma_semaphore, #tpu.memory_space<semaphore_mem>>)
      %dma_wait3A = arith.constant 0 : i32
      %dma_wait3A_39 = tpu.memref_slice %arg5[%add3A_5, %dma_wait3A] : memref<64x12288xf32, #tpu.memory_space<hbm>> -> memref<1x12288xf32, #tpu.memory_space<hbm>>
      %dma_wait3A_40 = tpu.memref_squeeze %dma_wait3A_39 : memref<1x12288xf32, #tpu.memory_space<hbm>> -> memref<12288xf32, #tpu.memory_space<hbm>>
      %dma_wait3A_41 = arith.constant 0 : i32
      %dma_wait3A_42 = tpu.memref_slice %arg5[%add3A_5, %dma_wait3A_41] : memref<64x12288xf32, #tpu.memory_space<hbm>> -> memref<1x12288xf32, #tpu.memory_space<hbm>>
      %dma_wait3A_43 = tpu.memref_squeeze %dma_wait3A_42 : memref<1x12288xf32, #tpu.memory_space<hbm>> -> memref<12288xf32, #tpu.memory_space<hbm>>
      tpu.wait_dma2 semaphore(%run_scoped3A : memref<!tpu.dma_semaphore, #tpu.memory_space<semaphore_mem>>) src(%dma_wait3A_43 : memref<12288xf32, #tpu.memory_space<hbm>>) dst(%arg10 : memref<12288xf32, #tpu.memory_space<vmem>>)
      tpu.yield
    }) : () -> ()
    "tpu.region"() ({
      %run_scoped3A = tpu.sem_alloc : memref<!tpu.dma_semaphore, #tpu.memory_space<semaphore_mem>>
      %dma_start3A = arith.constant 0 : i32
      %dma_start3A_34 = tpu.memref_slice %arg2[%add3A_5, %dma_start3A] : memref<64x1024xf32, #tpu.memory_space<hbm>> -> memref<1x1024xf32, #tpu.memory_space<hbm>>
      %dma_start3A_35 = tpu.memref_squeeze %dma_start3A_34 : memref<1x1024xf32, #tpu.memory_space<hbm>> -> memref<1024xf32, #tpu.memory_space<hbm>>
      %dma_start3A_36 = arith.constant 0 : i32
      %dma_start3A_37 = tpu.memref_slice %arg2[%add3A_5, %dma_start3A_36] : memref<64x1024xf32, #tpu.memory_space<hbm>> -> memref<1x1024xf32, #tpu.memory_space<hbm>>
      %dma_start3A_38 = tpu.memref_squeeze %dma_start3A_37 : memref<1x1024xf32, #tpu.memory_space<hbm>> -> memref<1024xf32, #tpu.memory_space<hbm>>
      tpu.enqueue_dma source(%dma_start3A_38 : memref<1024xf32, #tpu.memory_space<hbm>>) target(%arg7 : memref<1024xf32, #tpu.memory_space<vmem>>) target_semaphore(%run_scoped3A : memref<!tpu.dma_semaphore, #tpu.memory_space<semaphore_mem>>)
      %dma_wait3A = arith.constant 0 : i32
      %dma_wait3A_39 = tpu.memref_slice %arg2[%add3A_5, %dma_wait3A] : memref<64x1024xf32, #tpu.memory_space<hbm>> -> memref<1x1024xf32, #tpu.memory_space<hbm>>
      %dma_wait3A_40 = tpu.memref_squeeze %dma_wait3A_39 : memref<1x1024xf32, #tpu.memory_space<hbm>> -> memref<1024xf32, #tpu.memory_space<hbm>>
      %dma_wait3A_41 = arith.constant 0 : i32
      %dma_wait3A_42 = tpu.memref_slice %arg2[%add3A_5, %dma_wait3A_41] : memref<64x1024xf32, #tpu.memory_space<hbm>> -> memref<1x1024xf32, #tpu.memory_space<hbm>>
      %dma_wait3A_43 = tpu.memref_squeeze %dma_wait3A_42 : memref<1x1024xf32, #tpu.memory_space<hbm>> -> memref<1024xf32, #tpu.memory_space<hbm>>
      tpu.wait_dma2 semaphore(%run_scoped3A : memref<!tpu.dma_semaphore, #tpu.memory_space<semaphore_mem>>) src(%dma_wait3A_43 : memref<1024xf32, #tpu.memory_space<hbm>>) dst(%arg7 : memref<1024xf32, #tpu.memory_space<vmem>>)
      tpu.yield
    }) : () -> ()
    %scan3A = arith.constant 0 : i32
    %scan3A_6 = arith.constant 8 : i32
    %scan3A_7 = arith.addi %scan3A, %scan3A_6 : i32
    %scan3A_8 = arith.constant 1 : i32
    %scan3A_9 = scf.for %scan3A_34 = %scan3A to %scan3A_7 step %scan3A_8 iter_args(%scan3A_35 = %broadcast_in_dim3A_1) -> (vector<16xf32>)  : i32 {
      %mul3A_36 = arith.constant 4 : i32
      %mul3A_37 = arith.muli %scan3A_34, %mul3A_36 : i32
      %mul3A_38 = arith.constant 16 : i32
      %mul3A_39 = arith.muli %mul3A_37, %mul3A_38 : i32
      %get3A = arith.index_cast %mul3A_39 : i32 to index
      %get3A_40 = tpu.vector_load %arg7[%get3A] {strides = array<i32>} : memref<1024xf32, #tpu.memory_space<vmem>>, vector<16xf32>,
      %add3A_41 = arith.constant 1 : i32
      %add3A_42 = arith.addi %mul3A_37, %add3A_41 : i32
      %mul3A_43 = arith.constant 16 : i32
      %mul3A_44 = arith.muli %add3A_42, %mul3A_43 : i32
      %get3A_45 = arith.index_cast %mul3A_44 : i32 to index
      %get3A_46 = tpu.vector_load %arg7[%get3A_45] {strides = array<i32>} : memref<1024xf32, #tpu.memory_space<vmem>>, vector<16xf32>,
      %add3A_47 = arith.constant 2 : i32
      %add3A_48 = arith.addi %mul3A_37, %add3A_47 : i32
      %mul3A_49 = arith.constant 16 : i32
      %mul3A_50 = arith.muli %add3A_48, %mul3A_49 : i32
      %get3A_51 = arith.index_cast %mul3A_50 : i32 to index
      %get3A_52 = tpu.vector_load %arg7[%get3A_51] {strides = array<i32>} : memref<1024xf32, #tpu.memory_space<vmem>>, vector<16xf32>,
      %add3A_53 = arith.constant 3 : i32
      %add3A_54 = arith.addi %mul3A_37, %add3A_53 : i32
      %mul3A_55 = arith.constant 16 : i32
      %mul3A_56 = arith.muli %add3A_54, %mul3A_55 : i32
      %get3A_57 = arith.index_cast %mul3A_56 : i32 to index
      %get3A_58 = tpu.vector_load %arg7[%get3A_57] {strides = array<i32>} : memref<1024xf32, #tpu.memory_space<vmem>>, vector<16xf32>,
      %mul3A_59 = arith.mulf %get3A_40, %get3A_40 : vector<16xf32>
      %mul3A_60 = arith.mulf %get3A_46, %get3A_46 : vector<16xf32>
      %add3A_61 = arith.addf %mul3A_59, %mul3A_60 : vector<16xf32>
      %mul3A_62 = arith.mulf %get3A_52, %get3A_52 : vector<16xf32>
      %add3A_63 = arith.addf %add3A_61, %mul3A_62 : vector<16xf32>
      %add3A_64 = arith.constant 9.99999993E-9 : f32
      %add3A_65 = vector.broadcast %add3A_64 : f32 to vector<16xf32>
      %add3A_66 = arith.addf %add3A_63, %add3A_65 : vector<16xf32>
      %div3A = arith.constant 2.000000e+00 : f32
      %div3A_67 = vector.broadcast %div3A : f32 to vector<16xf32>
      %div3A_68 = arith.divf %div3A_67, %add3A_66 : vector<16xf32>
      %mul3A_69 = arith.mulf %get3A_40, %div3A_68 : vector<16xf32>
      %mul3A_70 = arith.mulf %get3A_46, %div3A_68 : vector<16xf32>
      %mul3A_71 = arith.mulf %get3A_52, %div3A_68 : vector<16xf32>
      %scan3A_72 = arith.constant 0 : i32
      %scan3A_73 = arith.constant 256 : i32
      %scan3A_74 = arith.addi %scan3A_72, %scan3A_73 : i32
      %scan3A_75 = arith.constant 1 : i32
      %scan3A_76 = scf.for %scan3A_78 = %scan3A_72 to %scan3A_74 step %scan3A_75 iter_args(%scan3A_79 = %scan3A_35) -> (vector<16xf32>)  : i32 {
        %mul3A_80 = arith.constant 16 : i32
        %mul3A_81 = arith.muli %scan3A_78, %mul3A_80 : i32
        %get3A_82 = arith.index_cast %mul3A_81 : i32 to index
        %get3A_83 = tpu.vector_load %arg10[%get3A_82] {strides = array<i32>} : memref<12288xf32, #tpu.memory_space<vmem>>, vector<16xf32>,
        %add3A_84 = arith.constant 4096 : i32
        %add3A_85 = arith.addi %add3A_84, %mul3A_81 : i32
        %get3A_86 = arith.index_cast %add3A_85 : i32 to index
        %get3A_87 = tpu.vector_load %arg10[%get3A_86] {strides = array<i32>} : memref<12288xf32, #tpu.memory_space<vmem>>, vector<16xf32>,
        %add3A_88 = arith.constant 8192 : i32
        %add3A_89 = arith.addi %add3A_88, %mul3A_81 : i32
        %get3A_90 = arith.index_cast %add3A_89 : i32 to index
        %get3A_91 = tpu.vector_load %arg10[%get3A_90] {strides = array<i32>} : memref<12288xf32, #tpu.memory_space<vmem>>, vector<16xf32>,
        %mul3A_92 = arith.mulf %get3A_83, %get3A_40 : vector<16xf32>
        %mul3A_93 = arith.mulf %get3A_87, %get3A_46 : vector<16xf32>
        %add3A_94 = arith.addf %mul3A_92, %mul3A_93 : vector<16xf32>
        %mul3A_95 = arith.mulf %get3A_91, %get3A_52 : vector<16xf32>
        %add3A_96 = arith.addf %add3A_94, %mul3A_95 : vector<16xf32>
        %add3A_97 = arith.addf %add3A_96, %get3A_58 : vector<16xf32>
        %mul3A_98 = arith.mulf %add3A_97, %mul3A_69 : vector<16xf32>
        %sub3A = arith.subf %get3A_83, %mul3A_98 : vector<16xf32>
        %mul3A_99 = arith.mulf %add3A_97, %mul3A_70 : vector<16xf32>
        %sub3A_100 = arith.subf %get3A_87, %mul3A_99 : vector<16xf32>
        %mul3A_101 = arith.mulf %add3A_97, %mul3A_71 : vector<16xf32>
        %sub3A_102 = arith.subf %get3A_91, %mul3A_101 : vector<16xf32>
        %mul3A_103 = arith.constant 3.200000e+01 : f32
        %mul3A_104 = vector.broadcast %mul3A_103 : f32 to vector<16xf32>
        %mul3A_105 = arith.mulf %sub3A, %mul3A_104 : vector<16xf32>
        %add3A_106 = arith.constant 1.550000e+01 : f32
        %add3A_107 = vector.broadcast %add3A_106 : f32 to vector<16xf32>
        %add3A_108 = arith.addf %mul3A_105, %add3A_107 : vector<16xf32>
        %max3A = arith.constant 0.000000e+00 : f32
        %max3A_109 = vector.broadcast %max3A : f32 to vector<16xf32>
        %max3A_110 = arith.maximumf %add3A_108, %max3A_109 : vector<16xf32>
        %min3A = arith.constant 3.100000e+01 : f32
        %min3A_111 = vector.broadcast %min3A : f32 to vector<16xf32>
        %min3A_112 = arith.minimumf %max3A_110, %min3A_111 : vector<16xf32>
        %mul3A_113 = arith.constant 3.200000e+01 : f32
        %mul3A_114 = vector.broadcast %mul3A_113 : f32 to vector<16xf32>
        %mul3A_115 = arith.mulf %sub3A_100, %mul3A_114 : vector<16xf32>
        %add3A_116 = arith.constant 1.550000e+01 : f32
        %add3A_117 = vector.broadcast %add3A_116 : f32 to vector<16xf32>
        %add3A_118 = arith.addf %mul3A_115, %add3A_117 : vector<16xf32>
        %max3A_119 = arith.constant 0.000000e+00 : f32
        %max3A_120 = vector.broadcast %max3A_119 : f32 to vector<16xf32>
        %max3A_121 = arith.maximumf %add3A_118, %max3A_120 : vector<16xf32>
        %min3A_122 = arith.constant 3.100000e+01 : f32
        %min3A_123 = vector.broadcast %min3A_122 : f32 to vector<16xf32>
        %min3A_124 = arith.minimumf %max3A_121, %min3A_123 : vector<16xf32>
        %mul3A_125 = arith.constant 3.200000e+01 : f32
        %mul3A_126 = vector.broadcast %mul3A_125 : f32 to vector<16xf32>
        %mul3A_127 = arith.mulf %sub3A_102, %mul3A_126 : vector<16xf32>
        %add3A_128 = arith.constant 1.550000e+01 : f32
        %add3A_129 = vector.broadcast %add3A_128 : f32 to vector<16xf32>
        %add3A_130 = arith.addf %mul3A_127, %add3A_129 : vector<16xf32>
        %max3A_131 = arith.constant 0.000000e+00 : f32
        %max3A_132 = vector.broadcast %max3A_131 : f32 to vector<16xf32>
        %max3A_133 = arith.maximumf %add3A_130, %max3A_132 : vector<16xf32>
        %min3A_134 = arith.constant 3.100000e+01 : f32
        %min3A_135 = vector.broadcast %min3A_134 : f32 to vector<16xf32>
        %min3A_136 = arith.minimumf %max3A_133, %min3A_135 : vector<16xf32>
        %add3A_137 = arith.constant 5.000000e-01 : f32
        %add3A_138 = vector.broadcast %add3A_137 : f32 to vector<16xf32>
        %add3A_139 = arith.addf %min3A_112, %add3A_138 : vector<16xf32>
        %convert_element_type3A = arith.fptosi %add3A_139 : vector<16xf32> to vector<16xi32>
        %add3A_140 = arith.constant 5.000000e-01 : f32
        %add3A_141 = vector.broadcast %add3A_140 : f32 to vector<16xf32>
        %add3A_142 = arith.addf %min3A_124, %add3A_141 : vector<16xf32>
        %convert_element_type3A_143 = arith.fptosi %add3A_142 : vector<16xf32> to vector<16xi32>
        %add3A_144 = arith.constant 5.000000e-01 : f32
        %add3A_145 = vector.broadcast %add3A_144 : f32 to vector<16xf32>
        %add3A_146 = arith.addf %min3A_136, %add3A_145 : vector<16xf32>
        %convert_element_type3A_147 = arith.fptosi %add3A_146 : vector<16xf32> to vector<16xi32>
        %mul3A_148 = arith.constant 1024 : i32
        %mul3A_149 = vector.broadcast %mul3A_148 : i32 to vector<16xi32>
        %mul3A_150 = arith.muli %convert_element_type3A, %mul3A_149 : vector<16xi32>
        %mul3A_151 = arith.constant 32 : i32
        %mul3A_152 = vector.broadcast %mul3A_151 : i32 to vector<16xi32>
        %mul3A_153 = arith.muli %convert_element_type3A_143, %mul3A_152 : vector<16xi32>
        %add3A_154 = arith.addi %mul3A_150, %mul3A_153 : vector<16xi32>
        %add3A_155 = arith.addi %add3A_154, %convert_element_type3A_147 : vector<16xi32>
        %shift_right_arithmetic3A = arith.constant 1 : i32
        %shift_right_arithmetic3A_156 = vector.broadcast %shift_right_arithmetic3A : i32 to vector<16xi32>
        %shift_right_arithmetic3A_157 = arith.shrsi %add3A_155, %shift_right_arithmetic3A_156 : vector<16xi32>
        %gather3A = tpu.vector_load_idx %arg9[%shift_right_arithmetic3A_157] : memref<16384xi32, #tpu.memory_space<vmem>>[vector<16xi32>], vector<16xi32>,
        %and3A = arith.constant 1 : i32
        %and3A_158 = vector.broadcast %and3A : i32 to vector<16xi32>
        %and3A_159 = arith.andi %add3A_155, %and3A_158 : vector<16xi32>
        %mul3A_160 = arith.constant 16 : i32
        %mul3A_161 = vector.broadcast %mul3A_160 : i32 to vector<16xi32>
        %mul3A_162 = arith.muli %and3A_159, %mul3A_161 : vector<16xi32>
        %shift_right_logical3A = arith.shrui %gather3A, %mul3A_162 : vector<16xi32>
        %and3A_163 = arith.constant 65535 : i32
        %and3A_164 = vector.broadcast %and3A_163 : i32 to vector<16xi32>
        %and3A_165 = arith.andi %shift_right_logical3A, %and3A_164 : vector<16xi32>
        %shift_left3A = arith.constant 16 : i32
        %shift_left3A_166 = vector.broadcast %shift_left3A : i32 to vector<16xi32>
        %shift_left3A_167 = arith.shli %and3A_165, %shift_left3A_166 : vector<16xi32>
        %bitcast_convert_type3A = tpu.bitcast %shift_left3A_167 : vector<16xi32> -> vector<16xf32>
        %sub3A_168 = arith.constant 1.000000e+00 : f32
        %sub3A_169 = vector.broadcast %sub3A_168 : f32 to vector<16xf32>
        %sub3A_170 = arith.subf %sub3A_169, %bitcast_convert_type3A : vector<16xf32>
        %mul3A_171 = arith.constant 3 : i32
        %mul3A_172 = vector.broadcast %mul3A_171 : i32 to vector<16xi32>
        %mul3A_173 = arith.muli %add3A_155, %mul3A_172 : vector<16xi32>
        %gather3A_174 = tpu.vector_load_idx %arg8[%mul3A_173] : memref<98304xf32, #tpu.memory_space<vmem>>[vector<16xi32>], vector<16xf32>,
        %add3A_175 = arith.constant 1 : i32
        %add3A_176 = vector.broadcast %add3A_175 : i32 to vector<16xi32>
        %add3A_177 = arith.addi %mul3A_173, %add3A_176 : vector<16xi32>
        %gather3A_178 = tpu.vector_load_idx %arg8[%add3A_177] : memref<98304xf32, #tpu.memory_space<vmem>>[vector<16xi32>], vector<16xf32>,
        %add3A_179 = arith.constant 2 : i32
        %add3A_180 = vector.broadcast %add3A_179 : i32 to vector<16xi32>
        %add3A_181 = arith.addi %mul3A_173, %add3A_180 : vector<16xi32>
        %gather3A_182 = tpu.vector_load_idx %arg8[%add3A_181] : memref<98304xf32, #tpu.memory_space<vmem>>[vector<16xi32>], vector<16xf32>,
        %sub3A_183 = arith.subf %sub3A, %gather3A_174 : vector<16xf32>
        %mul3A_184 = arith.mulf %sub3A_183, %sub3A_170 : vector<16xf32>
        %sub3A_185 = arith.subf %sub3A_100, %gather3A_178 : vector<16xf32>
        %mul3A_186 = arith.mulf %sub3A_185, %sub3A_170 : vector<16xf32>
        %sub3A_187 = arith.subf %sub3A_102, %gather3A_182 : vector<16xf32>
        %mul3A_188 = arith.mulf %sub3A_187, %sub3A_170 : vector<16xf32>
        %mul3A_189 = arith.mulf %mul3A_184, %mul3A_184 : vector<16xf32>
        %mul3A_190 = arith.mulf %mul3A_186, %mul3A_186 : vector<16xf32>
        %add3A_191 = arith.addf %mul3A_189, %mul3A_190 : vector<16xf32>
        %mul3A_192 = arith.mulf %mul3A_188, %mul3A_188 : vector<16xf32>
        %add3A_193 = arith.addf %add3A_191, %mul3A_192 : vector<16xf32>
        %max3A_194 = arith.constant 9.99999996E-13 : f32
        %max3A_195 = vector.broadcast %max3A_194 : f32 to vector<16xf32>
        %max3A_196 = arith.maximumf %add3A_193, %max3A_195 : vector<16xf32>
        %bitcast_convert_type3A_197 = tpu.bitcast %max3A_196 : vector<16xf32> -> vector<16xi32>
        %shift_right_arithmetic3A_198 = arith.constant 1 : i32
        %shift_right_arithmetic3A_199 = vector.broadcast %shift_right_arithmetic3A_198 : i32 to vector<16xi32>
        %shift_right_arithmetic3A_200 = arith.shrsi %bitcast_convert_type3A_197, %shift_right_arithmetic3A_199 : vector<16xi32>
        %sub3A_201 = arith.constant 1597463007 : i32
        %sub3A_202 = vector.broadcast %sub3A_201 : i32 to vector<16xi32>
        %sub3A_203 = arith.subi %sub3A_202, %shift_right_arithmetic3A_200 : vector<16xi32>
        %bitcast_convert_type3A_204 = tpu.bitcast %sub3A_203 : vector<16xi32> -> vector<16xf32>
        %mul3A_205 = arith.constant 5.000000e-01 : f32
        %mul3A_206 = vector.broadcast %mul3A_205 : f32 to vector<16xf32>
        %mul3A_207 = arith.mulf %mul3A_206, %max3A_196 : vector<16xf32>
        %mul3A_208 = arith.mulf %mul3A_207, %bitcast_convert_type3A_204 : vector<16xf32>
        %mul3A_209 = arith.mulf %mul3A_208, %bitcast_convert_type3A_204 : vector<16xf32>
        %sub3A_210 = arith.constant 1.500000e+00 : f32
        %sub3A_211 = vector.broadcast %sub3A_210 : f32 to vector<16xf32>
        %sub3A_212 = arith.subf %sub3A_211, %mul3A_209 : vector<16xf32>
        %mul3A_213 = arith.mulf %bitcast_convert_type3A_204, %sub3A_212 : vector<16xf32>
        %mul3A_214 = arith.constant 5.000000e-01 : f32
        %mul3A_215 = vector.broadcast %mul3A_214 : f32 to vector<16xf32>
        %mul3A_216 = arith.mulf %mul3A_215, %max3A_196 : vector<16xf32>
        %mul3A_217 = arith.mulf %mul3A_216, %mul3A_213 : vector<16xf32>
        %mul3A_218 = arith.mulf %mul3A_217, %mul3A_213 : vector<16xf32>
        %sub3A_219 = arith.constant 1.500000e+00 : f32
        %sub3A_220 = vector.broadcast %sub3A_219 : f32 to vector<16xf32>
        %sub3A_221 = arith.subf %sub3A_220, %mul3A_218 : vector<16xf32>
        %mul3A_222 = arith.mulf %mul3A_213, %sub3A_221 : vector<16xf32>
        %mul3A_223 = arith.constant 5.000000e-01 : f32
        %mul3A_224 = vector.broadcast %mul3A_223 : f32 to vector<16xf32>
        %mul3A_225 = arith.mulf %mul3A_224, %max3A_196 : vector<16xf32>
        %mul3A_226 = arith.mulf %mul3A_225, %mul3A_222 : vector<16xf32>
        %mul3A_227 = arith.mulf %mul3A_226, %mul3A_222 : vector<16xf32>
        %sub3A_228 = arith.constant 1.500000e+00 : f32
        %sub3A_229 = vector.broadcast %sub3A_228 : f32 to vector<16xf32>
        %sub3A_230 = arith.subf %sub3A_229, %mul3A_227 : vector<16xf32>
        %mul3A_231 = arith.mulf %mul3A_222, %sub3A_230 : vector<16xf32>
        %mul3A_232 = arith.mulf %add3A_193, %mul3A_231 : vector<16xf32>
        %add3A_233 = arith.addf %scan3A_79, %mul3A_232 : vector<16xf32>
        scf.yield %add3A_233 : vector<16xf32>
      }
      %scan3A_77 = arith.constant 256 : i32
      scf.yield %scan3A_76 : vector<16xf32>
    }
    %scan3A_10 = arith.constant 8 : i32
    %scan3A_11 = arith.constant 0 : i32
    %scan3A_12 = arith.constant 8 : i32
    %scan3A_13 = arith.addi %scan3A_11, %scan3A_12 : i32
    %scan3A_14 = arith.constant 1 : i32
    %scan3A_15 = scf.for %scan3A_34 = %scan3A_11 to %scan3A_13 step %scan3A_14 iter_args(%scan3A_35 = %broadcast_in_dim3A_3) -> (vector<16xf32>)  : i32 {
      %mul3A_36 = arith.constant 4 : i32
      %mul3A_37 = arith.muli %scan3A_34, %mul3A_36 : i32
      %add3A_38 = arith.constant 32 : i32
      %add3A_39 = arith.addi %add3A_38, %mul3A_37 : i32
      %mul3A_40 = arith.constant 16 : i32
      %mul3A_41 = arith.muli %add3A_39, %mul3A_40 : i32
      %get3A = arith.index_cast %mul3A_41 : i32 to index
      %get3A_42 = tpu.vector_load %arg7[%get3A] {strides = array<i32>} : memref<1024xf32, #tpu.memory_space<vmem>>, vector<16xf32>,
      %add3A_43 = arith.constant 1 : i32
      %add3A_44 = arith.addi %add3A_39, %add3A_43 : i32
      %mul3A_45 = arith.constant 16 : i32
      %mul3A_46 = arith.muli %add3A_44, %mul3A_45 : i32
      %get3A_47 = arith.index_cast %mul3A_46 : i32 to index
      %get3A_48 = tpu.vector_load %arg7[%get3A_47] {strides = array<i32>} : memref<1024xf32, #tpu.memory_space<vmem>>, vector<16xf32>,
      %add3A_49 = arith.constant 2 : i32
      %add3A_50 = arith.addi %add3A_39, %add3A_49 : i32
      %mul3A_51 = arith.constant 16 : i32
      %mul3A_52 = arith.muli %add3A_50, %mul3A_51 : i32
      %get3A_53 = arith.index_cast %mul3A_52 : i32 to index
      %get3A_54 = tpu.vector_load %arg7[%get3A_53] {strides = array<i32>} : memref<1024xf32, #tpu.memory_space<vmem>>, vector<16xf32>,
      %add3A_55 = arith.constant 3 : i32
      %add3A_56 = arith.addi %add3A_39, %add3A_55 : i32
      %mul3A_57 = arith.constant 16 : i32
      %mul3A_58 = arith.muli %add3A_56, %mul3A_57 : i32
      %get3A_59 = arith.index_cast %mul3A_58 : i32 to index
      %get3A_60 = tpu.vector_load %arg7[%get3A_59] {strides = array<i32>} : memref<1024xf32, #tpu.memory_space<vmem>>, vector<16xf32>,
      %mul3A_61 = arith.mulf %get3A_42, %get3A_42 : vector<16xf32>
      %mul3A_62 = arith.mulf %get3A_48, %get3A_48 : vector<16xf32>
      %mul3A_63 = arith.mulf %get3A_54, %get3A_54 : vector<16xf32>
      %add3A_64 = arith.addf %mul3A_62, %mul3A_63 : vector<16xf32>
      %mul3A_65 = arith.mulf %get3A_60, %get3A_60 : vector<16xf32>
      %add3A_66 = arith.addf %add3A_64, %mul3A_65 : vector<16xf32>
      %sub3A = arith.subf %mul3A_61, %add3A_66 : vector<16xf32>
      %mul3A_67 = arith.constant 2.000000e+00 : f32
      %mul3A_68 = vector.broadcast %mul3A_67 : f32 to vector<16xf32>
      %mul3A_69 = arith.mulf %mul3A_68, %get3A_42 : vector<16xf32>
      %scan3A_70 = arith.constant 0 : i32
      %scan3A_71 = arith.constant 256 : i32
      %scan3A_72 = arith.addi %scan3A_70, %scan3A_71 : i32
      %scan3A_73 = arith.constant 1 : i32
      %scan3A_74 = scf.for %scan3A_76 = %scan3A_70 to %scan3A_72 step %scan3A_73 iter_args(%scan3A_77 = %scan3A_35) -> (vector<16xf32>)  : i32 {
        %mul3A_78 = arith.constant 16 : i32
        %mul3A_79 = arith.muli %scan3A_76, %mul3A_78 : i32
        %get3A_80 = arith.index_cast %mul3A_79 : i32 to index
        %get3A_81 = tpu.vector_load %arg10[%get3A_80] {strides = array<i32>} : memref<12288xf32, #tpu.memory_space<vmem>>, vector<16xf32>,
        %add3A_82 = arith.constant 4096 : i32
        %add3A_83 = arith.addi %add3A_82, %mul3A_79 : i32
        %get3A_84 = arith.index_cast %add3A_83 : i32 to index
        %get3A_85 = tpu.vector_load %arg10[%get3A_84] {strides = array<i32>} : memref<12288xf32, #tpu.memory_space<vmem>>, vector<16xf32>,
        %add3A_86 = arith.constant 8192 : i32
        %add3A_87 = arith.addi %add3A_86, %mul3A_79 : i32
        %get3A_88 = arith.index_cast %add3A_87 : i32 to index
        %get3A_89 = tpu.vector_load %arg10[%get3A_88] {strides = array<i32>} : memref<12288xf32, #tpu.memory_space<vmem>>, vector<16xf32>,
        %mul3A_90 = arith.mulf %get3A_81, %get3A_48 : vector<16xf32>
        %mul3A_91 = arith.mulf %get3A_85, %get3A_54 : vector<16xf32>
        %add3A_92 = arith.addf %mul3A_90, %mul3A_91 : vector<16xf32>
        %mul3A_93 = arith.mulf %get3A_89, %get3A_60 : vector<16xf32>
        %add3A_94 = arith.addf %add3A_92, %mul3A_93 : vector<16xf32>
        %mul3A_95 = arith.constant 2.000000e+00 : f32
        %mul3A_96 = vector.broadcast %mul3A_95 : f32 to vector<16xf32>
        %mul3A_97 = arith.mulf %mul3A_96, %add3A_94 : vector<16xf32>
        %mul3A_98 = arith.mulf %get3A_54, %get3A_89 : vector<16xf32>
        %mul3A_99 = arith.mulf %get3A_60, %get3A_85 : vector<16xf32>
        %sub3A_100 = arith.subf %mul3A_98, %mul3A_99 : vector<16xf32>
        %mul3A_101 = arith.mulf %get3A_60, %get3A_81 : vector<16xf32>
        %mul3A_102 = arith.mulf %get3A_48, %get3A_89 : vector<16xf32>
        %sub3A_103 = arith.subf %mul3A_101, %mul3A_102 : vector<16xf32>
        %mul3A_104 = arith.mulf %get3A_48, %get3A_85 : vector<16xf32>
        %mul3A_105 = arith.mulf %get3A_54, %get3A_81 : vector<16xf32>
        %sub3A_106 = arith.subf %mul3A_104, %mul3A_105 : vector<16xf32>
        %mul3A_107 = arith.mulf %sub3A, %get3A_81 : vector<16xf32>
        %mul3A_108 = arith.mulf %mul3A_97, %get3A_48 : vector<16xf32>
        %add3A_109 = arith.addf %mul3A_107, %mul3A_108 : vector<16xf32>
        %mul3A_110 = arith.mulf %mul3A_69, %sub3A_100 : vector<16xf32>
        %add3A_111 = arith.addf %add3A_109, %mul3A_110 : vector<16xf32>
        %mul3A_112 = arith.mulf %sub3A, %get3A_85 : vector<16xf32>
        %mul3A_113 = arith.mulf %mul3A_97, %get3A_54 : vector<16xf32>
        %add3A_114 = arith.addf %mul3A_112, %mul3A_113 : vector<16xf32>
        %mul3A_115 = arith.mulf %mul3A_69, %sub3A_103 : vector<16xf32>
        %add3A_116 = arith.addf %add3A_114, %mul3A_115 : vector<16xf32>
        %mul3A_117 = arith.mulf %sub3A, %get3A_89 : vector<16xf32>
        %mul3A_118 = arith.mulf %mul3A_97, %get3A_60 : vector<16xf32>
        %add3A_119 = arith.addf %mul3A_117, %mul3A_118 : vector<16xf32>
        %mul3A_120 = arith.mulf %mul3A_69, %sub3A_106 : vector<16xf32>
        %add3A_121 = arith.addf %add3A_119, %mul3A_120 : vector<16xf32>
        %mul3A_122 = arith.constant 3.200000e+01 : f32
        %mul3A_123 = vector.broadcast %mul3A_122 : f32 to vector<16xf32>
        %mul3A_124 = arith.mulf %add3A_111, %mul3A_123 : vector<16xf32>
        %add3A_125 = arith.constant 1.550000e+01 : f32
        %add3A_126 = vector.broadcast %add3A_125 : f32 to vector<16xf32>
        %add3A_127 = arith.addf %mul3A_124, %add3A_126 : vector<16xf32>
        %max3A = arith.constant 0.000000e+00 : f32
        %max3A_128 = vector.broadcast %max3A : f32 to vector<16xf32>
        %max3A_129 = arith.maximumf %add3A_127, %max3A_128 : vector<16xf32>
        %min3A = arith.constant 3.100000e+01 : f32
        %min3A_130 = vector.broadcast %min3A : f32 to vector<16xf32>
        %min3A_131 = arith.minimumf %max3A_129, %min3A_130 : vector<16xf32>
        %mul3A_132 = arith.constant 3.200000e+01 : f32
        %mul3A_133 = vector.broadcast %mul3A_132 : f32 to vector<16xf32>
        %mul3A_134 = arith.mulf %add3A_116, %mul3A_133 : vector<16xf32>
        %add3A_135 = arith.constant 1.550000e+01 : f32
        %add3A_136 = vector.broadcast %add3A_135 : f32 to vector<16xf32>
        %add3A_137 = arith.addf %mul3A_134, %add3A_136 : vector<16xf32>
        %max3A_138 = arith.constant 0.000000e+00 : f32
        %max3A_139 = vector.broadcast %max3A_138 : f32 to vector<16xf32>
        %max3A_140 = arith.maximumf %add3A_137, %max3A_139 : vector<16xf32>
        %min3A_141 = arith.constant 3.100000e+01 : f32
        %min3A_142 = vector.broadcast %min3A_141 : f32 to vector<16xf32>
        %min3A_143 = arith.minimumf %max3A_140, %min3A_142 : vector<16xf32>
        %mul3A_144 = arith.constant 3.200000e+01 : f32
        %mul3A_145 = vector.broadcast %mul3A_144 : f32 to vector<16xf32>
        %mul3A_146 = arith.mulf %add3A_121, %mul3A_145 : vector<16xf32>
        %add3A_147 = arith.constant 1.550000e+01 : f32
        %add3A_148 = vector.broadcast %add3A_147 : f32 to vector<16xf32>
        %add3A_149 = arith.addf %mul3A_146, %add3A_148 : vector<16xf32>
        %max3A_150 = arith.constant 0.000000e+00 : f32
        %max3A_151 = vector.broadcast %max3A_150 : f32 to vector<16xf32>
        %max3A_152 = arith.maximumf %add3A_149, %max3A_151 : vector<16xf32>
        %min3A_153 = arith.constant 3.100000e+01 : f32
        %min3A_154 = vector.broadcast %min3A_153 : f32 to vector<16xf32>
        %min3A_155 = arith.minimumf %max3A_152, %min3A_154 : vector<16xf32>
        %add3A_156 = arith.constant 5.000000e-01 : f32
        %add3A_157 = vector.broadcast %add3A_156 : f32 to vector<16xf32>
        %add3A_158 = arith.addf %min3A_131, %add3A_157 : vector<16xf32>
        %convert_element_type3A = arith.fptosi %add3A_158 : vector<16xf32> to vector<16xi32>
        %add3A_159 = arith.constant 5.000000e-01 : f32
        %add3A_160 = vector.broadcast %add3A_159 : f32 to vector<16xf32>
        %add3A_161 = arith.addf %min3A_143, %add3A_160 : vector<16xf32>
        %convert_element_type3A_162 = arith.fptosi %add3A_161 : vector<16xf32> to vector<16xi32>
        %add3A_163 = arith.constant 5.000000e-01 : f32
        %add3A_164 = vector.broadcast %add3A_163 : f32 to vector<16xf32>
        %add3A_165 = arith.addf %min3A_155, %add3A_164 : vector<16xf32>
        %convert_element_type3A_166 = arith.fptosi %add3A_165 : vector<16xf32> to vector<16xi32>
        %mul3A_167 = arith.constant 1024 : i32
        %mul3A_168 = vector.broadcast %mul3A_167 : i32 to vector<16xi32>
        %mul3A_169 = arith.muli %convert_element_type3A, %mul3A_168 : vector<16xi32>
        %mul3A_170 = arith.constant 32 : i32
        %mul3A_171 = vector.broadcast %mul3A_170 : i32 to vector<16xi32>
        %mul3A_172 = arith.muli %convert_element_type3A_162, %mul3A_171 : vector<16xi32>
        %add3A_173 = arith.addi %mul3A_169, %mul3A_172 : vector<16xi32>
        %add3A_174 = arith.addi %add3A_173, %convert_element_type3A_166 : vector<16xi32>
        %shift_right_arithmetic3A = arith.constant 1 : i32
        %shift_right_arithmetic3A_175 = vector.broadcast %shift_right_arithmetic3A : i32 to vector<16xi32>
        %shift_right_arithmetic3A_176 = arith.shrsi %add3A_174, %shift_right_arithmetic3A_175 : vector<16xi32>
        %gather3A = tpu.vector_load_idx %arg9[%shift_right_arithmetic3A_176] : memref<16384xi32, #tpu.memory_space<vmem>>[vector<16xi32>], vector<16xi32>,
        %and3A = arith.constant 1 : i32
        %and3A_177 = vector.broadcast %and3A : i32 to vector<16xi32>
        %and3A_178 = arith.andi %add3A_174, %and3A_177 : vector<16xi32>
        %mul3A_179 = arith.constant 16 : i32
        %mul3A_180 = vector.broadcast %mul3A_179 : i32 to vector<16xi32>
        %mul3A_181 = arith.muli %and3A_178, %mul3A_180 : vector<16xi32>
        %shift_right_logical3A = arith.shrui %gather3A, %mul3A_181 : vector<16xi32>
        %and3A_182 = arith.constant 65535 : i32
        %and3A_183 = vector.broadcast %and3A_182 : i32 to vector<16xi32>
        %and3A_184 = arith.andi %shift_right_logical3A, %and3A_183 : vector<16xi32>
        %shift_left3A = arith.constant 16 : i32
        %shift_left3A_185 = vector.broadcast %shift_left3A : i32 to vector<16xi32>
        %shift_left3A_186 = arith.shli %and3A_184, %shift_left3A_185 : vector<16xi32>
        %bitcast_convert_type3A = tpu.bitcast %shift_left3A_186 : vector<16xi32> -> vector<16xf32>
        %sub3A_187 = arith.constant 1.000000e+00 : f32
        %sub3A_188 = vector.broadcast %sub3A_187 : f32 to vector<16xf32>
        %sub3A_189 = arith.subf %sub3A_188, %bitcast_convert_type3A : vector<16xf32>
        %mul3A_190 = arith.constant 3 : i32
        %mul3A_191 = vector.broadcast %mul3A_190 : i32 to vector<16xi32>
        %mul3A_192 = arith.muli %add3A_174, %mul3A_191 : vector<16xi32>
        %gather3A_193 = tpu.vector_load_idx %arg8[%mul3A_192] : memref<98304xf32, #tpu.memory_space<vmem>>[vector<16xi32>], vector<16xf32>,
        %add3A_194 = arith.constant 1 : i32
        %add3A_195 = vector.broadcast %add3A_194 : i32 to vector<16xi32>
        %add3A_196 = arith.addi %mul3A_192, %add3A_195 : vector<16xi32>
        %gather3A_197 = tpu.vector_load_idx %arg8[%add3A_196] : memref<98304xf32, #tpu.memory_space<vmem>>[vector<16xi32>], vector<16xf32>,
        %add3A_198 = arith.constant 2 : i32
        %add3A_199 = vector.broadcast %add3A_198 : i32 to vector<16xi32>
        %add3A_200 = arith.addi %mul3A_192, %add3A_199 : vector<16xi32>
        %gather3A_201 = tpu.vector_load_idx %arg8[%add3A_200] : memref<98304xf32, #tpu.memory_space<vmem>>[vector<16xi32>], vector<16xf32>,
        %sub3A_202 = arith.subf %add3A_111, %gather3A_193 : vector<16xf32>
        %mul3A_203 = arith.mulf %sub3A_202, %sub3A_189 : vector<16xf32>
        %sub3A_204 = arith.subf %add3A_116, %gather3A_197 : vector<16xf32>
        %mul3A_205 = arith.mulf %sub3A_204, %sub3A_189 : vector<16xf32>
        %sub3A_206 = arith.subf %add3A_121, %gather3A_201 : vector<16xf32>
        %mul3A_207 = arith.mulf %sub3A_206, %sub3A_189 : vector<16xf32>
        %mul3A_208 = arith.mulf %mul3A_203, %mul3A_203 : vector<16xf32>
        %mul3A_209 = arith.mulf %mul3A_205, %mul3A_205 : vector<16xf32>
        %add3A_210 = arith.addf %mul3A_208, %mul3A_209 : vector<16xf32>
        %mul3A_211 = arith.mulf %mul3A_207, %mul3A_207 : vector<16xf32>
        %add3A_212 = arith.addf %add3A_210, %mul3A_211 : vector<16xf32>
        %max3A_213 = arith.constant 9.99999996E-13 : f32
        %max3A_214 = vector.broadcast %max3A_213 : f32 to vector<16xf32>
        %max3A_215 = arith.maximumf %add3A_212, %max3A_214 : vector<16xf32>
        %bitcast_convert_type3A_216 = tpu.bitcast %max3A_215 : vector<16xf32> -> vector<16xi32>
        %shift_right_arithmetic3A_217 = arith.constant 1 : i32
        %shift_right_arithmetic3A_218 = vector.broadcast %shift_right_arithmetic3A_217 : i32 to vector<16xi32>
        %shift_right_arithmetic3A_219 = arith.shrsi %bitcast_convert_type3A_216, %shift_right_arithmetic3A_218 : vector<16xi32>
        %sub3A_220 = arith.constant 1597463007 : i32
        %sub3A_221 = vector.broadcast %sub3A_220 : i32 to vector<16xi32>
        %sub3A_222 = arith.subi %sub3A_221, %shift_right_arithmetic3A_219 : vector<16xi32>
        %bitcast_convert_type3A_223 = tpu.bitcast %sub3A_222 : vector<16xi32> -> vector<16xf32>
        %mul3A_224 = arith.constant 5.000000e-01 : f32
        %mul3A_225 = vector.broadcast %mul3A_224 : f32 to vector<16xf32>
        %mul3A_226 = arith.mulf %mul3A_225, %max3A_215 : vector<16xf32>
        %mul3A_227 = arith.mulf %mul3A_226, %bitcast_convert_type3A_223 : vector<16xf32>
        %mul3A_228 = arith.mulf %mul3A_227, %bitcast_convert_type3A_223 : vector<16xf32>
        %sub3A_229 = arith.constant 1.500000e+00 : f32
        %sub3A_230 = vector.broadcast %sub3A_229 : f32 to vector<16xf32>
        %sub3A_231 = arith.subf %sub3A_230, %mul3A_228 : vector<16xf32>
        %mul3A_232 = arith.mulf %bitcast_convert_type3A_223, %sub3A_231 : vector<16xf32>
        %mul3A_233 = arith.constant 5.000000e-01 : f32
        %mul3A_234 = vector.broadcast %mul3A_233 : f32 to vector<16xf32>
        %mul3A_235 = arith.mulf %mul3A_234, %max3A_215 : vector<16xf32>
        %mul3A_236 = arith.mulf %mul3A_235, %mul3A_232 : vector<16xf32>
        %mul3A_237 = arith.mulf %mul3A_236, %mul3A_232 : vector<16xf32>
        %sub3A_238 = arith.constant 1.500000e+00 : f32
        %sub3A_239 = vector.broadcast %sub3A_238 : f32 to vector<16xf32>
        %sub3A_240 = arith.subf %sub3A_239, %mul3A_237 : vector<16xf32>
        %mul3A_241 = arith.mulf %mul3A_232, %sub3A_240 : vector<16xf32>
        %mul3A_242 = arith.constant 5.000000e-01 : f32
        %mul3A_243 = vector.broadcast %mul3A_242 : f32 to vector<16xf32>
        %mul3A_244 = arith.mulf %mul3A_243, %max3A_215 : vector<16xf32>
        %mul3A_245 = arith.mulf %mul3A_244, %mul3A_241 : vector<16xf32>
        %mul3A_246 = arith.mulf %mul3A_245, %mul3A_241 : vector<16xf32>
        %sub3A_247 = arith.constant 1.500000e+00 : f32
        %sub3A_248 = vector.broadcast %sub3A_247 : f32 to vector<16xf32>
        %sub3A_249 = arith.subf %sub3A_248, %mul3A_246 : vector<16xf32>
        %mul3A_250 = arith.mulf %mul3A_241, %sub3A_249 : vector<16xf32>
        %mul3A_251 = arith.mulf %add3A_212, %mul3A_250 : vector<16xf32>
        %add3A_252 = arith.addf %scan3A_77, %mul3A_251 : vector<16xf32>
        scf.yield %add3A_252 : vector<16xf32>
      }
      %scan3A_75 = arith.constant 256 : i32
      scf.yield %scan3A_74 : vector<16xf32>
    }
    %scan3A_16 = arith.constant 8 : i32
    %add3A_17 = arith.constant 32 : i32
    %add3A_18 = arith.addi %add3A, %add3A_17 : i32
    "tpu.region"() ({
      %run_scoped3A = tpu.sem_alloc : memref<!tpu.dma_semaphore, #tpu.memory_space<semaphore_mem>>
      %dma_start3A = arith.constant 0 : i32
      %dma_start3A_34 = tpu.memref_slice %arg3[%add3A_18, %dma_start3A] : memref<64x98304xf32, #tpu.memory_space<hbm>> -> memref<1x98304xf32, #tpu.memory_space<hbm>>
      %dma_start3A_35 = tpu.memref_squeeze %dma_start3A_34 : memref<1x98304xf32, #tpu.memory_space<hbm>> -> memref<98304xf32, #tpu.memory_space<hbm>>
      %dma_start3A_36 = arith.constant 0 : i32
      %dma_start3A_37 = tpu.memref_slice %arg3[%add3A_18, %dma_start3A_36] : memref<64x98304xf32, #tpu.memory_space<hbm>> -> memref<1x98304xf32, #tpu.memory_space<hbm>>
      %dma_start3A_38 = tpu.memref_squeeze %dma_start3A_37 : memref<1x98304xf32, #tpu.memory_space<hbm>> -> memref<98304xf32, #tpu.memory_space<hbm>>
      tpu.enqueue_dma source(%dma_start3A_38 : memref<98304xf32, #tpu.memory_space<hbm>>) target(%arg8 : memref<98304xf32, #tpu.memory_space<vmem>>) target_semaphore(%run_scoped3A : memref<!tpu.dma_semaphore, #tpu.memory_space<semaphore_mem>>)
      %dma_wait3A = arith.constant 0 : i32
      %dma_wait3A_39 = tpu.memref_slice %arg3[%add3A_18, %dma_wait3A] : memref<64x98304xf32, #tpu.memory_space<hbm>> -> memref<1x98304xf32, #tpu.memory_space<hbm>>
      %dma_wait3A_40 = tpu.memref_squeeze %dma_wait3A_39 : memref<1x98304xf32, #tpu.memory_space<hbm>> -> memref<98304xf32, #tpu.memory_space<hbm>>
      %dma_wait3A_41 = arith.constant 0 : i32
      %dma_wait3A_42 = tpu.memref_slice %arg3[%add3A_18, %dma_wait3A_41] : memref<64x98304xf32, #tpu.memory_space<hbm>> -> memref<1x98304xf32, #tpu.memory_space<hbm>>
      %dma_wait3A_43 = tpu.memref_squeeze %dma_wait3A_42 : memref<1x98304xf32, #tpu.memory_space<hbm>> -> memref<98304xf32, #tpu.memory_space<hbm>>
      tpu.wait_dma2 semaphore(%run_scoped3A : memref<!tpu.dma_semaphore, #tpu.memory_space<semaphore_mem>>) src(%dma_wait3A_43 : memref<98304xf32, #tpu.memory_space<hbm>>) dst(%arg8 : memref<98304xf32, #tpu.memory_space<vmem>>)
      tpu.yield
    }) : () -> ()
    "tpu.region"() ({
      %run_scoped3A = tpu.sem_alloc : memref<!tpu.dma_semaphore, #tpu.memory_space<semaphore_mem>>
      %dma_start3A = arith.constant 0 : i32
      %dma_start3A_34 = tpu.memref_slice %arg4[%add3A_18, %dma_start3A] : memref<64x16384xi32, #tpu.memory_space<hbm>> -> memref<1x16384xi32, #tpu.memory_space<hbm>>
      %dma_start3A_35 = tpu.memref_squeeze %dma_start3A_34 : memref<1x16384xi32, #tpu.memory_space<hbm>> -> memref<16384xi32, #tpu.memory_space<hbm>>
      %dma_start3A_36 = arith.constant 0 : i32
      %dma_start3A_37 = tpu.memref_slice %arg4[%add3A_18, %dma_start3A_36] : memref<64x16384xi32, #tpu.memory_space<hbm>> -> memref<1x16384xi32, #tpu.memory_space<hbm>>
      %dma_start3A_38 = tpu.memref_squeeze %dma_start3A_37 : memref<1x16384xi32, #tpu.memory_space<hbm>> -> memref<16384xi32, #tpu.memory_space<hbm>>
      tpu.enqueue_dma source(%dma_start3A_38 : memref<16384xi32, #tpu.memory_space<hbm>>) target(%arg9 : memref<16384xi32, #tpu.memory_space<vmem>>) target_semaphore(%run_scoped3A : memref<!tpu.dma_semaphore, #tpu.memory_space<semaphore_mem>>)
      %dma_wait3A = arith.constant 0 : i32
      %dma_wait3A_39 = tpu.memref_slice %arg4[%add3A_18, %dma_wait3A] : memref<64x16384xi32, #tpu.memory_space<hbm>> -> memref<1x16384xi32, #tpu.memory_space<hbm>>
      %dma_wait3A_40 = tpu.memref_squeeze %dma_wait3A_39 : memref<1x16384xi32, #tpu.memory_space<hbm>> -> memref<16384xi32, #tpu.memory_space<hbm>>
      %dma_wait3A_41 = arith.constant 0 : i32
      %dma_wait3A_42 = tpu.memref_slice %arg4[%add3A_18, %dma_wait3A_41] : memref<64x16384xi32, #tpu.memory_space<hbm>> -> memref<1x16384xi32, #tpu.memory_space<hbm>>
      %dma_wait3A_43 = tpu.memref_squeeze %dma_wait3A_42 : memref<1x16384xi32, #tpu.memory_space<hbm>> -> memref<16384xi32, #tpu.memory_space<hbm>>
      tpu.wait_dma2 semaphore(%run_scoped3A : memref<!tpu.dma_semaphore, #tpu.memory_space<semaphore_mem>>) src(%dma_wait3A_43 : memref<16384xi32, #tpu.memory_space<hbm>>) dst(%arg9 : memref<16384xi32, #tpu.memory_space<vmem>>)
      tpu.yield
    }) : () -> ()
    "tpu.region"() ({
      %run_scoped3A = tpu.sem_alloc : memref<!tpu.dma_semaphore, #tpu.memory_space<semaphore_mem>>
      %dma_start3A = arith.constant 0 : i32
      %dma_start3A_34 = tpu.memref_slice %arg5[%add3A_18, %dma_start3A] : memref<64x12288xf32, #tpu.memory_space<hbm>> -> memref<1x12288xf32, #tpu.memory_space<hbm>>
      %dma_start3A_35 = tpu.memref_squeeze %dma_start3A_34 : memref<1x12288xf32, #tpu.memory_space<hbm>> -> memref<12288xf32, #tpu.memory_space<hbm>>
      %dma_start3A_36 = arith.constant 0 : i32
      %dma_start3A_37 = tpu.memref_slice %arg5[%add3A_18, %dma_start3A_36] : memref<64x12288xf32, #tpu.memory_space<hbm>> -> memref<1x12288xf32, #tpu.memory_space<hbm>>
      %dma_start3A_38 = tpu.memref_squeeze %dma_start3A_37 : memref<1x12288xf32, #tpu.memory_space<hbm>> -> memref<12288xf32, #tpu.memory_space<hbm>>
      tpu.enqueue_dma source(%dma_start3A_38 : memref<12288xf32, #tpu.memory_space<hbm>>) target(%arg10 : memref<12288xf32, #tpu.memory_space<vmem>>) target_semaphore(%run_scoped3A : memref<!tpu.dma_semaphore, #tpu.memory_space<semaphore_mem>>)
      %dma_wait3A = arith.constant 0 : i32
      %dma_wait3A_39 = tpu.memref_slice %arg5[%add3A_18, %dma_wait3A] : memref<64x12288xf32, #tpu.memory_space<hbm>> -> memref<1x12288xf32, #tpu.memory_space<hbm>>
      %dma_wait3A_40 = tpu.memref_squeeze %dma_wait3A_39 : memref<1x12288xf32, #tpu.memory_space<hbm>> -> memref<12288xf32, #tpu.memory_space<hbm>>
      %dma_wait3A_41 = arith.constant 0 : i32
      %dma_wait3A_42 = tpu.memref_slice %arg5[%add3A_18, %dma_wait3A_41] : memref<64x12288xf32, #tpu.memory_space<hbm>> -> memref<1x12288xf32, #tpu.memory_space<hbm>>
      %dma_wait3A_43 = tpu.memref_squeeze %dma_wait3A_42 : memref<1x12288xf32, #tpu.memory_space<hbm>> -> memref<12288xf32, #tpu.memory_space<hbm>>
      tpu.wait_dma2 semaphore(%run_scoped3A : memref<!tpu.dma_semaphore, #tpu.memory_space<semaphore_mem>>) src(%dma_wait3A_43 : memref<12288xf32, #tpu.memory_space<hbm>>) dst(%arg10 : memref<12288xf32, #tpu.memory_space<vmem>>)
      tpu.yield
    }) : () -> ()
    "tpu.region"() ({
      %run_scoped3A = tpu.sem_alloc : memref<!tpu.dma_semaphore, #tpu.memory_space<semaphore_mem>>
      %dma_start3A = arith.constant 0 : i32
      %dma_start3A_34 = tpu.memref_slice %arg2[%add3A_18, %dma_start3A] : memref<64x1024xf32, #tpu.memory_space<hbm>> -> memref<1x1024xf32, #tpu.memory_space<hbm>>
      %dma_start3A_35 = tpu.memref_squeeze %dma_start3A_34 : memref<1x1024xf32, #tpu.memory_space<hbm>> -> memref<1024xf32, #tpu.memory_space<hbm>>
      %dma_start3A_36 = arith.constant 0 : i32
      %dma_start3A_37 = tpu.memref_slice %arg2[%add3A_18, %dma_start3A_36] : memref<64x1024xf32, #tpu.memory_space<hbm>> -> memref<1x1024xf32, #tpu.memory_space<hbm>>
      %dma_start3A_38 = tpu.memref_squeeze %dma_start3A_37 : memref<1x1024xf32, #tpu.memory_space<hbm>> -> memref<1024xf32, #tpu.memory_space<hbm>>
      tpu.enqueue_dma source(%dma_start3A_38 : memref<1024xf32, #tpu.memory_space<hbm>>) target(%arg7 : memref<1024xf32, #tpu.memory_space<vmem>>) target_semaphore(%run_scoped3A : memref<!tpu.dma_semaphore, #tpu.memory_space<semaphore_mem>>)
      %dma_wait3A = arith.constant 0 : i32
      %dma_wait3A_39 = tpu.memref_slice %arg2[%add3A_18, %dma_wait3A] : memref<64x1024xf32, #tpu.memory_space<hbm>> -> memref<1x1024xf32, #tpu.memory_space<hbm>>
      %dma_wait3A_40 = tpu.memref_squeeze %dma_wait3A_39 : memref<1x1024xf32, #tpu.memory_space<hbm>> -> memref<1024xf32, #tpu.memory_space<hbm>>
      %dma_wait3A_41 = arith.constant 0 : i32
      %dma_wait3A_42 = tpu.memref_slice %arg2[%add3A_18, %dma_wait3A_41] : memref<64x1024xf32, #tpu.memory_space<hbm>> -> memref<1x1024xf32, #tpu.memory_space<hbm>>
      %dma_wait3A_43 = tpu.memref_squeeze %dma_wait3A_42 : memref<1x1024xf32, #tpu.memory_space<hbm>> -> memref<1024xf32, #tpu.memory_space<hbm>>
      tpu.wait_dma2 semaphore(%run_scoped3A : memref<!tpu.dma_semaphore, #tpu.memory_space<semaphore_mem>>) src(%dma_wait3A_43 : memref<1024xf32, #tpu.memory_space<hbm>>) dst(%arg7 : memref<1024xf32, #tpu.memory_space<vmem>>)
      tpu.yield
    }) : () -> ()
    %scan3A_19 = arith.constant 0 : i32
    %scan3A_20 = arith.constant 8 : i32
    %scan3A_21 = arith.addi %scan3A_19, %scan3A_20 : i32
    %scan3A_22 = arith.constant 1 : i32
    %scan3A_23 = scf.for %scan3A_34 = %scan3A_19 to %scan3A_21 step %scan3A_22 iter_args(%scan3A_35 = %scan3A_9) -> (vector<16xf32>)  : i32 {
      %mul3A_36 = arith.constant 4 : i32
      %mul3A_37 = arith.muli %scan3A_34, %mul3A_36 : i32
      %mul3A_38 = arith.constant 16 : i32
      %mul3A_39 = arith.muli %mul3A_37, %mul3A_38 : i32
      %get3A = arith.index_cast %mul3A_39 : i32 to index
      %get3A_40 = tpu.vector_load %arg7[%get3A] {strides = array<i32>} : memref<1024xf32, #tpu.memory_space<vmem>>, vector<16xf32>,
      %add3A_41 = arith.constant 1 : i32
      %add3A_42 = arith.addi %mul3A_37, %add3A_41 : i32
      %mul3A_43 = arith.constant 16 : i32
      %mul3A_44 = arith.muli %add3A_42, %mul3A_43 : i32
      %get3A_45 = arith.index_cast %mul3A_44 : i32 to index
      %get3A_46 = tpu.vector_load %arg7[%get3A_45] {strides = array<i32>} : memref<1024xf32, #tpu.memory_space<vmem>>, vector<16xf32>,
      %add3A_47 = arith.constant 2 : i32
      %add3A_48 = arith.addi %mul3A_37, %add3A_47 : i32
      %mul3A_49 = arith.constant 16 : i32
      %mul3A_50 = arith.muli %add3A_48, %mul3A_49 : i32
      %get3A_51 = arith.index_cast %mul3A_50 : i32 to index
      %get3A_52 = tpu.vector_load %arg7[%get3A_51] {strides = array<i32>} : memref<1024xf32, #tpu.memory_space<vmem>>, vector<16xf32>,
      %add3A_53 = arith.constant 3 : i32
      %add3A_54 = arith.addi %mul3A_37, %add3A_53 : i32
      %mul3A_55 = arith.constant 16 : i32
      %mul3A_56 = arith.muli %add3A_54, %mul3A_55 : i32
      %get3A_57 = arith.index_cast %mul3A_56 : i32 to index
      %get3A_58 = tpu.vector_load %arg7[%get3A_57] {strides = array<i32>} : memref<1024xf32, #tpu.memory_space<vmem>>, vector<16xf32>,
      %mul3A_59 = arith.mulf %get3A_40, %get3A_40 : vector<16xf32>
      %mul3A_60 = arith.mulf %get3A_46, %get3A_46 : vector<16xf32>
      %add3A_61 = arith.addf %mul3A_59, %mul3A_60 : vector<16xf32>
      %mul3A_62 = arith.mulf %get3A_52, %get3A_52 : vector<16xf32>
      %add3A_63 = arith.addf %add3A_61, %mul3A_62 : vector<16xf32>
      %add3A_64 = arith.constant 9.99999993E-9 : f32
      %add3A_65 = vector.broadcast %add3A_64 : f32 to vector<16xf32>
      %add3A_66 = arith.addf %add3A_63, %add3A_65 : vector<16xf32>
      %div3A = arith.constant 2.000000e+00 : f32
      %div3A_67 = vector.broadcast %div3A : f32 to vector<16xf32>
      %div3A_68 = arith.divf %div3A_67, %add3A_66 : vector<16xf32>
      %mul3A_69 = arith.mulf %get3A_40, %div3A_68 : vector<16xf32>
      %mul3A_70 = arith.mulf %get3A_46, %div3A_68 : vector<16xf32>
      %mul3A_71 = arith.mulf %get3A_52, %div3A_68 : vector<16xf32>
      %scan3A_72 = arith.constant 0 : i32
      %scan3A_73 = arith.constant 256 : i32
      %scan3A_74 = arith.addi %scan3A_72, %scan3A_73 : i32
      %scan3A_75 = arith.constant 1 : i32
      %scan3A_76 = scf.for %scan3A_78 = %scan3A_72 to %scan3A_74 step %scan3A_75 iter_args(%scan3A_79 = %scan3A_35) -> (vector<16xf32>)  : i32 {
        %mul3A_80 = arith.constant 16 : i32
        %mul3A_81 = arith.muli %scan3A_78, %mul3A_80 : i32
        %get3A_82 = arith.index_cast %mul3A_81 : i32 to index
        %get3A_83 = tpu.vector_load %arg10[%get3A_82] {strides = array<i32>} : memref<12288xf32, #tpu.memory_space<vmem>>, vector<16xf32>,
        %add3A_84 = arith.constant 4096 : i32
        %add3A_85 = arith.addi %add3A_84, %mul3A_81 : i32
        %get3A_86 = arith.index_cast %add3A_85 : i32 to index
        %get3A_87 = tpu.vector_load %arg10[%get3A_86] {strides = array<i32>} : memref<12288xf32, #tpu.memory_space<vmem>>, vector<16xf32>,
        %add3A_88 = arith.constant 8192 : i32
        %add3A_89 = arith.addi %add3A_88, %mul3A_81 : i32
        %get3A_90 = arith.index_cast %add3A_89 : i32 to index
        %get3A_91 = tpu.vector_load %arg10[%get3A_90] {strides = array<i32>} : memref<12288xf32, #tpu.memory_space<vmem>>, vector<16xf32>,
        %mul3A_92 = arith.mulf %get3A_83, %get3A_40 : vector<16xf32>
        %mul3A_93 = arith.mulf %get3A_87, %get3A_46 : vector<16xf32>
        %add3A_94 = arith.addf %mul3A_92, %mul3A_93 : vector<16xf32>
        %mul3A_95 = arith.mulf %get3A_91, %get3A_52 : vector<16xf32>
        %add3A_96 = arith.addf %add3A_94, %mul3A_95 : vector<16xf32>
        %add3A_97 = arith.addf %add3A_96, %get3A_58 : vector<16xf32>
        %mul3A_98 = arith.mulf %add3A_97, %mul3A_69 : vector<16xf32>
        %sub3A = arith.subf %get3A_83, %mul3A_98 : vector<16xf32>
        %mul3A_99 = arith.mulf %add3A_97, %mul3A_70 : vector<16xf32>
        %sub3A_100 = arith.subf %get3A_87, %mul3A_99 : vector<16xf32>
        %mul3A_101 = arith.mulf %add3A_97, %mul3A_71 : vector<16xf32>
        %sub3A_102 = arith.subf %get3A_91, %mul3A_101 : vector<16xf32>
        %mul3A_103 = arith.constant 3.200000e+01 : f32
        %mul3A_104 = vector.broadcast %mul3A_103 : f32 to vector<16xf32>
        %mul3A_105 = arith.mulf %sub3A, %mul3A_104 : vector<16xf32>
        %add3A_106 = arith.constant 1.550000e+01 : f32
        %add3A_107 = vector.broadcast %add3A_106 : f32 to vector<16xf32>
        %add3A_108 = arith.addf %mul3A_105, %add3A_107 : vector<16xf32>
        %max3A = arith.constant 0.000000e+00 : f32
        %max3A_109 = vector.broadcast %max3A : f32 to vector<16xf32>
        %max3A_110 = arith.maximumf %add3A_108, %max3A_109 : vector<16xf32>
        %min3A = arith.constant 3.100000e+01 : f32
        %min3A_111 = vector.broadcast %min3A : f32 to vector<16xf32>
        %min3A_112 = arith.minimumf %max3A_110, %min3A_111 : vector<16xf32>
        %mul3A_113 = arith.constant 3.200000e+01 : f32
        %mul3A_114 = vector.broadcast %mul3A_113 : f32 to vector<16xf32>
        %mul3A_115 = arith.mulf %sub3A_100, %mul3A_114 : vector<16xf32>
        %add3A_116 = arith.constant 1.550000e+01 : f32
        %add3A_117 = vector.broadcast %add3A_116 : f32 to vector<16xf32>
        %add3A_118 = arith.addf %mul3A_115, %add3A_117 : vector<16xf32>
        %max3A_119 = arith.constant 0.000000e+00 : f32
        %max3A_120 = vector.broadcast %max3A_119 : f32 to vector<16xf32>
        %max3A_121 = arith.maximumf %add3A_118, %max3A_120 : vector<16xf32>
        %min3A_122 = arith.constant 3.100000e+01 : f32
        %min3A_123 = vector.broadcast %min3A_122 : f32 to vector<16xf32>
        %min3A_124 = arith.minimumf %max3A_121, %min3A_123 : vector<16xf32>
        %mul3A_125 = arith.constant 3.200000e+01 : f32
        %mul3A_126 = vector.broadcast %mul3A_125 : f32 to vector<16xf32>
        %mul3A_127 = arith.mulf %sub3A_102, %mul3A_126 : vector<16xf32>
        %add3A_128 = arith.constant 1.550000e+01 : f32
        %add3A_129 = vector.broadcast %add3A_128 : f32 to vector<16xf32>
        %add3A_130 = arith.addf %mul3A_127, %add3A_129 : vector<16xf32>
        %max3A_131 = arith.constant 0.000000e+00 : f32
        %max3A_132 = vector.broadcast %max3A_131 : f32 to vector<16xf32>
        %max3A_133 = arith.maximumf %add3A_130, %max3A_132 : vector<16xf32>
        %min3A_134 = arith.constant 3.100000e+01 : f32
        %min3A_135 = vector.broadcast %min3A_134 : f32 to vector<16xf32>
        %min3A_136 = arith.minimumf %max3A_133, %min3A_135 : vector<16xf32>
        %add3A_137 = arith.constant 5.000000e-01 : f32
        %add3A_138 = vector.broadcast %add3A_137 : f32 to vector<16xf32>
        %add3A_139 = arith.addf %min3A_112, %add3A_138 : vector<16xf32>
        %convert_element_type3A = arith.fptosi %add3A_139 : vector<16xf32> to vector<16xi32>
        %add3A_140 = arith.constant 5.000000e-01 : f32
        %add3A_141 = vector.broadcast %add3A_140 : f32 to vector<16xf32>
        %add3A_142 = arith.addf %min3A_124, %add3A_141 : vector<16xf32>
        %convert_element_type3A_143 = arith.fptosi %add3A_142 : vector<16xf32> to vector<16xi32>
        %add3A_144 = arith.constant 5.000000e-01 : f32
        %add3A_145 = vector.broadcast %add3A_144 : f32 to vector<16xf32>
        %add3A_146 = arith.addf %min3A_136, %add3A_145 : vector<16xf32>
        %convert_element_type3A_147 = arith.fptosi %add3A_146 : vector<16xf32> to vector<16xi32>
        %mul3A_148 = arith.constant 1024 : i32
        %mul3A_149 = vector.broadcast %mul3A_148 : i32 to vector<16xi32>
        %mul3A_150 = arith.muli %convert_element_type3A, %mul3A_149 : vector<16xi32>
        %mul3A_151 = arith.constant 32 : i32
        %mul3A_152 = vector.broadcast %mul3A_151 : i32 to vector<16xi32>
        %mul3A_153 = arith.muli %convert_element_type3A_143, %mul3A_152 : vector<16xi32>
        %add3A_154 = arith.addi %mul3A_150, %mul3A_153 : vector<16xi32>
        %add3A_155 = arith.addi %add3A_154, %convert_element_type3A_147 : vector<16xi32>
        %shift_right_arithmetic3A = arith.constant 1 : i32
        %shift_right_arithmetic3A_156 = vector.broadcast %shift_right_arithmetic3A : i32 to vector<16xi32>
        %shift_right_arithmetic3A_157 = arith.shrsi %add3A_155, %shift_right_arithmetic3A_156 : vector<16xi32>
        %gather3A = tpu.vector_load_idx %arg9[%shift_right_arithmetic3A_157] : memref<16384xi32, #tpu.memory_space<vmem>>[vector<16xi32>], vector<16xi32>,
        %and3A = arith.constant 1 : i32
        %and3A_158 = vector.broadcast %and3A : i32 to vector<16xi32>
        %and3A_159 = arith.andi %add3A_155, %and3A_158 : vector<16xi32>
        %mul3A_160 = arith.constant 16 : i32
        %mul3A_161 = vector.broadcast %mul3A_160 : i32 to vector<16xi32>
        %mul3A_162 = arith.muli %and3A_159, %mul3A_161 : vector<16xi32>
        %shift_right_logical3A = arith.shrui %gather3A, %mul3A_162 : vector<16xi32>
        %and3A_163 = arith.constant 65535 : i32
        %and3A_164 = vector.broadcast %and3A_163 : i32 to vector<16xi32>
        %and3A_165 = arith.andi %shift_right_logical3A, %and3A_164 : vector<16xi32>
        %shift_left3A = arith.constant 16 : i32
        %shift_left3A_166 = vector.broadcast %shift_left3A : i32 to vector<16xi32>
        %shift_left3A_167 = arith.shli %and3A_165, %shift_left3A_166 : vector<16xi32>
        %bitcast_convert_type3A = tpu.bitcast %shift_left3A_167 : vector<16xi32> -> vector<16xf32>
        %sub3A_168 = arith.constant 1.000000e+00 : f32
        %sub3A_169 = vector.broadcast %sub3A_168 : f32 to vector<16xf32>
        %sub3A_170 = arith.subf %sub3A_169, %bitcast_convert_type3A : vector<16xf32>
        %mul3A_171 = arith.constant 3 : i32
        %mul3A_172 = vector.broadcast %mul3A_171 : i32 to vector<16xi32>
        %mul3A_173 = arith.muli %add3A_155, %mul3A_172 : vector<16xi32>
        %gather3A_174 = tpu.vector_load_idx %arg8[%mul3A_173] : memref<98304xf32, #tpu.memory_space<vmem>>[vector<16xi32>], vector<16xf32>,
        %add3A_175 = arith.constant 1 : i32
        %add3A_176 = vector.broadcast %add3A_175 : i32 to vector<16xi32>
        %add3A_177 = arith.addi %mul3A_173, %add3A_176 : vector<16xi32>
        %gather3A_178 = tpu.vector_load_idx %arg8[%add3A_177] : memref<98304xf32, #tpu.memory_space<vmem>>[vector<16xi32>], vector<16xf32>,
        %add3A_179 = arith.constant 2 : i32
        %add3A_180 = vector.broadcast %add3A_179 : i32 to vector<16xi32>
        %add3A_181 = arith.addi %mul3A_173, %add3A_180 : vector<16xi32>
        %gather3A_182 = tpu.vector_load_idx %arg8[%add3A_181] : memref<98304xf32, #tpu.memory_space<vmem>>[vector<16xi32>], vector<16xf32>,
        %sub3A_183 = arith.subf %sub3A, %gather3A_174 : vector<16xf32>
        %mul3A_184 = arith.mulf %sub3A_183, %sub3A_170 : vector<16xf32>
        %sub3A_185 = arith.subf %sub3A_100, %gather3A_178 : vector<16xf32>
        %mul3A_186 = arith.mulf %sub3A_185, %sub3A_170 : vector<16xf32>
        %sub3A_187 = arith.subf %sub3A_102, %gather3A_182 : vector<16xf32>
        %mul3A_188 = arith.mulf %sub3A_187, %sub3A_170 : vector<16xf32>
        %mul3A_189 = arith.mulf %mul3A_184, %mul3A_184 : vector<16xf32>
        %mul3A_190 = arith.mulf %mul3A_186, %mul3A_186 : vector<16xf32>
        %add3A_191 = arith.addf %mul3A_189, %mul3A_190 : vector<16xf32>
        %mul3A_192 = arith.mulf %mul3A_188, %mul3A_188 : vector<16xf32>
        %add3A_193 = arith.addf %add3A_191, %mul3A_192 : vector<16xf32>
        %max3A_194 = arith.constant 9.99999996E-13 : f32
        %max3A_195 = vector.broadcast %max3A_194 : f32 to vector<16xf32>
        %max3A_196 = arith.maximumf %add3A_193, %max3A_195 : vector<16xf32>
        %bitcast_convert_type3A_197 = tpu.bitcast %max3A_196 : vector<16xf32> -> vector<16xi32>
        %shift_right_arithmetic3A_198 = arith.constant 1 : i32
        %shift_right_arithmetic3A_199 = vector.broadcast %shift_right_arithmetic3A_198 : i32 to vector<16xi32>
        %shift_right_arithmetic3A_200 = arith.shrsi %bitcast_convert_type3A_197, %shift_right_arithmetic3A_199 : vector<16xi32>
        %sub3A_201 = arith.constant 1597463007 : i32
        %sub3A_202 = vector.broadcast %sub3A_201 : i32 to vector<16xi32>
        %sub3A_203 = arith.subi %sub3A_202, %shift_right_arithmetic3A_200 : vector<16xi32>
        %bitcast_convert_type3A_204 = tpu.bitcast %sub3A_203 : vector<16xi32> -> vector<16xf32>
        %mul3A_205 = arith.constant 5.000000e-01 : f32
        %mul3A_206 = vector.broadcast %mul3A_205 : f32 to vector<16xf32>
        %mul3A_207 = arith.mulf %mul3A_206, %max3A_196 : vector<16xf32>
        %mul3A_208 = arith.mulf %mul3A_207, %bitcast_convert_type3A_204 : vector<16xf32>
        %mul3A_209 = arith.mulf %mul3A_208, %bitcast_convert_type3A_204 : vector<16xf32>
        %sub3A_210 = arith.constant 1.500000e+00 : f32
        %sub3A_211 = vector.broadcast %sub3A_210 : f32 to vector<16xf32>
        %sub3A_212 = arith.subf %sub3A_211, %mul3A_209 : vector<16xf32>
        %mul3A_213 = arith.mulf %bitcast_convert_type3A_204, %sub3A_212 : vector<16xf32>
        %mul3A_214 = arith.constant 5.000000e-01 : f32
        %mul3A_215 = vector.broadcast %mul3A_214 : f32 to vector<16xf32>
        %mul3A_216 = arith.mulf %mul3A_215, %max3A_196 : vector<16xf32>
        %mul3A_217 = arith.mulf %mul3A_216, %mul3A_213 : vector<16xf32>
        %mul3A_218 = arith.mulf %mul3A_217, %mul3A_213 : vector<16xf32>
        %sub3A_219 = arith.constant 1.500000e+00 : f32
        %sub3A_220 = vector.broadcast %sub3A_219 : f32 to vector<16xf32>
        %sub3A_221 = arith.subf %sub3A_220, %mul3A_218 : vector<16xf32>
        %mul3A_222 = arith.mulf %mul3A_213, %sub3A_221 : vector<16xf32>
        %mul3A_223 = arith.constant 5.000000e-01 : f32
        %mul3A_224 = vector.broadcast %mul3A_223 : f32 to vector<16xf32>
        %mul3A_225 = arith.mulf %mul3A_224, %max3A_196 : vector<16xf32>
        %mul3A_226 = arith.mulf %mul3A_225, %mul3A_222 : vector<16xf32>
        %mul3A_227 = arith.mulf %mul3A_226, %mul3A_222 : vector<16xf32>
        %sub3A_228 = arith.constant 1.500000e+00 : f32
        %sub3A_229 = vector.broadcast %sub3A_228 : f32 to vector<16xf32>
        %sub3A_230 = arith.subf %sub3A_229, %mul3A_227 : vector<16xf32>
        %mul3A_231 = arith.mulf %mul3A_222, %sub3A_230 : vector<16xf32>
        %mul3A_232 = arith.mulf %add3A_193, %mul3A_231 : vector<16xf32>
        %add3A_233 = arith.addf %scan3A_79, %mul3A_232 : vector<16xf32>
        scf.yield %add3A_233 : vector<16xf32>
      }
      %scan3A_77 = arith.constant 256 : i32
      scf.yield %scan3A_76 : vector<16xf32>
    }
    %scan3A_24 = arith.constant 8 : i32
    %scan3A_25 = arith.constant 0 : i32
    %scan3A_26 = arith.constant 8 : i32
    %scan3A_27 = arith.addi %scan3A_25, %scan3A_26 : i32
    %scan3A_28 = arith.constant 1 : i32
    %scan3A_29 = scf.for %scan3A_34 = %scan3A_25 to %scan3A_27 step %scan3A_28 iter_args(%scan3A_35 = %scan3A_15) -> (vector<16xf32>)  : i32 {
      %mul3A_36 = arith.constant 4 : i32
      %mul3A_37 = arith.muli %scan3A_34, %mul3A_36 : i32
      %add3A_38 = arith.constant 32 : i32
      %add3A_39 = arith.addi %add3A_38, %mul3A_37 : i32
      %mul3A_40 = arith.constant 16 : i32
      %mul3A_41 = arith.muli %add3A_39, %mul3A_40 : i32
      %get3A = arith.index_cast %mul3A_41 : i32 to index
      %get3A_42 = tpu.vector_load %arg7[%get3A] {strides = array<i32>} : memref<1024xf32, #tpu.memory_space<vmem>>, vector<16xf32>,
      %add3A_43 = arith.constant 1 : i32
      %add3A_44 = arith.addi %add3A_39, %add3A_43 : i32
      %mul3A_45 = arith.constant 16 : i32
      %mul3A_46 = arith.muli %add3A_44, %mul3A_45 : i32
      %get3A_47 = arith.index_cast %mul3A_46 : i32 to index
      %get3A_48 = tpu.vector_load %arg7[%get3A_47] {strides = array<i32>} : memref<1024xf32, #tpu.memory_space<vmem>>, vector<16xf32>,
      %add3A_49 = arith.constant 2 : i32
      %add3A_50 = arith.addi %add3A_39, %add3A_49 : i32
      %mul3A_51 = arith.constant 16 : i32
      %mul3A_52 = arith.muli %add3A_50, %mul3A_51 : i32
      %get3A_53 = arith.index_cast %mul3A_52 : i32 to index
      %get3A_54 = tpu.vector_load %arg7[%get3A_53] {strides = array<i32>} : memref<1024xf32, #tpu.memory_space<vmem>>, vector<16xf32>,
      %add3A_55 = arith.constant 3 : i32
      %add3A_56 = arith.addi %add3A_39, %add3A_55 : i32
      %mul3A_57 = arith.constant 16 : i32
      %mul3A_58 = arith.muli %add3A_56, %mul3A_57 : i32
      %get3A_59 = arith.index_cast %mul3A_58 : i32 to index
      %get3A_60 = tpu.vector_load %arg7[%get3A_59] {strides = array<i32>} : memref<1024xf32, #tpu.memory_space<vmem>>, vector<16xf32>,
      %mul3A_61 = arith.mulf %get3A_42, %get3A_42 : vector<16xf32>
      %mul3A_62 = arith.mulf %get3A_48, %get3A_48 : vector<16xf32>
      %mul3A_63 = arith.mulf %get3A_54, %get3A_54 : vector<16xf32>
      %add3A_64 = arith.addf %mul3A_62, %mul3A_63 : vector<16xf32>
      %mul3A_65 = arith.mulf %get3A_60, %get3A_60 : vector<16xf32>
      %add3A_66 = arith.addf %add3A_64, %mul3A_65 : vector<16xf32>
      %sub3A = arith.subf %mul3A_61, %add3A_66 : vector<16xf32>
      %mul3A_67 = arith.constant 2.000000e+00 : f32
      %mul3A_68 = vector.broadcast %mul3A_67 : f32 to vector<16xf32>
      %mul3A_69 = arith.mulf %mul3A_68, %get3A_42 : vector<16xf32>
      %scan3A_70 = arith.constant 0 : i32
      %scan3A_71 = arith.constant 256 : i32
      %scan3A_72 = arith.addi %scan3A_70, %scan3A_71 : i32
      %scan3A_73 = arith.constant 1 : i32
      %scan3A_74 = scf.for %scan3A_76 = %scan3A_70 to %scan3A_72 step %scan3A_73 iter_args(%scan3A_77 = %scan3A_35) -> (vector<16xf32>)  : i32 {
        %mul3A_78 = arith.constant 16 : i32
        %mul3A_79 = arith.muli %scan3A_76, %mul3A_78 : i32
        %get3A_80 = arith.index_cast %mul3A_79 : i32 to index
        %get3A_81 = tpu.vector_load %arg10[%get3A_80] {strides = array<i32>} : memref<12288xf32, #tpu.memory_space<vmem>>, vector<16xf32>,
        %add3A_82 = arith.constant 4096 : i32
        %add3A_83 = arith.addi %add3A_82, %mul3A_79 : i32
        %get3A_84 = arith.index_cast %add3A_83 : i32 to index
        %get3A_85 = tpu.vector_load %arg10[%get3A_84] {strides = array<i32>} : memref<12288xf32, #tpu.memory_space<vmem>>, vector<16xf32>,
        %add3A_86 = arith.constant 8192 : i32
        %add3A_87 = arith.addi %add3A_86, %mul3A_79 : i32
        %get3A_88 = arith.index_cast %add3A_87 : i32 to index
        %get3A_89 = tpu.vector_load %arg10[%get3A_88] {strides = array<i32>} : memref<12288xf32, #tpu.memory_space<vmem>>, vector<16xf32>,
        %mul3A_90 = arith.mulf %get3A_81, %get3A_48 : vector<16xf32>
        %mul3A_91 = arith.mulf %get3A_85, %get3A_54 : vector<16xf32>
        %add3A_92 = arith.addf %mul3A_90, %mul3A_91 : vector<16xf32>
        %mul3A_93 = arith.mulf %get3A_89, %get3A_60 : vector<16xf32>
        %add3A_94 = arith.addf %add3A_92, %mul3A_93 : vector<16xf32>
        %mul3A_95 = arith.constant 2.000000e+00 : f32
        %mul3A_96 = vector.broadcast %mul3A_95 : f32 to vector<16xf32>
        %mul3A_97 = arith.mulf %mul3A_96, %add3A_94 : vector<16xf32>
        %mul3A_98 = arith.mulf %get3A_54, %get3A_89 : vector<16xf32>
        %mul3A_99 = arith.mulf %get3A_60, %get3A_85 : vector<16xf32>
        %sub3A_100 = arith.subf %mul3A_98, %mul3A_99 : vector<16xf32>
        %mul3A_101 = arith.mulf %get3A_60, %get3A_81 : vector<16xf32>
        %mul3A_102 = arith.mulf %get3A_48, %get3A_89 : vector<16xf32>
        %sub3A_103 = arith.subf %mul3A_101, %mul3A_102 : vector<16xf32>
        %mul3A_104 = arith.mulf %get3A_48, %get3A_85 : vector<16xf32>
        %mul3A_105 = arith.mulf %get3A_54, %get3A_81 : vector<16xf32>
        %sub3A_106 = arith.subf %mul3A_104, %mul3A_105 : vector<16xf32>
        %mul3A_107 = arith.mulf %sub3A, %get3A_81 : vector<16xf32>
        %mul3A_108 = arith.mulf %mul3A_97, %get3A_48 : vector<16xf32>
        %add3A_109 = arith.addf %mul3A_107, %mul3A_108 : vector<16xf32>
        %mul3A_110 = arith.mulf %mul3A_69, %sub3A_100 : vector<16xf32>
        %add3A_111 = arith.addf %add3A_109, %mul3A_110 : vector<16xf32>
        %mul3A_112 = arith.mulf %sub3A, %get3A_85 : vector<16xf32>
        %mul3A_113 = arith.mulf %mul3A_97, %get3A_54 : vector<16xf32>
        %add3A_114 = arith.addf %mul3A_112, %mul3A_113 : vector<16xf32>
        %mul3A_115 = arith.mulf %mul3A_69, %sub3A_103 : vector<16xf32>
        %add3A_116 = arith.addf %add3A_114, %mul3A_115 : vector<16xf32>
        %mul3A_117 = arith.mulf %sub3A, %get3A_89 : vector<16xf32>
        %mul3A_118 = arith.mulf %mul3A_97, %get3A_60 : vector<16xf32>
        %add3A_119 = arith.addf %mul3A_117, %mul3A_118 : vector<16xf32>
        %mul3A_120 = arith.mulf %mul3A_69, %sub3A_106 : vector<16xf32>
        %add3A_121 = arith.addf %add3A_119, %mul3A_120 : vector<16xf32>
        %mul3A_122 = arith.constant 3.200000e+01 : f32
        %mul3A_123 = vector.broadcast %mul3A_122 : f32 to vector<16xf32>
        %mul3A_124 = arith.mulf %add3A_111, %mul3A_123 : vector<16xf32>
        %add3A_125 = arith.constant 1.550000e+01 : f32
        %add3A_126 = vector.broadcast %add3A_125 : f32 to vector<16xf32>
        %add3A_127 = arith.addf %mul3A_124, %add3A_126 : vector<16xf32>
        %max3A = arith.constant 0.000000e+00 : f32
        %max3A_128 = vector.broadcast %max3A : f32 to vector<16xf32>
        %max3A_129 = arith.maximumf %add3A_127, %max3A_128 : vector<16xf32>
        %min3A = arith.constant 3.100000e+01 : f32
        %min3A_130 = vector.broadcast %min3A : f32 to vector<16xf32>
        %min3A_131 = arith.minimumf %max3A_129, %min3A_130 : vector<16xf32>
        %mul3A_132 = arith.constant 3.200000e+01 : f32
        %mul3A_133 = vector.broadcast %mul3A_132 : f32 to vector<16xf32>
        %mul3A_134 = arith.mulf %add3A_116, %mul3A_133 : vector<16xf32>
        %add3A_135 = arith.constant 1.550000e+01 : f32
        %add3A_136 = vector.broadcast %add3A_135 : f32 to vector<16xf32>
        %add3A_137 = arith.addf %mul3A_134, %add3A_136 : vector<16xf32>
        %max3A_138 = arith.constant 0.000000e+00 : f32
        %max3A_139 = vector.broadcast %max3A_138 : f32 to vector<16xf32>
        %max3A_140 = arith.maximumf %add3A_137, %max3A_139 : vector<16xf32>
        %min3A_141 = arith.constant 3.100000e+01 : f32
        %min3A_142 = vector.broadcast %min3A_141 : f32 to vector<16xf32>
        %min3A_143 = arith.minimumf %max3A_140, %min3A_142 : vector<16xf32>
        %mul3A_144 = arith.constant 3.200000e+01 : f32
        %mul3A_145 = vector.broadcast %mul3A_144 : f32 to vector<16xf32>
        %mul3A_146 = arith.mulf %add3A_121, %mul3A_145 : vector<16xf32>
        %add3A_147 = arith.constant 1.550000e+01 : f32
        %add3A_148 = vector.broadcast %add3A_147 : f32 to vector<16xf32>
        %add3A_149 = arith.addf %mul3A_146, %add3A_148 : vector<16xf32>
        %max3A_150 = arith.constant 0.000000e+00 : f32
        %max3A_151 = vector.broadcast %max3A_150 : f32 to vector<16xf32>
        %max3A_152 = arith.maximumf %add3A_149, %max3A_151 : vector<16xf32>
        %min3A_153 = arith.constant 3.100000e+01 : f32
        %min3A_154 = vector.broadcast %min3A_153 : f32 to vector<16xf32>
        %min3A_155 = arith.minimumf %max3A_152, %min3A_154 : vector<16xf32>
        %add3A_156 = arith.constant 5.000000e-01 : f32
        %add3A_157 = vector.broadcast %add3A_156 : f32 to vector<16xf32>
        %add3A_158 = arith.addf %min3A_131, %add3A_157 : vector<16xf32>
        %convert_element_type3A = arith.fptosi %add3A_158 : vector<16xf32> to vector<16xi32>
        %add3A_159 = arith.constant 5.000000e-01 : f32
        %add3A_160 = vector.broadcast %add3A_159 : f32 to vector<16xf32>
        %add3A_161 = arith.addf %min3A_143, %add3A_160 : vector<16xf32>
        %convert_element_type3A_162 = arith.fptosi %add3A_161 : vector<16xf32> to vector<16xi32>
        %add3A_163 = arith.constant 5.000000e-01 : f32
        %add3A_164 = vector.broadcast %add3A_163 : f32 to vector<16xf32>
        %add3A_165 = arith.addf %min3A_155, %add3A_164 : vector<16xf32>
        %convert_element_type3A_166 = arith.fptosi %add3A_165 : vector<16xf32> to vector<16xi32>
        %mul3A_167 = arith.constant 1024 : i32
        %mul3A_168 = vector.broadcast %mul3A_167 : i32 to vector<16xi32>
        %mul3A_169 = arith.muli %convert_element_type3A, %mul3A_168 : vector<16xi32>
        %mul3A_170 = arith.constant 32 : i32
        %mul3A_171 = vector.broadcast %mul3A_170 : i32 to vector<16xi32>
        %mul3A_172 = arith.muli %convert_element_type3A_162, %mul3A_171 : vector<16xi32>
        %add3A_173 = arith.addi %mul3A_169, %mul3A_172 : vector<16xi32>
        %add3A_174 = arith.addi %add3A_173, %convert_element_type3A_166 : vector<16xi32>
        %shift_right_arithmetic3A = arith.constant 1 : i32
        %shift_right_arithmetic3A_175 = vector.broadcast %shift_right_arithmetic3A : i32 to vector<16xi32>
        %shift_right_arithmetic3A_176 = arith.shrsi %add3A_174, %shift_right_arithmetic3A_175 : vector<16xi32>
        %gather3A = tpu.vector_load_idx %arg9[%shift_right_arithmetic3A_176] : memref<16384xi32, #tpu.memory_space<vmem>>[vector<16xi32>], vector<16xi32>,
        %and3A = arith.constant 1 : i32
        %and3A_177 = vector.broadcast %and3A : i32 to vector<16xi32>
        %and3A_178 = arith.andi %add3A_174, %and3A_177 : vector<16xi32>
        %mul3A_179 = arith.constant 16 : i32
        %mul3A_180 = vector.broadcast %mul3A_179 : i32 to vector<16xi32>
        %mul3A_181 = arith.muli %and3A_178, %mul3A_180 : vector<16xi32>
        %shift_right_logical3A = arith.shrui %gather3A, %mul3A_181 : vector<16xi32>
        %and3A_182 = arith.constant 65535 : i32
        %and3A_183 = vector.broadcast %and3A_182 : i32 to vector<16xi32>
        %and3A_184 = arith.andi %shift_right_logical3A, %and3A_183 : vector<16xi32>
        %shift_left3A = arith.constant 16 : i32
        %shift_left3A_185 = vector.broadcast %shift_left3A : i32 to vector<16xi32>
        %shift_left3A_186 = arith.shli %and3A_184, %shift_left3A_185 : vector<16xi32>
        %bitcast_convert_type3A = tpu.bitcast %shift_left3A_186 : vector<16xi32> -> vector<16xf32>
        %sub3A_187 = arith.constant 1.000000e+00 : f32
        %sub3A_188 = vector.broadcast %sub3A_187 : f32 to vector<16xf32>
        %sub3A_189 = arith.subf %sub3A_188, %bitcast_convert_type3A : vector<16xf32>
        %mul3A_190 = arith.constant 3 : i32
        %mul3A_191 = vector.broadcast %mul3A_190 : i32 to vector<16xi32>
        %mul3A_192 = arith.muli %add3A_174, %mul3A_191 : vector<16xi32>
        %gather3A_193 = tpu.vector_load_idx %arg8[%mul3A_192] : memref<98304xf32, #tpu.memory_space<vmem>>[vector<16xi32>], vector<16xf32>,
        %add3A_194 = arith.constant 1 : i32
        %add3A_195 = vector.broadcast %add3A_194 : i32 to vector<16xi32>
        %add3A_196 = arith.addi %mul3A_192, %add3A_195 : vector<16xi32>
        %gather3A_197 = tpu.vector_load_idx %arg8[%add3A_196] : memref<98304xf32, #tpu.memory_space<vmem>>[vector<16xi32>], vector<16xf32>,
        %add3A_198 = arith.constant 2 : i32
        %add3A_199 = vector.broadcast %add3A_198 : i32 to vector<16xi32>
        %add3A_200 = arith.addi %mul3A_192, %add3A_199 : vector<16xi32>
        %gather3A_201 = tpu.vector_load_idx %arg8[%add3A_200] : memref<98304xf32, #tpu.memory_space<vmem>>[vector<16xi32>], vector<16xf32>,
        %sub3A_202 = arith.subf %add3A_111, %gather3A_193 : vector<16xf32>
        %mul3A_203 = arith.mulf %sub3A_202, %sub3A_189 : vector<16xf32>
        %sub3A_204 = arith.subf %add3A_116, %gather3A_197 : vector<16xf32>
        %mul3A_205 = arith.mulf %sub3A_204, %sub3A_189 : vector<16xf32>
        %sub3A_206 = arith.subf %add3A_121, %gather3A_201 : vector<16xf32>
        %mul3A_207 = arith.mulf %sub3A_206, %sub3A_189 : vector<16xf32>
        %mul3A_208 = arith.mulf %mul3A_203, %mul3A_203 : vector<16xf32>
        %mul3A_209 = arith.mulf %mul3A_205, %mul3A_205 : vector<16xf32>
        %add3A_210 = arith.addf %mul3A_208, %mul3A_209 : vector<16xf32>
        %mul3A_211 = arith.mulf %mul3A_207, %mul3A_207 : vector<16xf32>
        %add3A_212 = arith.addf %add3A_210, %mul3A_211 : vector<16xf32>
        %max3A_213 = arith.constant 9.99999996E-13 : f32
        %max3A_214 = vector.broadcast %max3A_213 : f32 to vector<16xf32>
        %max3A_215 = arith.maximumf %add3A_212, %max3A_214 : vector<16xf32>
        %bitcast_convert_type3A_216 = tpu.bitcast %max3A_215 : vector<16xf32> -> vector<16xi32>
        %shift_right_arithmetic3A_217 = arith.constant 1 : i32
        %shift_right_arithmetic3A_218 = vector.broadcast %shift_right_arithmetic3A_217 : i32 to vector<16xi32>
        %shift_right_arithmetic3A_219 = arith.shrsi %bitcast_convert_type3A_216, %shift_right_arithmetic3A_218 : vector<16xi32>
        %sub3A_220 = arith.constant 1597463007 : i32
        %sub3A_221 = vector.broadcast %sub3A_220 : i32 to vector<16xi32>
        %sub3A_222 = arith.subi %sub3A_221, %shift_right_arithmetic3A_219 : vector<16xi32>
        %bitcast_convert_type3A_223 = tpu.bitcast %sub3A_222 : vector<16xi32> -> vector<16xf32>
        %mul3A_224 = arith.constant 5.000000e-01 : f32
        %mul3A_225 = vector.broadcast %mul3A_224 : f32 to vector<16xf32>
        %mul3A_226 = arith.mulf %mul3A_225, %max3A_215 : vector<16xf32>
        %mul3A_227 = arith.mulf %mul3A_226, %bitcast_convert_type3A_223 : vector<16xf32>
        %mul3A_228 = arith.mulf %mul3A_227, %bitcast_convert_type3A_223 : vector<16xf32>
        %sub3A_229 = arith.constant 1.500000e+00 : f32
        %sub3A_230 = vector.broadcast %sub3A_229 : f32 to vector<16xf32>
        %sub3A_231 = arith.subf %sub3A_230, %mul3A_228 : vector<16xf32>
        %mul3A_232 = arith.mulf %bitcast_convert_type3A_223, %sub3A_231 : vector<16xf32>
        %mul3A_233 = arith.constant 5.000000e-01 : f32
        %mul3A_234 = vector.broadcast %mul3A_233 : f32 to vector<16xf32>
        %mul3A_235 = arith.mulf %mul3A_234, %max3A_215 : vector<16xf32>
        %mul3A_236 = arith.mulf %mul3A_235, %mul3A_232 : vector<16xf32>
        %mul3A_237 = arith.mulf %mul3A_236, %mul3A_232 : vector<16xf32>
        %sub3A_238 = arith.constant 1.500000e+00 : f32
        %sub3A_239 = vector.broadcast %sub3A_238 : f32 to vector<16xf32>
        %sub3A_240 = arith.subf %sub3A_239, %mul3A_237 : vector<16xf32>
        %mul3A_241 = arith.mulf %mul3A_232, %sub3A_240 : vector<16xf32>
        %mul3A_242 = arith.constant 5.000000e-01 : f32
        %mul3A_243 = vector.broadcast %mul3A_242 : f32 to vector<16xf32>
        %mul3A_244 = arith.mulf %mul3A_243, %max3A_215 : vector<16xf32>
        %mul3A_245 = arith.mulf %mul3A_244, %mul3A_241 : vector<16xf32>
        %mul3A_246 = arith.mulf %mul3A_245, %mul3A_241 : vector<16xf32>
        %sub3A_247 = arith.constant 1.500000e+00 : f32
        %sub3A_248 = vector.broadcast %sub3A_247 : f32 to vector<16xf32>
        %sub3A_249 = arith.subf %sub3A_248, %mul3A_246 : vector<16xf32>
        %mul3A_250 = arith.mulf %mul3A_241, %sub3A_249 : vector<16xf32>
        %mul3A_251 = arith.mulf %add3A_212, %mul3A_250 : vector<16xf32>
        %add3A_252 = arith.addf %scan3A_77, %mul3A_251 : vector<16xf32>
        scf.yield %add3A_252 : vector<16xf32>
      }
      %scan3A_75 = arith.constant 256 : i32
      scf.yield %scan3A_74 : vector<16xf32>
    }
    %scan3A_30 = arith.constant 8 : i32
    %swap3A = arith.constant 0 : index
    %swap3A_31 = tpu.vector_load %arg11[%swap3A] {strides = array<i32>} : memref<32xf32, #tpu.memory_space<vmem>>, vector<16xf32>,
    tpu.vector_store %arg11[%swap3A], %scan3A_23 {strides = array<i32>} : memref<32xf32, #tpu.memory_space<vmem>>, vector<16xf32>,
    %swap3A_32 = arith.constant 16 : index
    %swap3A_33 = tpu.vector_load %arg11[%swap3A_32] {strides = array<i32>} : memref<32xf32, #tpu.memory_space<vmem>>, vector<16xf32>,
    tpu.vector_store %arg11[%swap3A_32], %scan3A_29 {strides = array<i32>} : memref<32xf32, #tpu.memory_space<vmem>>, vector<16xf32>,
    "tpu.region"() ({
      %run_scoped3A = tpu.sem_alloc : memref<!tpu.dma_semaphore, #tpu.memory_space<semaphore_mem>>
      %dma_start3A = arith.constant 0 : i32
      %dma_start3A_34 = tpu.memref_slice %arg6[%add3A, %dma_start3A] : memref<32x32xf32, #tpu.memory_space<hbm>> -> memref<1x32xf32, #tpu.memory_space<hbm>>
      %dma_start3A_35 = tpu.memref_squeeze %dma_start3A_34 : memref<1x32xf32, #tpu.memory_space<hbm>> -> memref<32xf32, #tpu.memory_space<hbm>>
      %dma_start3A_36 = arith.constant 0 : i32
      %dma_start3A_37 = tpu.memref_slice %arg6[%add3A, %dma_start3A_36] : memref<32x32xf32, #tpu.memory_space<hbm>> -> memref<1x32xf32, #tpu.memory_space<hbm>>
      %dma_start3A_38 = tpu.memref_squeeze %dma_start3A_37 : memref<1x32xf32, #tpu.memory_space<hbm>> -> memref<32xf32, #tpu.memory_space<hbm>>
      tpu.enqueue_dma source(%arg11 : memref<32xf32, #tpu.memory_space<vmem>>) target(%dma_start3A_38 : memref<32xf32, #tpu.memory_space<hbm>>) target_semaphore(%run_scoped3A : memref<!tpu.dma_semaphore, #tpu.memory_space<semaphore_mem>>)
      %dma_wait3A = arith.constant 0 : i32
      %dma_wait3A_39 = tpu.memref_slice %arg6[%add3A, %dma_wait3A] : memref<32x32xf32, #tpu.memory_space<hbm>> -> memref<1x32xf32, #tpu.memory_space<hbm>>
      %dma_wait3A_40 = tpu.memref_squeeze %dma_wait3A_39 : memref<1x32xf32, #tpu.memory_space<hbm>> -> memref<32xf32, #tpu.memory_space<hbm>>
      %dma_wait3A_41 = arith.constant 0 : i32
      %dma_wait3A_42 = tpu.memref_slice %arg6[%add3A, %dma_wait3A_41] : memref<32x32xf32, #tpu.memory_space<hbm>> -> memref<1x32xf32, #tpu.memory_space<hbm>>
      %dma_wait3A_43 = tpu.memref_squeeze %dma_wait3A_42 : memref<1x32xf32, #tpu.memory_space<hbm>> -> memref<32xf32, #tpu.memory_space<hbm>>
      tpu.wait_dma2 semaphore(%run_scoped3A : memref<!tpu.dma_semaphore, #tpu.memory_space<semaphore_mem>>) src(%arg11 : memref<32xf32, #tpu.memory_space<vmem>>) dst(%dma_wait3A_43 : memref<32xf32, #tpu.memory_space<hbm>>)
      tpu.yield
    }) : () -> ()
    return
  }
}

</mosaic_0001>

<sc_bundles>
// kernel: kernel.3.cloned.1.call-start
scs
__scs_entry_jumppad:
0x0: {  	(pc) =	sbr.rel $0x88, $3  }
0x1: {  	(tag) =	ssettag $0x0;
	lr =	simm.s32 $0x1  }
0x2: {  	[smem:$0x3F9C] =	sst lr;
	_ =	strace $0xD0000000  }
0x3: {  	_ = 	snop  }
0x4: {  	_ = 	snop  }
0x5: {  	_ = 	snop  }
0x6: {  	_ = 	snop  }
0x7: {  	_ = 	snop  }
__scs_overlays_trampoline_lowered:
0x8: {  	[smem:$0x3FAB] =	sst s0  }
0x9: {  	[smem:$0x3FAC] =	sst s1  }
0xa: {  	[smem:$0x3FAD] =	sst s2  }
0xb: {  	[smem:$0x3FAE] =	sst s3  }
0xc: {  	[smem:$0x3FAF] =	sst s4  }
0xd: {  	[smem:$0x3FB0] =	sst s5  }
0xe: {  	[smem:$0x3FB1] =	sst s6  }
0xf: {  	[smem:$0x3FB2] =	sst s7  }
0x10: {  	[smem:$0x3FB3] =	sst s8  }
0x11: {  	[smem:$0x3FB4] =	sst s9;
	s0 =	simm.s32 @!p0 $0x0  }
0x12: {  	s1 =	sld [smem:$0x3F9A];
	s0 =	simm.s32 @p0 $0x1  }
0x13: {  	[smem:$0x3FB5] =	sst s0;
	s0 =	simm.s32 @!p1 $0x0  }
0x14: {  	s2 =	sld [smem:$0x3F99];
	s0 =	simm.s32 @p1 $0x1  }
0x15: {  	[smem:$0x3FB6] =	sst s0;
	s0 =	simm.s32 @!p2 $0x0  }
0x16: {  	s3 =	sld [smem:$0x3FDB];
	s0 =	simm.s32 @p2 $0x1  }
0x17: {  	s4 =	simm.s32 $0x1BF5;
	[smem:$0x3FB8] =	sst s0  }
0x18: {  	s0 =	sld [smem:$0x3F9B];
	_ =	swait.ge [sflag:s4], $0x0  }
0x19: {  	s7 =	sld [smem:$0x3F9C]  }
0x1a: {  	s8 =	sadd.s32 $0xFFFFE003, lr  }
0x1b: {  	s9 =	sadd.s32 $0xFFFFFEF7, lr;
	s5 =	simm.s32 $0xFFFFFFFF;
	p2 =	slt.u32 s8, $0xFFFFF086  }
0x1c: {  	p1 =	slt.u32 s9, $0xF7A;
	s5 =	simm.s32 @!p2 $0x0  }
0x1d: {  	s5 =	simm.s32 @p1 $0x1;
	p0 =	seq.s32 s7, s2  }
0x1e: {  	s7 =	smul.u32 @!p0 $0xF7A, s2;
	p2 =	seq.s32 @!p0 s5, $0x0  }
0x1f: {  	s9 =	smul.u32 $0xF7A, s1;
	s8 =	simm.s32 @!p0 $0x1BF5;
	p2 =	por !p2, p0  }
0x20: {  	[sflag:s8] =	ssyncset.s32 @!p0 $0xFFFFF086;
	s6 =	sadd.s32 @!p0 s3, s7;
	s7 =	simm.s32 @!p0 $0x108  }
0x21: {  	s3 =	sadd.s32 s3, s9;
	s6 =	sadd.s32 @!p0 $0x88, s6;
	s7 =	simm.s32 @p2 $0x1082  }
0x22: {  	[simem:s7], [sflag:s8] =	dma.local @!p0 [hbm:s6], $0xF7A  }
0x23: {  	s9 =	sor.u32 $0xD0000000, s2;
	s6 =	simm.s32 $0x108;
	_ =	swait.ge @!p0 [sflag:s8], $0x0  }
0x24: {  	s3 =	sadd.s32 $0x88, s3;
	s6 =	simm.s32 @!p1 $0x1082;
	[sflag:s4] =	ssyncset.s32 $0xFFFFF086  }
0x25: {  	[simem:s6], [sflag:s4] =	dma.local [hbm:s3], $0xF7A  }
0x26: {  	[smem:$0x3F9C] =	sst s1;
	(tag) =	ssettag s2;
	_ =	strace s9  }
0x27: {  	s1 =	sld [smem:$0x3FAC]  }
0x28: {  	s2 =	sld [smem:$0x3FAD]  }
0x29: {  	s4 =	sld [smem:$0x3FAF]  }
0x2a: {  	p0 =	seq.s32 s5, $0x0;
	s5 =	sld [smem:$0x3FB0]  }
0x2b: {  	s6 =	sld [smem:$0x3FB1]  }
0x2c: {  	s7 =	sld [smem:$0x3FB2]  }
0x2d: {  	s3 =	simm.s32 $0x108;
	s8 =	sld [smem:$0x3FB3]  }
0x2e: {  	s3 =	simm.s32 @!p0 $0x1082;
	s9 =	sld [smem:$0x3FB4]  }
0x2f: {  	lr =	sadd.s32 s0, s3;
	s0 =	sld [smem:$0x3FAB]  }
0x30: {  	s3 =	sld [smem:$0x3FAE]  }
0x31: {  	[smem:$0x3FB7] =	sst s10  }
0x32: {  	s10 =	sld [smem:$0x3FB5];
	_ =	sdelay $0x3  }
0x33: {  	p0 =	seq.s32 s10, $0x1;
	s10 =	sld [smem:$0x3FB7];
	_ =	sdelay $0x3  }
0x34: {  	[smem:$0x3FB7] =	sst s10  }
0x35: {  	s10 =	sld [smem:$0x3FB6];
	_ =	sdelay $0x3  }
0x36: {  	p1 =	seq.s32 s10, $0x1;
	s10 =	sld [smem:$0x3FB7];
	_ =	sdelay $0x3  }
0x37: {  	[smem:$0x3FB7] =	sst s10  }
0x38: {  	s10 =	sld [smem:$0x3FB8]  }
0x39: {  	_ = 	snop;
	(pc) =	sbr.ind lr, $3  }
0x3a: {  	_ = 	snop  }
0x3b: {  	_ = 	snop  }
0x3c: {  	p2 =	seq.s32 s10, $0x1;
	s10 =	sld [smem:$0x3FB7]  }
0x3d: {  	_ =	shalt  }
0x3e: {  	_ =	shalt  }
0x3f: {  	_ =	shalt  }
0x40: {  	_ =	shalt  }
0x41: {  	_ =	shalt  }
0x42: {  	_ =	shalt  }
0x43: {  	_ =	shalt  }
0x44: {  	_ =	shalt  }
0x45: {  	_ =	shalt  }
0x46: {  	_ =	shalt  }
0x47: {  	_ =	shalt  }
0x48: {  	_ =	shalt  }
0x49: {  	_ =	shalt  }
0x4a: {  	_ =	shalt  }
0x4b: {  	_ =	shalt  }
0x4c: {  	_ =	shalt  }
0x4d: {  	_ =	shalt  }
0x4e: {  	_ =	shalt  }
0x4f: {  	_ =	shalt  }
0x50: {  	_ =	shalt  }
0x51: {  	_ =	shalt  }
0x52: {  	_ =	shalt  }
0x53: {  	_ =	shalt  }
0x54: {  	_ =	shalt  }
0x55: {  	_ =	shalt  }
0x56: {  	_ =	shalt  }
0x57: {  	_ =	shalt  }
0x58: {  	_ =	shalt  }
0x59: {  	_ =	shalt  }
0x5a: {  	_ =	shalt  }
0x5b: {  	_ =	shalt  }
0x5c: {  	_ =	shalt  }
0x5d: {  	_ =	shalt  }
0x5e: {  	_ =	shalt  }
0x5f: {  	_ =	shalt  }
0x60: {  	_ =	shalt  }
0x61: {  	_ =	shalt  }
0x62: {  	_ =	shalt  }
0x63: {  	_ =	shalt  }
0x64: {  	_ =	shalt  }
0x65: {  	_ =	shalt  }
0x66: {  	_ =	shalt  }
0x67: {  	_ =	shalt  }
0x68: {  	_ =	shalt  }
0x69: {  	_ =	shalt  }
0x6a: {  	_ =	shalt  }
0x6b: {  	_ =	shalt  }
0x6c: {  	_ =	shalt  }
0x6d: {  	_ =	shalt  }
0x6e: {  	_ =	shalt  }
0x6f: {  	_ =	shalt  }
0x70: {  	_ =	shalt  }
0x71: {  	_ =	shalt  }
0x72: {  	_ =	shalt  }
0x73: {  	_ =	shalt  }
0x74: {  	_ =	shalt  }
0x75: {  	_ =	shalt  }
0x76: {  	_ =	shalt  }
0x77: {  	_ =	shalt  }
0x78: {  	_ =	shalt  }
0x79: {  	_ =	shalt  }
0x7a: {  	_ =	shalt  }
0x7b: {  	_ =	shalt  }
0x7c: {  	_ =	shalt  }
0x7d: {  	_ =	shalt  }
0x7e: {  	_ =	shalt  }
0x7f: {  	_ =	shalt  }
0x80: {  	_ =	shalt  }
0x81: {  	_ =	shalt  }
0x82: {  	_ =	shalt  }
0x83: {  	_ =	shalt  }
0x84: {  	_ =	shalt  }
0x85: {  	_ =	shalt  }
0x86: {  	_ =	shalt  }
0x87: {  	_ =	shalt  }
.Lfunc_end0:
.L_simem_size_0:
called_computation_lowered:
.L_overlay_start_0:
0x88: {  	s2 =	sld [smem:$0x3FD9]  }
0x89: {  	s3 =	sld [smem:$0x3FFE];
	_ =	sdelay $0x1  }
0x8a: {  	s1 =	srdreg.scid  }
0x8b: {  	s0 =	sand.u32 $0x1, s1  }
0x8c: {  	s16 =	sshll.u32 s0, $0xA;
	s2 =	sadd.s32 s3, s2  }
0x8d: {  	s2 =	sadd.s32 s2, s16  }
0x8e: {  	[smem:$0x3FC3] =	sst s2  }
0x8f: {  	_ = 	snop  }
0x90: {  	(tm) =	ssettm $0x1  }
0x91: {  	s17 =	sld [smem:$0x3FFB];
	_ =	sdelay $0x3  }
0x92: {  	_ =	strace s17  }
0x93: {  	s2 =	sld [smem:$0x3FFC];
	_ =	sdelay $0x3  }
0x94: {  	_ =	strace s2  }
0x95: {  	s2 =	sld [smem:$0x3FFD];
	_ =	sdelay $0x3  }
0x96: {  	_ =	strace s2  }
0x97: {  	_ =	strace $0x8FFFFFFF  }
0x98: {  	s18 =	sld [smem:$0x3FDB];
	_ =	sdelay $0x1  }
0x99: {  	s19 =	simm.s32 $_scs_section_size  }
0x9a: {  	s4 =	simm.s32 $_size__tile_overlayer_lowered;
	s5 =	simm.s32 $_tile_overlayer_lowered  }
0x9b: {  	s22 =	simm.s32 $0x1BFF;
	s21 =	sshll.u32 s5, $0x1;
	s2 =	sadd.s32 s19, s18  }
0x9c: {  	s6 =	simm.s32 $0x0;
	s20 =	sshll.u32 s4, $0x1;
	s4 =	sadd.s32 s21, s2  }
0x9d: {  	[timem:s6], [sflag:s22] =	dma.local [hbm:s4], s20  }
0x9e: {  	_ =	swait.ge [sflag:s22], s20  }
0x9f: {  	s3 =	ssub.s32 $0x0, s20;
	[sflag:s22] =	ssyncset.done $0x0  }
0xa0: {  	[sflag:s22] =	ssyncadd.s32 s3;
	_ =	sdelay $0x1  }
0xa1: {  	s23 =	simm.s32 $0x1B8B  }
0xa2: {  	_ =	swait.ge [sflag:s23], $0x1  }
0xa3: {  	[sflag:s23] =	ssyncset.done $0x0  }
0xa4: {  	s25 =	simm.s32 $0x1B8E;
	s24 =	sld [smem:$0x3FFE];
	[sflag:s23] =	ssyncadd.s32 $0xFFFFFFFF  }
0xa5: {  	s26 =	simm.s32 $execute0_lowered;
	[smem:$0x3FD2] =	sst s25  }
0xa6: {  	s4 =	sshll.u32 s26, $0x1;
	_ =	strace $0x80000046;
	[dreg:$0x1] =	wrdreg $0xFFFFFFFF  }
0xa7: {  	s28 =	simm.s32 $_size_execute0_lowered;
	s2 =	sadd.s32 s2, s4;
	[dreg:$0x0] =	wrdreg $0x0  }
0xa8: {  	s4 =	sshll.u32 s28, $0x1;
	[dreg:$0x2] =	wrdreg s2  }
0xa9: {  	[dreg:$0x3] =	wrdreg s4  }
0xaa: {  	[dreg:$0x4] =	wrdreg $0xC0  }
0xab: {  	_ =	task [dreg:s6], $0x5FFFF  }
0xac: {  	[dreg:$0x1] =	wrdreg $0xFFFFFFFF  }
0xad: {  	[dreg:$0x0] =	wrdreg $0x60  }
0xae: {  	[dreg:$0x2] =	wrdreg s24  }
0xaf: {  	[dreg:$0x3] =	wrdreg $0x9  }
0xb0: {  	_ =	task.clear_ibuf [dreg:s6], $0x4FFFF;
	_ =	strace $0x90000046  }
0xb1: {  	s29 =	simm.s32 $0x9;
	_ =	strace $0x80000048  }
0xb2: {  	_ =	swait.ge [sflag:s29], $0x1  }
0xb3: {  	[sflag:s29] =	ssyncadd.s32 $0xFFFFFFFF  }
0xb4: {  	_ =	strace $0x90000048  }
0xb5: {  	_ =	sfence  }
0xb6: {  	s30 =	sld [smem:$0x0];
	_ =	sdelay $0x2  }
0xb7: {  	s31 =	sshll.u32 s1, $0xD;
	s1 =	sshrl.u32 s1, $0x2  }
0xb8: {  	s3 =	sand.u32 $0x4000, s31;
	s1 =	sadd.s32 s1, s30  }
0xb9: {  	s0 =	sor.u32 s3, s0;
	s1 =	sshll.u32 s1, $0x11  }
0xba: {  	s0 =	sor.u32 s1, s0  }
0xbb: {  	s0 =	sadd.s32 $0x8F2B, s0  }
0xbc: {  	[sflag:s0] =	ssyncadd.remote.s32 $0x1  }
0xbd: {  	_ =	sfence.sel $0xFFFF  }
0xbe: {  	[dreg:$0x0] =	wrdreg $0xFFFFFFFF;
	(pc) =	sbr.abs _section_cstart, $3  }
0xbf: {  	[dreg:$0x1] =	wrdreg $0xFFFFFFFF  }
0xc0: {  	_ =	task.clear_ibuf [dreg:s6], $0x2FFFF;
	_ =	strace $0x9FFFFFFF  }
0xc1: {  	(tm) =	ssettm $0x7FFFFFFF  }
tec
execute0_lowered:
.L_overlay_start_1:
0x0: {  	(tag) =	ssettag $0x1  }
0x1: {  	s3 =	rddreg [dreg:$0x0]  }
0x2: {  	s0 =	rddreg [dreg:$0x1];
	s2 =	simm.s32 $0x0  }
0x3: {  	s4 =	srdreg.scid;
	s1 =	stileid.u32;
	s17 =	simm.s32 $0x1C400  }
0x4: {  	s18 =	simm.s32 $0x1F400;
	s19 =	simm.s32 $0x0;
	[smem:$0x7FF] =	sst s2  }
0x5: {  	s4 =	sand.u32 $0x1, s4;
	s5 =	sshll.u32 s1, $0x8;
	s6 =	sshrl.u32 s1, $0x2  }
0x6: {  	s10 =	sadd.s32 $0xF8C00, s3;
	s21 =	sadd.s32 $0xC00, s3;
	s9 =	sadd.s32 $0xC0C00, s3  }
0x7: {  	s12 =	sadd.s32 $0xE0C00, s3;
	_ =	strace $0x80000047;
	s7 =	sshll.u32 s4, $0x7  }
0x8: {  	s5 =	sand.u32 $0x300, s5;
	s20 =	sshll.u32 s6, $0xA;
	s11 =	smul.u32 $0xC0000, s6  }
0x9: {  	s4 =	ssub.s32 $0x2, s4;
	s25 =	smul.u32 $0x18000, s6;
	s26 =	sor.u32 $0x4, s6  }
0xa: {  	s24 =	sshll.u32 s6, $0x11;
	s6 =	sshll.u32 s6, $0xD;
	s15 =	smul.u32 $0xC0000, s26  }
0xb: {  	s8 =	sor.u32 s7, s5;
	s22 =	sshrl.u32 s4, $0x1;
	s16 =	smul.u32 $0x18000, s26  }
0xc: {  	s28 =	sshll.u32 s26, $0x11;
	s5 =	sor.u32 s20, s8;
	s14 =	ssub.s32 s4, s22  }
0xd: {  	s23 =	sor.u32 s11, s8;
	s4 =	sor.u32 s24, s8;
	s6 =	sor.u32 s6, s8  }
0xe: {  	s11 =	sshll.u32 s26, $0xD;
	s5 =	sshrl.u32 s5, $0x3;
	s4 =	sshrl.u32 s4, $0x3  }
0xf: {  	s6 =	sshrl.u32 s6, $0x3;
	s15 =	sor.u32 s8, s15;
	s16 =	sor.u32 s8, s16  }
0x10: {  	s13 =	sadd.s32 s5, s3;
	s3 =	sshrl.u32 s23, $0x3;
	s5 =	sor.u32 s25, s8  }
0x11: {  	s4 =	sadd.s32 s9, s4;
	s6 =	sadd.s32 s10, s6;
	s15 =	sshrl.u32 s15, $0x3  }
0x12: {  	s30 =	sshrl.u32 s16, $0x3;
	s16 =	simm.s32 $0x18400;
	s3 =	sadd.s32 s21, s3  }
0x13: {  	s5 =	sshrl.u32 s5, $0x3;
	s7 =	sadd.s32 s21, s15;
	s15 =	sor.u32 s8, s28  }
0x14: {  	s8 =	sor.u32 s8, s11;
	s11 =	sadd.s32 $0xFAC00, s13;
	s13 =	simm.s32 $0x80  }
0x15: {  	s5 =	sadd.s32 s12, s5;
	s29 =	sshrl.u32 s15, $0x3;
	s31 =	sshrl.u32 s8, $0x3  }
0x16: {  	s15 =	simm.s32 $0x1;
	s8 =	sadd.s32 s9, s29;
	s9 =	sadd.s32 s12, s30  }
0x17: {  	s10 =	sadd.s32 s10, s31;
	s12 =	smax.u32 s14, $0x1;
	s14 =	simm.s32 $0x400  }
.LBB2_1:
0x18: {  	[tilespmem:s14], [sflag:$0x1] =	stream.strided.gather [hbm4b:s3+s13], $0x18000, s14, s13, $0x38;
	[tilespmem:$0x1F480] =	vst v63  }
0x19: {  	_ =	swait.ge [sflag:s15], $0x18000  }
0x1a: {  	[sflag:s15] =	ssyncset.done $0x0  }
0x1b: {  	[sflag:s15] =	ssyncadd.s32 $0xFFFE8000  }
0x1c: {  	[tilespmem:s16], [sflag:$0x1] =	stream.strided.gather [hbm4b:s4+s13], $0x4000, s14, s13, $0x38;
	[tilespmem:$0x1F480] =	vst v63  }
0x1d: {  	_ =	swait.ge [sflag:s15], $0x4000  }
0x1e: {  	[sflag:s15] =	ssyncset.done $0x0  }
0x1f: {  	[sflag:s15] =	ssyncadd.s32 $0xFFFFC000  }
0x20: {  	[tilespmem:s17], [sflag:$0x1] =	stream.strided.gather [hbm4b:s5+s13], $0x3000, s14, s13, $0x38;
	[tilespmem:$0x1F480] =	vst v63  }
0x21: {  	_ =	swait.ge [sflag:s15], $0x3000  }
0x22: {  	[sflag:s15] =	ssyncset.done $0x0  }
0x23: {  	[sflag:s15] =	ssyncadd.s32 $0xFFFFD000  }
0x24: {  	[tilespmem:s2], [sflag:$0x1] =	stream.strided.gather [hbm4b:s6+s13], $0x400, s14, s13, $0x38;
	[tilespmem:$0x1F480] =	vst v63  }
0x25: {  	_ =	swait.ge [sflag:s15], $0x400  }
0x26: {  	[sflag:s15] =	ssyncset.done $0x0  }
0x27: {  	v0 =	vimm.f32 $0.0e+00;
	s20 =	simm.s32 $0x0;
	[sflag:s15] =	ssyncadd.s32 $0xFFFFFC00  }
.LBB2_2:
0x28: {  	s21 =	sshll.u32 s20, $0x6  }
0x29: {  	s21 =	sand.u32 $0x3FFFFFC0, s21  }
0x2a: {  	v1 =	vld [tilespmem:s21+$0x0]  }
0x2b: {  	v2 =	vld [tilespmem:s21+$0x10];
	_ =	sdelay $0x1  }
0x2c: {  	v3 =	vld [tilespmem:s21+$0x20];
	_ =	sdelay $0x2  }
0x2d: {  	v4 =	vmul.f32 v1, v1;
	v5 =	vmul.f32 v2, v2;
	_ =	sdelay $0x1  }
0x2e: {  	v4 =	vadd.f32 v5, v4;
	v5 =	vmul.f32 v3, v3;
	_ =	sdelay $0x1  }
0x2f: {  	v4 =	vadd.f32 v5, v4;
	_ =	sdelay $0x1  }
0x30: {  	v4 =	vadd.f32 $9.999999930e-09, v4  }
0x31: {  	s22 =	simm.s32 $0x0;
	s23 =	simm.s32 $0x1C400  }
0x32: {  	v8 =	vld [tilespmem:s23+$0x0];
	s22 =	sand.u32 $0xFF0, s22;
	(erf) = vrcp.f32 v4  }
0x33: {  	v7 =	vld [tilespmem:s22+$0x1D400];
	_ =	sdelay $0x1  }
0x34: {  	v9 =	vld [tilespmem:s22+$0x1E400];
	_ =	sdelay $0x2  }
0x35: {  	v6 =	vmul.f32 v7, v2;
	v5 =	vmul.f32 v8, v1  }
0x36: {  	v4 =	vld [tilespmem:s21+$0x30]  }
0x37: {  	v5 =	vadd.f32 v6, v5;
	v6 =	vmul.f32 v9, v3  }
0x38: {  	v10 =	vpop (erf)  }
0x39: {  	s30 =	simm.s32 $0x10;
	s31 =	simm.s32 $0x1C410;
	v6 =	vadd.f32 v6, v5;
	v10 =	vadd.f32 v10, v10  }
0x3a: {  	v11 =	vld [tilespmem:s31+$0x0];
	s21 =	sand.u32 $0xFF0, s30  }
0x3b: {  	v14 =	vld [tilespmem:s21+$0x1D400];
	v12 =	vadd.f32 v6, v4;
	v5 =	vmul.f32 v10, v2  }
0x3c: {  	v6 =	vmul.f32 v10, v3  }
0x3d: {  	v15 =	vld [tilespmem:s21+$0x1E400];
	v13 =	vmul.f32 v12, v5  }
0x3e: {  	v16 =	vmul.f32 v12, v6  }
0x3f: {  	s24 =	simm.s32 $0x1C420;
	v19 =	vsub.f32 v7, v13  }
0x40: {  	s23 =	simm.s32 $0x20;
	v20 =	vld [tilespmem:s24+$0x0];
	v13 =	vsub.f32 v9, v16;
	v9 =	vmul.f32 v11, v1;
	v16 =	vmul.f32 v14, v2  }
0x41: {  	s21 =	sand.u32 $0xFF0, s23;
	v7 =	vmul.f32 v10, v1  }
0x42: {  	v21 =	vld [tilespmem:s21+$0x1D400];
	v10 =	vmul.f32 $3.200000000e+01, v19;
	v9 =	vadd.f32 v16, v9;
	v16 =	vmul.f32 v15, v3  }
0x43: {  	v17 =	vmul.f32 $3.200000000e+01, v13  }
0x44: {  	v12 =	vmul.f32 v12, v7;
	v10 =	vadd.f32 $1.550000000e+01, v10;
	v9 =	vadd.f32 v16, v9  }
0x45: {  	v23 =	vmul.f32 v20, v1;
	v17 =	vadd.f32 $1.550000000e+01, v17  }
0x46: {  	v12 =	vsub.f32 v8, v12;
	v8 =	vmax.f32 v10, $0.0e+00;
	v9 =	vadd.f32 v9, v4  }
0x47: {  	v24 =	vmul.f32 v21, v2;
	v10 =	vmax.f32 v17, $0.0e+00;
	v8 =	vmin.f32 v8, $3.100000000e+01  }
0x48: {  	v16 =	vmul.f32 $3.200000000e+01, v12;
	v8 =	vadd.f32 $5.000000000e-01, v8;
	v17 =	vmul.f32 v9, v5  }
0x49: {  	v23 =	vadd.f32 v24, v23;
	v10 =	vmin.f32 v10, $3.100000000e+01;
	v18 =	vmul.f32 v9, v6  }
0x4a: {  	s25 =	simm.s32 $0x30;
	v16 =	vadd.f32 $1.550000000e+01, v16;
	v22 =	vtrunc.f32 v8;
	v8 =	vsub.f32 v14, v17  }
0x4b: {  	v10 =	vadd.f32 $5.000000000e-01, v10;
	v18 =	vsub.f32 v15, v18;
	v15 =	vld [tilespmem:s21+$0x1E400];
	s21 =	sand.u32 $0xFF0, s25  }
0x4c: {  	v9 =	vmul.f32 v9, v7;
	v16 =	vmax.f32 v16, $0.0e+00;
	v26 =	vld [tilespmem:s21+$0x1D400];
	v17 =	vmul.f32 $3.200000000e+01, v8  }
0x4d: {  	v14 =	vcvt.f32.s32 v22;
	v16 =	vmin.f32 v16, $3.100000000e+01;
	v22 =	vmul.f32 $3.200000000e+01, v18  }
0x4e: {  	v10 =	vtrunc.f32 v10;
	v16 =	vadd.f32 $5.000000000e-01, v16;
	v17 =	vadd.f32 $1.550000000e+01, v17  }
0x4f: {  	v10 =	vcvt.f32.s32 v10;
	v14 =	vshll.u32 v14, $0x5;
	v22 =	vadd.f32 $1.550000000e+01, v22  }
0x50: {  	v25 =	vtrunc.f32 v16;
	v24 =	vmul.f32 v15, v3;
	v16 =	vmax.f32 v17, $0.0e+00  }
0x51: {  	v29 =	vmul.f32 v26, v2;
	v17 =	vmin.f32 v16, $3.100000000e+01;
	v16 =	vsub.f32 v11, v9  }
0x52: {  	v9 =	vadd.f32 v24, v23;
	v11 =	vadd.s32 v10, v14;
	v23 =	vcvt.f32.s32 v25  }
0x53: {  	v14 =	vmax.f32 v22, $0.0e+00;
	v10 =	vshll.u32 v10, $0x4;
	v17 =	vadd.f32 $5.000000000e-01, v17  }
0x54: {  	v22 =	vmul.f32 $3.200000000e+01, v16;
	v9 =	vadd.f32 v9, v4;
	v23 =	vshll.u32 v23, $0xA  }
0x55: {  	s26 =	simm.s32 $0x1C430;
	v14 =	vmin.f32 v14, $3.100000000e+01;
	v17 =	vtrunc.f32 v17;
	v11 =	vadd.s32 v23, v11  }
0x56: {  	v24 =	vld [tilespmem:s26+$0x0];
	v25 =	vcvt.f32.s32 v17;
	v17 =	vadd.f32 $1.550000000e+01, v22;
	v22 =	vmul.f32 v9, v5  }
0x57: {  	v27 =	vand.u32 $0x10, v10;
	v28 =	vadd.f32 $5.000000000e-01, v14;
	v23 =	vmul.u32 $0x3, v11  }
0x58: {  	v10 =	vmul.f32 v9, v6;
	v11 =	vshra.s32 v11, $0x1;
	v14 =	vsub.f32 v21, v22;
	v21 =	vld [tilespmem:s21+$0x1E400]  }
0x59: {  	v9 =	vmul.f32 v9, v7;
	v17 =	vmax.f32 v17, $0.0e+00;
	v31 =	vadd.s32 $0x1, v23  }
0x5a: {  	v22 =	vmin.f32 v17, $3.100000000e+01;
	v17 =	vsub.f32 v15, v10;
	v10 =	vtrunc.f32 v28  }
0x5b: {  	v25 =	vshll.u32 v25, $0x5;
	v28 =	vmul.f32 v24, v1;
	v15 =	vmul.f32 $3.200000000e+01, v14  }
0x5c: {  	v22 =	vadd.f32 $5.000000000e-01, v22;
	v10 =	vcvt.f32.s32 v10;
	v30 =	vmul.f32 $3.200000000e+01, v17  }
0x5d: {  	s28 =	simm.s32 $0x40;
	v28 =	vadd.f32 v29, v28;
	v32 =	vld.idx.msk [tilespmem:v11+s16+$0x0], $0xffff;
	v11 =	vsub.f32 v20, v9;
	v29 =	vmul.f32 v21, v3  }
0x5e: {  	s21 =	sand.u32 $0xFF0, s28;
	v15 =	vadd.f32 $1.550000000e+01, v15;
	v22 =	vtrunc.f32 v22;
	v25 =	vadd.s32 v10, v25  }
0x5f: {  	v48 =	vld [tilespmem:s21+$0x1E400];
	v10 =	vshll.u32 v10, $0x4;
	v30 =	vadd.f32 $1.550000000e+01, v30;
	v28 =	vadd.f32 v29, v28  }
0x60: {  	v9 =	vld.idx.msk [tilespmem:v31+s14+$0x0], $0xffff;
	v22 =	vcvt.f32.s32 v22;
	v31 =	vmul.f32 $3.200000000e+01, v11;
	v29 =	vadd.s32 $0x2, v23  }
0x61: {  	v33 =	vand.u32 $0x10, v10;
	v15 =	vmax.f32 v15, $0.0e+00;
	v28 =	vadd.f32 v28, v4  }
0x62: {  	v15 =	vmin.f32 v15, $3.100000000e+01;
	v30 =	vmax.f32 v30, $0.0e+00;
	v22 =	vshll.u32 v22, $0xA  }
0x63: {  	v15 =	vadd.f32 $5.000000000e-01, v15;
	v20 =	vmin.f32 v30, $3.100000000e+01;
	v30 =	vmul.f32 v28, v5  }
0x64: {  	v49 =	vmul.f32 v48, v3;
	v23 =	vld.idx.msk [tilespmem:v23+s14+$0x0], $0xffff;
	v22 =	vadd.s32 v22, v25;
	v27 =	vshrl.u32 v32, v27  }
0x65: {  	v20 =	vadd.f32 $5.000000000e-01, v20;
	v15 =	vtrunc.f32 v15;
	v29 =	vld.idx.msk [tilespmem:v29+s14+$0x0], $0xffff;
	v10 =	vsub.f32 v26, v30  }
0x66: {  	v15 =	vcvt.f32.s32 v15;
	v25 =	vmul.f32 v28, v6;
	v26 =	vadd.f32 $1.550000000e+01, v31  }
0x67: {  	v19 =	vsub.f32 v19, v9;
	v20 =	vtrunc.f32 v20;
	v30 =	vmul.f32 $3.200000000e+01, v10  }
0x68: {  	v20 =	vcvt.f32.s32 v20;
	v9 =	vsub.f32 v21, v25;
	v26 =	vmax.f32 v26, $0.0e+00  }
0x69: {  	s29 =	simm.s32 $0x1C440;
	v12 =	vsub.f32 v12, v23;
	v21 =	vmin.f32 v26, $3.100000000e+01;
	v26 =	vadd.f32 $1.550000000e+01, v30  }
0x6a: {  	v25 =	vshll.u32 v27, $0x10;
	v27 =	vmul.f32 $3.200000000e+01, v9;
	v13 =	vsub.f32 v13, v29;
	v29 =	vld [tilespmem:s29+$0x0]  }
0x6b: {  	v15 =	vshll.u32 v15, $0x5;
	v31 =	vmul.u32 $0x3, v22;
	v30 =	vld [tilespmem:s21+$0x1D400];
	v26 =	vmax.f32 v26, $0.0e+00  }
0x6c: {  	v21 =	vadd.f32 $5.000000000e-01, v21;
	v27 =	vadd.f32 $1.550000000e+01, v27;
	v26 =	vmin.f32 v26, $3.100000000e+01  }
0x6d: {  	v22 =	vshra.s32 v22, $0x1;
	v34 =	vadd.s32 v20, v15;
	v26 =	vadd.f32 $5.000000000e-01, v26  }
0x6e: {  	v25 =	vsub.f32 $1.000000000e+00, v25;
	v21 =	vtrunc.f32 v21;
	v15 =	vmax.f32 v27, $0.0e+00  }
0x6f: {  	v27 =	vmin.f32 v15, $3.100000000e+01;
	v15 =	vtrunc.f32 v26;
	v26 =	vadd.s32 $0x1, v31  }
0x70: {  	v20 =	vshll.u32 v20, $0x4;
	v35 =	vmul.f32 v29, v1;
	v36 =	vmul.f32 v30, v2  }
0x71: {  	v23 =	vadd.s32 $0x2, v31;
	v19 =	vmul.f32 v25, v19;
	v21 =	vcvt.f32.s32 v21  }
0x72: {  	v37 =	vcvt.f32.s32 v15;
	v15 =	vmul.f32 v28, v7;
	v28 =	vadd.f32 v36, v35  }
0x73: {  	s30 =	simm.s32 $0x50;
	v12 =	vmul.f32 v25, v12;
	v22 =	vld.idx.msk [tilespmem:v22+s16+$0x0], $0xffff;
	v13 =	vmul.f32 v25, v13;
	v21 =	vshll.u32 v21, $0xA  }
0x74: {  	s21 =	sand.u32 $0xFF0, s30;
	v21 =	vadd.s32 v21, v34;
	v15 =	vsub.f32 v24, v15;
	v25 =	vadd.f32 v49, v28;
	v24 =	vld.idx.msk [tilespmem:v26+s14+$0x0], $0xffff  }
0x75: {  	v12 =	vmul.f32 v12, v12;
	v54 =	vld [tilespmem:s21+$0x1D400];
	v53 =	vmul.u32 $0x3, v21;
	v21 =	vshra.s32 v21, $0x1  }
0x76: {  	v26 =	vmul.f32 v13, v13;
	v13 =	vmul.f32 $3.200000000e+01, v15;
	v25 =	vadd.f32 v25, v4  }
0x77: {  	v19 =	vmul.f32 v19, v19;
	v27 =	vadd.f32 $5.000000000e-01, v27;
	v28 =	vand.u32 $0x10, v20;
	v20 =	vld.idx.msk [tilespmem:v23+s14+$0x0], $0xffff  }
0x78: {  	v22 =	vshrl.u32 v22, v33;
	v13 =	vadd.f32 $1.550000000e+01, v13;
	v23 =	vmul.f32 v25, v5  }
0x79: {  	v24 =	vsub.f32 v8, v24;
	v8 =	vadd.f32 v19, v12;
	v12 =	vmul.f32 v25, v6  }
0x7a: {  	v40 =	vmul.f32 v54, v2;
	v21 =	vld.idx.msk [tilespmem:v21+s16+$0x0], $0xffff;
	v19 =	vmax.f32 v13, $0.0e+00;
	v13 =	vsub.f32 v30, v23  }
0x7b: {  	v50 =	vshll.u32 v37, $0x5;
	v57 =	vadd.s32 $0x1, v53;
	v12 =	vsub.f32 v48, v12  }
0x7c: {  	v18 =	vsub.f32 v18, v20;
	v23 =	vshll.u32 v22, $0x10;
	v20 =	vmul.f32 $3.200000000e+01, v13  }
0x7d: {  	v22 =	vtrunc.f32 v27;
	v19 =	vmin.f32 v19, $3.100000000e+01;
	v27 =	vmul.f32 $3.200000000e+01, v12  }
0x7e: {  	v51 =	vcvt.f32.s32 v22;
	v23 =	vsub.f32 $1.000000000e+00, v23;
	v20 =	vadd.f32 $1.550000000e+01, v20  }
0x7f: {  	v21 =	vshrl.u32 v21, v28;
	v8 =	vadd.f32 v8, v26;
	v22 =	vadd.f32 $1.550000000e+01, v27  }
0x80: {  	s31 =	simm.s32 $0x1C450;
	v26 =	vadd.f32 $5.000000000e-01, v19;
	v24 =	vmul.f32 v23, v24;
	v27 =	vld.idx.msk [tilespmem:v31+s14+$0x0], $0xffff;
	v20 =	vmax.f32 v20, $0.0e+00  }
0x81: {  	v30 =	vmax.f32 v8, $9.999999960e-13;
	v20 =	vmin.f32 v20, $3.100000000e+01;
	v52 =	vmax.f32 v22, $0.0e+00;
	v22 =	vld [tilespmem:s31+$0x0]  }
0x82: {  	v19 =	vmul.f32 $5.000000000e-01, v30;
	v30 =	vshra.s32 v30, $0x1;
	v20 =	vadd.f32 $5.000000000e-01, v20  }
0x83: {  	v38 =	vld [tilespmem:s21+$0x1E400];
	v18 =	vmul.f32 v23, v18;
	v26 =	vtrunc.f32 v26;
	v30 =	vsub.s32 $0x5F3759DF, v30  }
0x84: {  	v33 =	vshll.u32 v51, $0x4;
	v56 =	vmul.f32 v30, v19;
	v20 =	vtrunc.f32 v20  }
0x85: {  	v39 =	vcvt.f32.s32 v20;
	v20 =	vmul.f32 v25, v7;
	v16 =	vsub.f32 v16, v27  }
0x86: {  	v18 =	vmul.f32 v18, v18;
	v27 =	vadd.s32 $0x2, v53;
	v25 =	vmul.f32 v22, v1  }
0x87: {  	v32 =	vmul.f32 v30, v56;
	v23 =	vmul.f32 v23, v16;
	v16 =	vsub.f32 v29, v20  }
0x88: {  	v37 =	vld.idx.msk [tilespmem:v57+s14+$0x0], $0xffff;
	v20 =	vcvt.f32.s32 v26;
	v26 =	vmul.f32 v38, v3;
	v25 =	vadd.f32 v40, v25  }
0x89: {  	v24 =	vmul.f32 v24, v24;
	v31 =	vadd.s32 v51, v50;
	v32 =	vsub.f32 $1.500000000e+00, v32  }
0x8a: {  	v55 =	vmin.f32 v52, $3.100000000e+01;
	v29 =	vmul.f32 $3.200000000e+01, v16;
	v25 =	vadd.f32 v26, v25  }
0x8b: {  	v32 =	vmul.f32 v30, v32;
	v61 =	vshll.u32 v39, $0x5;
	v23 =	vmul.f32 v23, v23;
	v27 =	vld.idx.msk [tilespmem:v27+s14+$0x0], $0xffff  }
0x8c: {  	v58 =	vshll.u32 v20, $0xA;
	v59 =	vadd.f32 $1.550000000e+01, v29;
	v26 =	vadd.f32 v25, v4  }
0x8d: {  	v20 =	vand.u32 $0x10, v33;
	v25 =	vsub.f32 v14, v37;
	v14 =	vadd.f32 v24, v23  }
0x8e: {  	v29 =	vadd.s32 v58, v31;
	v31 =	vadd.f32 $5.000000000e-01, v55;
	v23 =	vmul.f32 v26, v5  }
0x8f: {  	v28 =	vmax.f32 v59, $0.0e+00;
	v30 =	vmul.f32 v26, v6;
	v14 =	vadd.f32 v14, v18  }
0x90: {  	v24 =	vmin.f32 v28, $3.100000000e+01;
	v28 =	vsub.f32 v17, v27;
	v18 =	vsub.f32 v54, v23  }
0x91: {  	v27 =	vmul.f32 v32, v19;
	v17 =	vsub.f32 v38, v30;
	v23 =	vtrunc.f32 v31  }
0x92: {  	v33 =	vshll.u32 v21, $0x10;
	v34 =	vcvt.f32.s32 v23;
	v30 =	vmul.f32 $3.200000000e+01, v18  }
0x93: {  	v60 =	vmax.f32 v14, $9.999999960e-13;
	v23 =	vmul.f32 v27, v32;
	v31 =	vmul.f32 $3.200000000e+01, v17  }
0x94: {  	v24 =	vadd.f32 $5.000000000e-01, v24;
	v21 =	vmul.f32 $5.000000000e-01, v60;
	v30 =	vadd.f32 $1.550000000e+01, v30  }
0x95: {  	v27 =	vadd.s32 v34, v61;
	v35 =	vsub.f32 $1.500000000e+00, v23;
	v62 =	vadd.f32 $1.550000000e+01, v31  }
0x96: {  	v31 =	vtrunc.f32 v24;
	v24 =	vshra.s32 v60, $0x1;
	v30 =	vmax.f32 v30, $0.0e+00  }
0x97: {  	v23 =	vsub.s32 $0x5F3759DF, v24;
	v63 =	vmin.f32 v30, $3.100000000e+01;
	v30 =	vmax.f32 v62, $0.0e+00  }
0x98: {  	s22 =	simm.s32 $0x1C460;
	s21 =	simm.s32 $0x60;
	v24 =	vld.idx.msk [tilespmem:v53+s14+$0x0], $0xffff;
	v37 =	vmul.f32 v23, v21;
	v30 =	vmin.f32 v30, $3.100000000e+01;
	v36 =	vadd.f32 $5.000000000e-01, v63  }
.LBB2_3:
0x99: {  	v38 =	vld [tilespmem:s22+$0x0];
	s23 =	sand.u32 $0xFF0, s21;
	p0 =	sne.s32 s21, $0xFF0;
	s21 =	sadd.s32 $0x10, s21;
	v39 =	vshra.s32 v29, $0x1;
	v29 =	vmul.u32 $0x3, v29;
	v32 =	vmul.f32 v35, v32  }
0x9a: {  	v33 =	vsub.f32 $1.000000000e+00, v33;
	v35 =	vld [tilespmem:s23+$0x1D400];
	v36 =	vtrunc.f32 v36;
	v37 =	vmul.f32 v23, v37  }
0x9b: {  	v34 =	vshll.u32 v34, $0x4;
	v40 =	vadd.s32 $0x1, v29;
	v41 =	vmul.f32 v32, v19;
	v19 =	vmovc v21  }
0x9c: {  	v36 =	vcvt.f32.s32 v36;
	v25 =	vmul.f32 v33, v25;
	v21 =	vld [tilespmem:s23+$0x1E400];
	v37 =	vsub.f32 $1.500000000e+00, v37  }
0x9d: {  	v26 =	vmul.f32 v26, v7;
	v42 =	vsub.f32 v11, v24;
	v11 =	vmovc v15;
	v41 =	vmul.f32 v41, v32  }
0x9e: {  	v15 =	vmovc v16;
	v44 =	vadd.s32 $0x2, v29;
	v28 =	vmul.f32 v33, v28;
	v43 =	vmul.f32 v38, v1;
	v39 =	vld.idx.msk [tilespmem:v39+s16+$0x0], $0xffff  }
0x9f: {  	v45 =	vmul.f32 v35, v2;
	v24 =	vld.idx.msk [tilespmem:v29+s14+$0x0], $0xffff;
	v29 =	vmul.f32 v33, v42;
	v33 =	vsub.f32 $1.500000000e+00, v41  }
0xa0: {  	v16 =	vsub.f32 v22, v26;
	v26 =	vcvt.f32.s32 v31;
	v28 =	vmul.f32 v28, v28;
	v22 =	vmovc v38;
	v31 =	vld.idx.msk [tilespmem:v40+s14+$0x0], $0xffff  }
0xa1: {  	v38 =	vadd.f32 v45, v43;
	v40 =	vmul.f32 v21, v3;
	v32 =	vmul.f32 v33, v32  }
0xa2: {  	v26 =	vshll.u32 v26, $0xA;
	v33 =	vmul.f32 $3.200000000e+01, v16;
	v41 =	vmul.f32 v29, v29  }
0xa3: {  	v34 =	vand.u32 $0x10, v34;
	v38 =	vadd.f32 v40, v38;
	v40 =	vld.idx.msk [tilespmem:v44+s14+$0x0], $0xffff;
	v32 =	vmul.f32 v32, v8;
	v8 =	vmovc v14  }
0xa4: {  	v29 =	vadd.s32 v26, v27;
	v27 =	vmul.f32 v25, v25;
	v14 =	vadd.f32 $1.550000000e+01, v33  }
0xa5: {  	v33 =	vshrl.u32 v39, v20;
	v20 =	vmovc v34;
	v26 =	vadd.f32 v38, v4;
	v0 =	vadd.f32 v32, v0  }
0xa6: {  	v27 =	vadd.f32 v27, v41;
	v14 =	vmax.f32 v14, $0.0e+00;
	v25 =	vsub.f32 v10, v31;
	v10 =	vmovc v13;
	v13 =	vmovc v18  }
0xa7: {  	v32 =	vmul.f32 v23, v37;
	v31 =	vmin.f32 v14, $3.100000000e+01;
	v18 =	vmul.f32 v26, v5  }
0xa8: {  	v30 =	vadd.f32 $5.000000000e-01, v30;
	v14 =	vadd.f32 v27, v28;
	v23 =	vmul.f32 v26, v6  }
0xa9: {  	v33 =	vshll.u32 v33, $0x10;
	v28 =	vsub.f32 v9, v40;
	v9 =	vmovc v12;
	v12 =	vmovc v17;
	v18 =	vsub.f32 v35, v18  }
0xaa: {  	v27 =	vmul.f32 v32, v19;
	v17 =	vsub.f32 v21, v23;
	v23 =	vtrunc.f32 v30  }
0xab: {  	v31 =	vadd.f32 $5.000000000e-01, v31;
	v35 =	vmax.f32 v14, $9.999999960e-13;
	v30 =	vmul.f32 $3.200000000e+01, v18  }
0xac: {  	v36 =	vshll.u32 v36, $0x5;
	v21 =	vmul.f32 $5.000000000e-01, v35;
	v37 =	vmul.f32 $3.200000000e+01, v17  }
.Ltmp0:
0xad: {  	v34 =	vcvt.f32.s32 v23;
	v23 =	vmul.f32 v27, v32;
	v30 =	vadd.f32 $1.550000000e+01, v30;
	(pc) =	sbr.rel @p0 .LBB2_3-.Ltmp0, $4  }
0xae: {  	v31 =	vtrunc.f32 v31;
	v38 =	vshra.s32 v35, $0x1;
	v37 =	vadd.f32 $1.550000000e+01, v37  }
0xaf: {  	v27 =	vadd.s32 v34, v36;
	v35 =	vsub.f32 $1.500000000e+00, v23;
	v30 =	vmax.f32 v30, $0.0e+00  }
0xb0: {  	v23 =	vsub.s32 $0x5F3759DF, v38;
	v36 =	vmin.f32 v30, $3.100000000e+01;
	v30 =	vmax.f32 v37, $0.0e+00  }
0xb1: {  	s22 =	sadd.s32 $0x10, s22;
	v37 =	vmul.f32 v23, v21;
	v30 =	vmin.f32 v30, $3.100000000e+01;
	v36 =	vadd.f32 $5.000000000e-01, v36  }
0xb2: {  	v1 =	vmul.f32 v26, v7;
	_ =	sdelay $0x1  }
0xb3: {  	v4 =	vshra.s32 v29, $0x1;
	v3 =	vsub.f32 v22, v1  }
0xb4: {  	v5 =	vmul.u32 $0x3, v29;
	v62 =	vsub.f32 $1.000000000e+00, v33;
	v11 =	vsub.f32 v11, v24  }
0xb5: {  	v42 =	vcvt.f32.s32 v31;
	v30 =	vadd.f32 $5.000000000e-01, v30;
	v2 =	vmul.f32 $3.200000000e+01, v3  }
0xb6: {  	v6 =	vtrunc.f32 v36;
	v63 =	vmul.f32 v23, v37;
	v36 =	vshll.u32 v34, $0x4  }
0xb7: {  	v1 =	vmul.f32 v35, v32;
	v29 =	vadd.s32 $0x1, v5;
	v37 =	vadd.f32 $1.550000000e+01, v2  }
0xb8: {  	v6 =	vcvt.f32.s32 v6;
	v38 =	vmul.f32 v62, v25;
	v39 =	vadd.s32 $0x2, v5  }
0xb9: {  	v28 =	vmul.f32 v62, v28;
	v7 =	vmul.f32 v62, v11;
	v40 =	vmax.f32 v37, $0.0e+00  }
0xba: {  	v25 =	vshll.u32 v42, $0xA;
	v30 =	vtrunc.f32 v30;
	v41 =	vmin.f32 v40, $3.100000000e+01  }
0xbb: {  	v52 =	vand.u32 $0x10, v36;
	v22 =	vsub.f32 $1.500000000e+00, v63;
	v11 =	vadd.f32 $5.000000000e-01, v41  }
0xbc: {  	v25 =	vadd.s32 v25, v27;
	v43 =	vcvt.f32.s32 v30;
	v28 =	vmul.f32 v28, v28  }
0xbd: {  	v44 =	vshra.s32 v25, $0x1;
	v25 =	vmul.u32 $0x3, v25;
	v4 =	vld.idx.msk [tilespmem:v4+s16+$0x0], $0xffff;
	v11 =	vtrunc.f32 v11  }
0xbe: {  	v7 =	vmul.f32 v7, v7;
	v6 =	vshll.u32 v6, $0x5;
	v5 =	vld.idx.msk [tilespmem:v5+s14+$0x0], $0xffff;
	v11 =	vcvt.f32.s32 v11  }
0xbf: {  	v6 =	vadd.s32 v43, v6;
	v22 =	vmul.f32 v23, v22;
	v45 =	vadd.s32 $0x1, v25;
	v29 =	vld.idx.msk [tilespmem:v29+s14+$0x0], $0xffff  }
0xc0: {  	v59 =	vshll.u32 v43, $0x4;
	v2 =	vmul.f32 v1, v19;
	v24 =	vld.idx.msk [tilespmem:v39+s14+$0x0], $0xffff;
	v11 =	vshll.u32 v11, $0xA  }
0xc1: {  	v19 =	vmul.f32 v38, v38;
	v46 =	vadd.s32 $0x2, v25;
	v6 =	vadd.s32 v11, v6  }
0xc2: {  	v4 =	vshrl.u32 v4, v20;
	v47 =	vmul.u32 $0x3, v6;
	v6 =	vshra.s32 v6, $0x1  }
0xc3: {  	v7 =	vadd.f32 v19, v7;
	v48 =	vld.idx.msk [tilespmem:v44+s16+$0x0], $0xffff;
	v4 =	vshll.u32 v4, $0x10;
	v5 =	vsub.f32 v15, v5  }
0xc4: {  	v20 =	vld.idx.msk [tilespmem:v45+s14+$0x0], $0xffff;
	v10 =	vsub.f32 v10, v29;
	v4 =	vsub.f32 $1.000000000e+00, v4;
	v49 =	vadd.s32 $0x1, v47  }
0xc5: {  	v7 =	vadd.f32 v7, v28;
	v50 =	vld.idx.msk [tilespmem:v25+s14+$0x0], $0xffff;
	v9 =	vsub.f32 v9, v24;
	v51 =	vadd.s32 $0x2, v47  }
0xc6: {  	v61 =	vand.u32 $0x10, v59;
	v54 =	vld.idx.msk [tilespmem:v46+s14+$0x0], $0xffff;
	v10 =	vmul.f32 v4, v10;
	v5 =	vmul.f32 v4, v5  }
0xc7: {  	v53 =	vmul.f32 v22, v21;
	v55 =	vmax.f32 v7, $9.999999960e-13;
	v4 =	vmul.f32 v4, v9;
	v6 =	vld.idx.msk [tilespmem:v6+s16+$0x0], $0xffff  }
0xc8: {  	v15 =	vshrl.u32 v48, v52;
	v5 =	vmul.f32 v5, v5;
	v10 =	vmul.f32 v10, v10;
	v58 =	vld.idx.msk [tilespmem:v47+s14+$0x0], $0xffff  }
0xc9: {  	v56 =	vmul.f32 $5.000000000e-01, v55;
	v57 =	vshll.u32 v15, $0x10;
	v13 =	vsub.f32 v13, v20;
	v19 =	vld.idx.msk [tilespmem:v49+s14+$0x0], $0xffff  }
0xca: {  	v4 =	vmul.f32 v4, v4;
	v5 =	vadd.f32 v10, v5;
	v10 =	vsub.f32 $1.000000000e+00, v57;
	v60 =	vld.idx.msk [tilespmem:v51+s14+$0x0], $0xffff  }
0xcb: {  	v62 =	vsub.f32 v16, v50;
	v11 =	vshra.s32 v55, $0x1;
	v9 =	vsub.f32 v12, v54  }
0xcc: {  	v4 =	vadd.f32 v5, v4;
	v63 =	vmul.f32 v10, v13;
	v6 =	vshrl.u32 v6, v61  }
0xcd: {  	v5 =	vmul.f32 v10, v62;
	v6 =	vshll.u32 v6, $0x10;
	v3 =	vsub.f32 v3, v58  }
0xce: {  	v9 =	vmul.f32 v10, v9;
	v16 =	vsub.f32 v18, v19;
	v6 =	vsub.f32 $1.000000000e+00, v6  }
0xcf: {  	v5 =	vmul.f32 v5, v5;
	v18 =	vmul.f32 v63, v63;
	v19 =	vsub.f32 v17, v60  }
0xd0: {  	v11 =	vsub.s32 $0x5F3759DF, v11;
	v13 =	vmul.f32 v6, v16;
	v3 =	vmul.f32 v6, v3  }
0xd1: {  	v20 =	vmax.f32 v4, $9.999999960e-13;
	v9 =	vmul.f32 v9, v9;
	v6 =	vmul.f32 v6, v19  }
0xd2: {  	v5 =	vadd.f32 v18, v5;
	v3 =	vmul.f32 v3, v3;
	v23 =	vmul.f32 v13, v13  }
0xd3: {  	v24 =	vmul.f32 v11, v56;
	v25 =	vmul.f32 $5.000000000e-01, v20;
	v15 =	vshra.s32 v20, $0x1  }
0xd4: {  	v5 =	vadd.f32 v5, v9;
	v6 =	vmul.f32 v6, v6;
	v3 =	vadd.f32 v23, v3  }
0xd5: {  	v27 =	vmul.f32 v53, v22;
	v29 =	vmul.f32 v11, v24;
	v30 =	vsub.s32 $0x5F3759DF, v15  }
0xd6: {  	v15 =	vmul.f32 v30, v25;
	v31 =	vmax.f32 v5, $9.999999960e-13;
	v3 =	vadd.f32 v3, v6  }
0xd7: {  	v32 =	vsub.f32 $1.500000000e+00, v29;
	v33 =	vmul.f32 $5.000000000e-01, v31;
	v16 =	vshra.s32 v31, $0x1  }
0xd8: {  	v15 =	vmul.f32 v30, v15;
	v16 =	vsub.s32 $0x5F3759DF, v16;
	v34 =	vmax.f32 v3, $9.999999960e-13  }
0xd9: {  	v35 =	vmul.f32 v16, v33;
	v36 =	vmul.f32 $5.000000000e-01, v34;
	v17 =	vshra.s32 v34, $0x1  }
0xda: {  	v37 =	vsub.f32 $1.500000000e+00, v15;
	v6 =	vmul.f32 v11, v32;
	v38 =	vsub.s32 $0x5F3759DF, v17  }
0xdb: {  	v9 =	vsub.f32 $1.500000000e+00, v27;
	v39 =	vmul.f32 v16, v35;
	v40 =	vmul.f32 v38, v36  }
0xdc: {  	v11 =	vmul.f32 v30, v37;
	v41 =	vmul.f32 v6, v56  }
0xdd: {  	v9 =	vmul.f32 v9, v22;
	v42 =	vsub.f32 $1.500000000e+00, v39;
	v43 =	vmul.f32 v38, v40  }
0xde: {  	v45 =	vmul.f32 v11, v25;
	v44 =	vmul.f32 v41, v6  }
0xdf: {  	v2 =	vmul.f32 v2, v1;
	v12 =	vmul.f32 v16, v42;
	v46 =	vsub.f32 $1.500000000e+00, v43  }
0xe0: {  	v47 =	vmul.f32 v9, v21;
	v20 =	vmul.f32 v45, v11;
	v18 =	vsub.f32 $1.500000000e+00, v44  }
0xe1: {  	v48 =	vmul.f32 v12, v33;
	v15 =	vmul.f32 v38, v46  }
0xe2: {  	v49 =	vmul.f32 v47, v9;
	v50 =	vsub.f32 $1.500000000e+00, v20;
	v6 =	vmul.f32 v18, v6  }
0xe3: {  	v2 =	vsub.f32 $1.500000000e+00, v2;
	v51 =	vmul.f32 v48, v12;
	v52 =	vmul.f32 v15, v36  }
0xe4: {  	v11 =	vmul.f32 v50, v11;
	v53 =	vmul.f32 v6, v56  }
0xe5: {  	v1 =	vmul.f32 v2, v1;
	v2 =	vsub.f32 $1.500000000e+00, v51;
	v54 =	vmul.f32 v52, v15  }
0xe6: {  	v16 =	vsub.f32 $1.500000000e+00, v49;
	v13 =	vmul.f32 v11, v25;
	v55 =	vmul.f32 v53, v6  }
0xe7: {  	v1 =	vmul.f32 v1, v8;
	v2 =	vmul.f32 v2, v12;
	v56 =	vsub.f32 $1.500000000e+00, v54  }
0xe8: {  	v9 =	vmul.f32 v16, v9;
	v13 =	vmul.f32 v13, v11;
	v57 =	vsub.f32 $1.500000000e+00, v55  }
0xe9: {  	v10 =	vmul.f32 v2, v33;
	v8 =	vmul.f32 v56, v15  }
0xea: {  	v0 =	vadd.f32 v1, v0;
	v1 =	vmul.f32 v9, v14;
	v6 =	vmul.f32 v57, v6  }
0xeb: {  	v58 =	vsub.f32 $1.500000000e+00, v13;
	v10 =	vmul.f32 v10, v2;
	v59 =	vmul.f32 v8, v36  }
0xec: {  	v0 =	vadd.f32 v1, v0;
	v1 =	vmul.f32 v6, v7  }
0xed: {  	v60 =	vmul.f32 v58, v11;
	v61 =	vsub.f32 $1.500000000e+00, v10;
	v62 =	vmul.f32 v59, v8  }
0xee: {  	v0 =	vadd.f32 v1, v0  }
0xef: {  	s20 =	sadd.s32 $0x1, s20;
	v1 =	vmul.f32 v60, v4;
	v2 =	vmul.f32 v61, v2;
	v63 =	vsub.f32 $1.500000000e+00, v62  }
0xf0: {  	p0 =	sne.s32 s20, $0x8  }
.Ltmp1:
0xf1: {  	v0 =	vadd.f32 v1, v0;
	v1 =	vmul.f32 v2, v5;
	v2 =	vmul.f32 v63, v8;
	(pc) =	sbr.rel @p0 .LBB2_2-.Ltmp1, $3  }
0xf2: {  	_ = 	snop  }
0xf3: {  	v0 =	vadd.f32 v1, v0;
	v1 =	vmul.f32 v2, v3;
	_ =	sdelay $0x1  }
0xf4: {  	v0 =	vadd.f32 v1, v0  }
0xf5: {  	s20 =	simm.s32 $0x0;
	v1 =	vimm.f32 $0.0e+00;
	s21 =	simm.s32 $0x0  }
.LBB2_6:
0xf6: {  	s24 =	simm.s32 $0x1C400  }
0xf7: {  	s22 =	sshll.u32 s21, $0x6;
	s29 =	sand.u32 $0xFF0, s20;
	v7 =	vld [tilespmem:s24+$0x0]  }
0xf8: {  	s23 =	sand.u32 $0x3FFFFFC0, s22;
	v8 =	vld [tilespmem:s29+$0x1D400]  }
0xf9: {  	v2 =	vld [tilespmem:s23+$0x210]  }
0xfa: {  	v3 =	vld [tilespmem:s23+$0x220]  }
0xfb: {  	v9 =	vld [tilespmem:s29+$0x1E400]  }
0xfc: {  	v4 =	vld [tilespmem:s23+$0x230];
	_ =	sdelay $0x1  }
0xfd: {  	s22 =	sand.u32 $0x1C0, s22  }
0xfe: {  	v6 =	vld [tilespmem:s22+$0x200];
	v5 =	vmul.f32 v2, v2;
	v10 =	vmul.f32 v3, v3  }
0xff: {  	v11 =	vmul.f32 v8, v3;
	v12 =	vmul.f32 v7, v2  }
0x100: {  	v13 =	vmul.f32 v9, v4  }
0x101: {  	v5 =	vadd.f32 v10, v5;
	v10 =	vmul.f32 v4, v4;
	v11 =	vadd.f32 v11, v12;
	_ =	sdelay $0x1  }
0x102: {  	v12 =	vmul.f32 v6, v6;
	v5 =	vadd.f32 v10, v5;
	v10 =	vadd.f32 v13, v11  }
0x103: {  	v11 =	vmul.f32 v8, v4  }
0x104: {  	s30 =	simm.s32 $0x10;
	v5 =	vsub.f32 v12, v5;
	v12 =	vmul.f32 v9, v3;
	v10 =	vadd.f32 v10, v10  }
0x105: {  	s22 =	sand.u32 $0xFF0, s30;
	v14 =	vmul.f32 v9, v2;
	v15 =	vmul.f32 v7, v3;
	v6 =	vadd.f32 v6, v6  }
0x106: {  	v16 =	vld [tilespmem:s22+$0x1D400];
	v11 =	vsub.f32 v12, v11;
	v12 =	vmul.f32 v7, v5;
	v13 =	vmul.f32 v10, v2  }
0x107: {  	s31 =	simm.s32 $0x1C410;
	v17 =	vmul.f32 v8, v2;
	v7 =	vmul.f32 v7, v4  }
0x108: {  	v9 =	vmul.f32 v9, v5;
	v11 =	vmul.f32 v11, v6;
	v12 =	vadd.f32 v13, v12;
	v13 =	vld [tilespmem:s31+$0x0]  }
0x109: {  	v17 =	vsub.f32 v17, v15;
	v18 =	vmul.f32 v10, v4;
	v8 =	vmul.f32 v8, v5  }
0x10a: {  	v10 =	vmul.f32 v10, v3;
	v7 =	vsub.f32 v7, v14;
	v15 =	vadd.f32 v12, v11;
	v11 =	vld [tilespmem:s22+$0x1E400]  }
0x10b: {  	v20 =	vmul.f32 v16, v2;
	v9 =	vadd.f32 v18, v9;
	v12 =	vmul.f32 v17, v6  }
0x10c: {  	v8 =	vadd.f32 v10, v8;
	v7 =	vmul.f32 v7, v6;
	v14 =	vmul.f32 $3.200000000e+01, v15  }
0x10d: {  	v17 =	vmul.f32 v16, v3;
	v12 =	vadd.f32 v9, v12;
	v18 =	vmul.f32 v13, v2  }
0x10e: {  	v19 =	vmul.f32 v13, v3;
	v9 =	vadd.f32 $1.550000000e+01, v14;
	v14 =	vadd.f32 v8, v7  }
0x10f: {  	v7 =	vmul.f32 $3.200000000e+01, v12;
	v10 =	vmul.f32 v11, v4;
	v17 =	vadd.f32 v17, v18  }
0x110: {  	v18 =	vmul.f32 v11, v3;
	v22 =	vmul.f32 v11, v5;
	v19 =	vsub.f32 v20, v19  }
0x111: {  	v11 =	vmul.f32 v11, v2;
	v8 =	vmax.f32 v9, $0.0e+00;
	v7 =	vadd.f32 $1.550000000e+01, v7  }
0x112: {  	v9 =	vadd.f32 v10, v17;
	v8 =	vmin.f32 v8, $3.100000000e+01;
	v17 =	vmul.f32 v16, v4  }
0x113: {  	v10 =	vmul.f32 $3.200000000e+01, v14;
	v19 =	vmul.f32 v19, v6;
	v8 =	vadd.f32 $5.000000000e-01, v8  }
0x114: {  	v7 =	vmax.f32 v7, $0.0e+00;
	v9 =	vadd.f32 v9, v9;
	v17 =	vsub.f32 v18, v17  }
0x115: {  	v18 =	vmul.f32 v13, v5;
	v13 =	vmul.f32 v13, v4;
	v7 =	vmin.f32 v7, $3.100000000e+01  }
0x116: {  	s31 =	simm.s32 $0x1C450;
	v10 =	vadd.f32 $1.550000000e+01, v10;
	v7 =	vadd.f32 $5.000000000e-01, v7;
	v21 =	vmul.f32 v9, v2  }
0x117: {  	v58 =	vld [tilespmem:s31+$0x0];
	v17 =	vmul.f32 v17, v6;
	v20 =	vmul.f32 v9, v4;
	v11 =	vsub.f32 v13, v11  }
0x118: {  	v13 =	vmul.f32 v16, v5;
	v9 =	vmul.f32 v9, v3;
	v10 =	vmax.f32 v10, $0.0e+00  }
0x119: {  	s23 =	simm.s32 $0x20;
	v10 =	vmin.f32 v10, $3.100000000e+01;
	v18 =	vadd.f32 v21, v18;
	v21 =	vadd.f32 v20, v22  }
0x11a: {  	s22 =	sand.u32 $0xFF0, s23;
	v9 =	vadd.f32 v9, v13;
	v11 =	vmul.f32 v11, v6;
	v10 =	vadd.f32 $5.000000000e-01, v10  }
0x11b: {  	s24 =	simm.s32 $0x1C420;
	v8 =	vtrunc.f32 v8;
	v20 =	vadd.f32 v18, v17;
	v17 =	vadd.f32 v21, v19;
	v19 =	vld [tilespmem:s22+$0x1D400]  }
0x11c: {  	v41 =	vmul.f32 v58, v2;
	v8 =	vcvt.f32.s32 v8;
	v18 =	vadd.f32 v9, v11;
	v9 =	vld [tilespmem:s24+$0x0]  }
0x11d: {  	v7 =	vtrunc.f32 v7;
	v21 =	vld [tilespmem:s22+$0x1E400];
	v10 =	vtrunc.f32 v10  }
0x11e: {  	v10 =	vcvt.f32.s32 v10;
	v16 =	vmul.f32 $3.200000000e+01, v20  }
0x11f: {  	v7 =	vcvt.f32.s32 v7;
	v13 =	vmul.f32 $3.200000000e+01, v17  }
0x120: {  	v8 =	vshll.u32 v8, $0xA;
	v10 =	vshll.u32 v10, $0x5;
	v16 =	vadd.f32 $1.550000000e+01, v16  }
0x121: {  	v11 =	vadd.f32 $1.550000000e+01, v13;
	v10 =	vadd.s32 v7, v10;
	v22 =	vmul.f32 v19, v3  }
0x122: {  	v23 =	vmul.f32 v9, v2;
	v24 =	vmul.f32 v21, v4;
	v25 =	vadd.s32 v8, v10  }
0x123: {  	v26 =	vmul.f32 v9, v4;
	v27 =	vmul.f32 v19, v2;
	v13 =	vmax.f32 v16, $0.0e+00  }
0x124: {  	v16 =	vmul.f32 $3.200000000e+01, v18;
	v11 =	vmax.f32 v11, $0.0e+00;
	v13 =	vmin.f32 v13, $3.100000000e+01  }
0x125: {  	v8 =	vshra.s32 v25, $0x1;
	v11 =	vmin.f32 v11, $3.100000000e+01;
	v13 =	vadd.f32 $5.000000000e-01, v13  }
0x126: {  	v25 =	vmul.u32 $0x3, v25;
	v16 =	vadd.f32 $1.550000000e+01, v16;
	v11 =	vadd.f32 $5.000000000e-01, v11  }
0x127: {  	v22 =	vadd.f32 v22, v23;
	v23 =	vmul.f32 v19, v4;
	v19 =	vmul.f32 v19, v5  }
0x128: {  	v13 =	vtrunc.f32 v13;
	v16 =	vmax.f32 v16, $0.0e+00;
	v11 =	vtrunc.f32 v11  }
0x129: {  	v10 =	vmin.f32 v16, $3.100000000e+01;
	v16 =	vadd.f32 v24, v22;
	v22 =	vmul.f32 v21, v2  }
0x12a: {  	v7 =	vshll.u32 v7, $0x4;
	v24 =	vmul.f32 v21, v3;
	v21 =	vmul.f32 v21, v5  }
0x12b: {  	v33 =	vadd.s32 $0x1, v25;
	v13 =	vcvt.f32.s32 v13;
	v11 =	vcvt.f32.s32 v11  }
0x12c: {  	v10 =	vadd.f32 $5.000000000e-01, v10;
	v36 =	vld.idx.msk [tilespmem:v25+s14+$0x0], $0xffff;
	v25 =	vadd.s32 $0x2, v25;
	v16 =	vadd.f32 v16, v16  }
0x12d: {  	v23 =	vsub.f32 v24, v23;
	v24 =	vmul.f32 v9, v3;
	v22 =	vsub.f32 v26, v22  }
0x12e: {  	s25 =	simm.s32 $0x30;
	v9 =	vmul.f32 v9, v5;
	v13 =	vshll.u32 v13, $0xA;
	v26 =	vmul.f32 v16, v2  }
0x12f: {  	s22 =	sand.u32 $0xFF0, s25;
	v8 =	vld.idx.msk [tilespmem:v8+s16+$0x0], $0xffff;
	v10 =	vtrunc.f32 v10;
	v24 =	vsub.f32 v27, v24;
	v27 =	vmul.f32 v16, v4  }
0x130: {  	s26 =	simm.s32 $0x1C430;
	v23 =	vmul.f32 v23, v6;
	v16 =	vmul.f32 v16, v3;
	v9 =	vadd.f32 v26, v9;
	v26 =	vld [tilespmem:s22+$0x1D400]  }
0x131: {  	v10 =	vcvt.f32.s32 v10;
	v24 =	vmul.f32 v24, v6;
	v21 =	vadd.f32 v27, v21;
	v27 =	vld [tilespmem:s26+$0x0]  }
0x132: {  	v16 =	vadd.f32 v16, v19;
	v19 =	vmul.f32 v22, v6;
	v22 =	vand.u32 $0x10, v7;
	v25 =	vld.idx.msk [tilespmem:v25+s14+$0x0], $0xffff  }
0x133: {  	v10 =	vshll.u32 v10, $0x5;
	v9 =	vadd.f32 v9, v23;
	v7 =	vadd.f32 v21, v24;
	v21 =	vld [tilespmem:s22+$0x1E400]  }
0x134: {  	v28 =	vshrl.u32 v8, v22;
	v10 =	vadd.s32 v11, v10;
	v8 =	vadd.f32 v16, v19  }
0x135: {  	v30 =	vadd.s32 v13, v10;
	v23 =	vmul.f32 $3.200000000e+01, v9;
	v16 =	vmul.f32 $3.200000000e+01, v7  }
0x136: {  	v28 =	vshll.u32 v28, $0x10;
	v19 =	vmul.f32 v26, v3;
	v22 =	vmul.f32 v27, v2  }
0x137: {  	v28 =	vsub.f32 $1.000000000e+00, v28;
	v24 =	vmul.f32 $3.200000000e+01, v8;
	v13 =	vmul.f32 v27, v5  }
0x138: {  	v12 =	vsub.f32 v12, v25;
	v29 =	vmul.f32 v21, v4;
	v19 =	vadd.f32 v19, v22  }
0x139: {  	v32 =	vmul.f32 v26, v2;
	v23 =	vadd.f32 $1.550000000e+01, v23;
	v16 =	vadd.f32 $1.550000000e+01, v16  }
0x13a: {  	v24 =	vadd.f32 $1.550000000e+01, v24;
	v31 =	vmul.f32 v21, v2;
	v19 =	vadd.f32 v29, v19  }
0x13b: {  	v12 =	vmul.f32 v28, v12;
	v22 =	vmax.f32 v23, $0.0e+00;
	v16 =	vmax.f32 v16, $0.0e+00  }
0x13c: {  	v23 =	vmul.f32 v26, v4;
	v29 =	vmul.f32 v21, v3;
	v19 =	vadd.f32 v19, v19  }
0x13d: {  	v24 =	vmax.f32 v24, $0.0e+00;
	v22 =	vmin.f32 v22, $3.100000000e+01;
	v16 =	vmin.f32 v16, $3.100000000e+01  }
0x13e: {  	v22 =	vadd.f32 $5.000000000e-01, v22;
	v10 =	vsub.f32 v29, v23;
	v23 =	vmul.f32 v19, v2  }
0x13f: {  	v21 =	vmul.f32 v21, v5;
	v16 =	vadd.f32 $5.000000000e-01, v16;
	v29 =	vshra.s32 v30, $0x1  }
0x140: {  	v22 =	vtrunc.f32 v22;
	v10 =	vmul.f32 v10, v6;
	v13 =	vadd.f32 v23, v13  }
0x141: {  	v16 =	vtrunc.f32 v16;
	v23 =	vmin.f32 v24, $3.100000000e+01;
	v24 =	vmul.f32 v27, v3  }
0x142: {  	v27 =	vmul.f32 v27, v4;
	v23 =	vadd.f32 $5.000000000e-01, v23;
	v10 =	vadd.f32 v13, v10  }
0x143: {  	v13 =	vsub.f32 v32, v24;
	v24 =	vmul.f32 v26, v5;
	v26 =	vmul.f32 v19, v4  }
0x144: {  	v29 =	vld.idx.msk [tilespmem:v29+s16+$0x0], $0xffff;
	v27 =	vsub.f32 v27, v31;
	v19 =	vmul.f32 v19, v3;
	v23 =	vtrunc.f32 v23  }
0x145: {  	v15 =	vsub.f32 v15, v36;
	v31 =	vmul.f32 $3.200000000e+01, v10;
	v13 =	vmul.f32 v13, v6  }
0x146: {  	s28 =	simm.s32 $0x40;
	v21 =	vadd.f32 v26, v21;
	v19 =	vadd.f32 v19, v24;
	v24 =	vmul.f32 v27, v6  }
0x147: {  	s22 =	sand.u32 $0xFF0, s28;
	v27 =	vcvt.f32.s32 v22;
	v22 =	vshll.u32 v11, $0x4;
	v23 =	vcvt.f32.s32 v23  }
0x148: {  	s29 =	simm.s32 $0x1C440;
	v26 =	vadd.f32 $1.550000000e+01, v31;
	v11 =	vadd.f32 v21, v13;
	v21 =	vand.u32 $0x10, v22;
	v31 =	vld [tilespmem:s22+$0x1E400]  }
0x149: {  	v16 =	vcvt.f32.s32 v16;
	v13 =	vadd.f32 v19, v24;
	v22 =	vshrl.u32 v29, v21;
	v29 =	vld [tilespmem:s29+$0x0]  }
0x14a: {  	v12 =	vmul.f32 v12, v12;
	v23 =	vshll.u32 v23, $0x5;
	v19 =	vmax.f32 v26, $0.0e+00;
	v26 =	vld [tilespmem:s22+$0x1D400]  }
0x14b: {  	v23 =	vadd.s32 v16, v23;
	v24 =	vmul.f32 $3.200000000e+01, v13;
	v19 =	vmin.f32 v19, $3.100000000e+01  }
0x14c: {  	v16 =	vshll.u32 v16, $0x4;
	v21 =	vmul.f32 $3.200000000e+01, v11;
	v19 =	vadd.f32 $5.000000000e-01, v19  }
0x14d: {  	v57 =	vand.u32 $0x10, v16;
	v24 =	vadd.f32 $1.550000000e+01, v24;
	v37 =	vmul.f32 v31, v2  }
0x14e: {  	v21 =	vadd.f32 $1.550000000e+01, v21;
	v38 =	vmul.f32 v31, v3;
	v19 =	vtrunc.f32 v19  }
0x14f: {  	v50 =	vmax.f32 v24, $0.0e+00;
	v35 =	vmul.f32 v29, v2;
	v34 =	vmul.f32 v26, v3  }
0x150: {  	v24 =	vshll.u32 v27, $0xA;
	v52 =	vmul.f32 v29, v4;
	v53 =	vmul.f32 v29, v3  }
0x151: {  	v24 =	vadd.s32 v24, v23;
	v23 =	vmul.f32 v31, v4;
	v34 =	vadd.f32 v34, v35  }
0x152: {  	v21 =	vmax.f32 v21, $0.0e+00;
	v29 =	vmul.f32 v29, v5;
	v27 =	vmul.f32 v26, v4  }
0x153: {  	v32 =	vmin.f32 v50, $3.100000000e+01;
	v39 =	vcvt.f32.s32 v19;
	v23 =	vadd.f32 v23, v34  }
0x154: {  	v54 =	vmul.f32 v26, v2;
	v26 =	vmul.f32 v26, v5;
	v21 =	vmin.f32 v21, $3.100000000e+01  }
0x155: {  	v51 =	vshra.s32 v24, $0x1;
	v21 =	vadd.f32 $5.000000000e-01, v21;
	v23 =	vadd.f32 v23, v23  }
0x156: {  	v33 =	vld.idx.msk [tilespmem:v33+s14+$0x0], $0xffff;
	v50 =	vmul.f32 v58, v4;
	v19 =	vsub.f32 v38, v27;
	v27 =	vmul.f32 v31, v5  }
0x157: {  	v22 =	vshll.u32 v22, $0x10;
	v21 =	vtrunc.f32 v21;
	v55 =	vmul.f32 v23, v2  }
0x158: {  	v31 =	vsub.f32 v52, v37;
	v56 =	vmul.f32 v23, v3;
	v23 =	vmul.f32 v23, v4  }
0x159: {  	v34 =	vsub.f32 v54, v53;
	v19 =	vmul.f32 v19, v6;
	v29 =	vadd.f32 v55, v29  }
0x15a: {  	v25 =	vmul.f32 v31, v6;
	v35 =	vld.idx.msk [tilespmem:v51+s16+$0x0], $0xffff;
	v26 =	vadd.f32 v56, v26;
	v23 =	vadd.f32 v23, v27  }
0x15b: {  	v27 =	vsub.f32 v14, v33;
	v16 =	vadd.f32 v29, v19;
	v19 =	vmul.f32 v34, v6  }
0x15c: {  	v31 =	vmul.f32 v28, v15;
	v53 =	vmul.f32 v58, v3;
	v15 =	vadd.f32 v26, v25  }
0x15d: {  	v29 =	vmul.f32 $3.200000000e+01, v16;
	v14 =	vadd.f32 v23, v19;
	v23 =	vmul.f32 v28, v27  }
0x15e: {  	v32 =	vadd.f32 $5.000000000e-01, v32;
	v26 =	vmul.f32 v31, v31;
	v28 =	vmul.f32 $3.200000000e+01, v15  }
0x15f: {  	v19 =	vshrl.u32 v35, v57;
	v25 =	vadd.f32 $1.550000000e+01, v29;
	v23 =	vmul.f32 v23, v23  }
0x160: {  	v27 =	vmul.f32 $3.200000000e+01, v14;
	v28 =	vadd.f32 $1.550000000e+01, v28;
	v29 =	vtrunc.f32 v32  }
0x161: {  	v32 =	vmul.f32 v58, v5;
	v58 =	vsub.f32 $1.000000000e+00, v22;
	v23 =	vadd.f32 v23, v26  }
0x162: {  	s30 =	simm.s32 $0x50;
	v25 =	vmax.f32 v25, $0.0e+00;
	v27 =	vadd.f32 $1.550000000e+01, v27;
	v26 =	vmul.u32 $0x3, v30  }
0x163: {  	s22 =	sand.u32 $0xFF0, s30;
	v28 =	vmax.f32 v28, $0.0e+00;
	v30 =	vcvt.f32.s32 v21;
	v12 =	vadd.f32 v23, v12  }
0x164: {  	v25 =	vmin.f32 v25, $3.100000000e+01;
	v31 =	vmax.f32 v27, $0.0e+00;
	v27 =	vld [tilespmem:s22+$0x1D400];
	v23 =	vcvt.f32.s32 v29  }
0x165: {  	v28 =	vmin.f32 v28, $3.100000000e+01;
	v25 =	vadd.f32 $5.000000000e-01, v25;
	v21 =	vmax.f32 v12, $9.999999960e-13  }
0x166: {  	v29 =	vld [tilespmem:s22+$0x1E400];
	v23 =	vshll.u32 v23, $0x5;
	v59 =	vshra.s32 v21, $0x1;
	v60 =	vmul.f32 $5.000000000e-01, v21  }
0x167: {  	v21 =	vshll.u32 v39, $0xA;
	v23 =	vadd.s32 v30, v23;
	v33 =	vsub.s32 $0x5F3759DF, v59  }
0x168: {  	v61 =	vadd.s32 $0x1, v26;
	v21 =	vadd.s32 v21, v23;
	v23 =	vmul.f32 v33, v60  }
0x169: {  	v43 =	vadd.s32 $0x2, v26;
	v31 =	vmin.f32 v31, $3.100000000e+01;
	v63 =	vmul.f32 v27, v3  }
0x16a: {  	v25 =	vtrunc.f32 v25;
	v30 =	vshll.u32 v30, $0x4;
	v23 =	vmul.f32 v33, v23  }
0x16b: {  	v40 =	vld.idx.msk [tilespmem:v26+s14+$0x0], $0xffff;
	v26 =	vadd.f32 $5.000000000e-01, v28;
	v49 =	vmul.f32 v29, v4;
	v37 =	vadd.f32 v63, v41  }
0x16c: {  	v62 =	vmul.f32 v27, v4;
	v48 =	vshra.s32 v21, $0x1;
	v28 =	vsub.f32 $1.500000000e+00, v23  }
0x16d: {  	v42 =	vmul.f32 v29, v2;
	v44 =	vmul.f32 v29, v3;
	v51 =	vadd.f32 v49, v37  }
0x16e: {  	v30 =	vand.u32 $0x10, v30;
	v29 =	vmul.f32 v29, v5;
	v28 =	vmul.f32 v33, v28  }
0x16f: {  	v54 =	vmul.f32 v27, v2;
	v27 =	vmul.f32 v27, v5;
	v33 =	vadd.f32 v51, v51  }
0x170: {  	v55 =	vld.idx.msk [tilespmem:v43+s14+$0x0], $0xffff;
	v23 =	vcvt.f32.s32 v25;
	v40 =	vsub.f32 v20, v40;
	v20 =	vmul.f32 v28, v60  }
0x171: {  	v35 =	vld.idx.msk [tilespmem:v61+s14+$0x0], $0xffff;
	v25 =	vsub.f32 v44, v62;
	v56 =	vmul.f32 v33, v3;
	v57 =	vmul.f32 v33, v2  }
0x172: {  	v37 =	vsub.f32 v54, v53;
	v38 =	vld.idx.msk [tilespmem:v48+s16+$0x0], $0xffff;
	v33 =	vmul.f32 v33, v4;
	v20 =	vmul.f32 v20, v28  }
0x173: {  	v52 =	vsub.f32 v50, v42;
	v25 =	vmul.f32 v25, v6;
	v32 =	vadd.f32 v57, v32  }
0x174: {  	v37 =	vmul.f32 v37, v6;
	v22 =	vadd.f32 v33, v29;
	v20 =	vsub.f32 $1.500000000e+00, v20  }
0x175: {  	v36 =	vmul.f32 v52, v6;
	v27 =	vadd.f32 v56, v27;
	v29 =	vsub.f32 v17, v55  }
0x176: {  	v17 =	vadd.f32 v22, v37;
	v59 =	vmul.f32 v20, v28;
	v20 =	vadd.f32 v32, v25  }
0x177: {  	v22 =	vshrl.u32 v38, v30;
	v25 =	vmul.f32 v58, v40;
	v28 =	vsub.f32 v18, v35  }
0x178: {  	v18 =	vadd.f32 v27, v36;
	v60 =	vmul.f32 v59, v60;
	v61 =	vmul.f32 $3.200000000e+01, v20  }
0x179: {  	v27 =	vmul.u32 $0x3, v24;
	v62 =	vmul.f32 v25, v25;
	v25 =	vmul.f32 $3.200000000e+01, v17  }
0x17a: {  	v30 =	vmul.f32 v58, v28;
	v34 =	vadd.f32 $1.550000000e+01, v61;
	v24 =	vmul.f32 v60, v59  }
0x17b: {  	v29 =	vmul.f32 v58, v29;
	v28 =	vmul.f32 $3.200000000e+01, v18;
	v25 =	vadd.f32 $1.550000000e+01, v25  }
0x17c: {  	v63 =	vmul.f32 v30, v30;
	v34 =	vmax.f32 v34, $0.0e+00;
	v24 =	vsub.f32 $1.500000000e+00, v24  }
0x17d: {  	v30 =	vmul.f32 v29, v29;
	v25 =	vmax.f32 v25, $0.0e+00;
	v29 =	vmin.f32 v34, $3.100000000e+01  }
0x17e: {  	s23 =	simm.s32 $0x1C460;
	s22 =	simm.s32 $0x60;
	v32 =	vadd.f32 v63, v62;
	v29 =	vadd.f32 $5.000000000e-01, v29;
	v24 =	vmul.f32 v24, v59  }
.LBB2_7:
0x17f: {  	s24 =	sand.u32 $0xFF0, s22;
	p0 =	sne.s32 s22, $0xFF0;
	s22 =	sadd.s32 $0x10, s22;
	v28 =	vadd.f32 $1.550000000e+01, v28;
	v26 =	vtrunc.f32 v26;
	v31 =	vadd.f32 $5.000000000e-01, v31  }
0x180: {  	v33 =	vld [tilespmem:s24+$0x1D400];
	v29 =	vtrunc.f32 v29;
	v26 =	vcvt.f32.s32 v26;
	v30 =	vadd.f32 v32, v30  }
0x181: {  	v34 =	vadd.s32 $0x1, v27;
	v32 =	vld [tilespmem:s24+$0x1E400];
	v28 =	vmax.f32 v28, $0.0e+00;
	v31 =	vtrunc.f32 v31  }
0x182: {  	v24 =	vmul.f32 v24, v12;
	v35 =	vld [tilespmem:s23+$0x0];
	v31 =	vcvt.f32.s32 v31;
	v36 =	vmax.f32 v30, $9.999999960e-13;
	v12 =	vmovc v30  }
0x183: {  	v26 =	vshll.u32 v26, $0x5;
	v30 =	vshra.s32 v36, $0x1;
	v36 =	vmul.f32 $5.000000000e-01, v36  }
0x184: {  	v23 =	vshll.u32 v23, $0xA;
	v26 =	vadd.s32 v31, v26;
	v30 =	vsub.s32 $0x5F3759DF, v30  }
0x185: {  	v37 =	vmul.f32 v33, v4;
	v38 =	vadd.s32 v23, v26;
	v23 =	vmul.f32 v30, v36  }
0x186: {  	v1 =	vadd.f32 v24, v1;
	v39 =	vmul.f32 v33, v3;
	v40 =	vshra.s32 v38, $0x1  }
0x187: {  	v26 =	vmin.f32 v28, $3.100000000e+01;
	v24 =	vmul.f32 v32, v4;
	v28 =	vld.idx.msk [tilespmem:v27+s14+$0x0], $0xffff;
	v23 =	vmul.f32 v30, v23  }
0x188: {  	v42 =	vmul.f32 v32, v2;
	v41 =	vmul.f32 v35, v2;
	v27 =	vadd.s32 $0x2, v27  }
0x189: {  	v43 =	vmul.f32 v32, v3;
	v26 =	vadd.f32 $5.000000000e-01, v26;
	v44 =	vsub.f32 $1.500000000e+00, v23  }
0x18a: {  	v39 =	vadd.f32 v39, v41;
	v41 =	vmul.f32 v35, v4;
	v23 =	vcvt.f32.s32 v29  }
0x18b: {  	v32 =	vmul.f32 v32, v5;
	v29 =	vsub.f32 v43, v37;
	v37 =	vld.idx.msk [tilespmem:v40+s16+$0x0], $0xffff;
	v30 =	vmul.f32 v30, v44  }
0x18c: {  	v24 =	vadd.f32 v24, v39;
	v39 =	vsub.f32 v41, v42;
	v40 =	vmul.f32 v35, v3  }
0x18d: {  	v41 =	vmul.f32 v33, v2;
	v28 =	vsub.f32 v9, v28;
	v27 =	vld.idx.msk [tilespmem:v27+s14+$0x0], $0xffff;
	v42 =	vmul.f32 v30, v36  }
0x18e: {  	v31 =	vshll.u32 v31, $0x4;
	v35 =	vmul.f32 v35, v5;
	v9 =	vmovc v10;
	v10 =	vmovc v16;
	v24 =	vadd.f32 v24, v24  }
0x18f: {  	v33 =	vmul.f32 v33, v5;
	v40 =	vsub.f32 v41, v40;
	v34 =	vld.idx.msk [tilespmem:v34+s14+$0x0], $0xffff;
	v41 =	vmul.f32 v42, v30  }
0x190: {  	v31 =	vand.u32 $0x10, v31;
	v29 =	vmul.f32 v29, v6;
	v16 =	vmovc v20;
	v42 =	vmul.f32 v24, v3  }
0x191: {  	v43 =	vshll.u32 v19, $0x10;
	v19 =	vmovc v22;
	v20 =	vmul.f32 v24, v2;
	v40 =	vmul.f32 v40, v6  }
0x192: {  	v22 =	vmul.f32 v24, v4;
	v33 =	vadd.f32 v42, v33;
	v24 =	vsub.f32 $1.500000000e+00, v41  }
0x193: {  	v20 =	vadd.f32 v20, v35;
	v35 =	vmul.f32 v39, v6;
	v39 =	vsub.f32 $1.000000000e+00, v43  }
0x194: {  	v22 =	vadd.f32 v22, v32;
	v27 =	vsub.f32 v7, v27;
	v7 =	vmovc v11;
	v24 =	vmul.f32 v24, v30  }
0x195: {  	v11 =	vmovc v14;
	v20 =	vadd.f32 v20, v29;
	v28 =	vmul.f32 v39, v28;
	v29 =	vsub.f32 v8, v34  }
0x196: {  	v14 =	vmovc v17;
	v17 =	vadd.f32 v22, v40;
	v30 =	vmul.f32 v39, v27;
	v32 =	vmul.f32 v24, v36  }
0x197: {  	v22 =	vshrl.u32 v37, v31;
	v8 =	vmovc v13;
	v13 =	vmovc v15;
	v27 =	vmul.f32 $3.200000000e+01, v20;
	v34 =	vmul.f32 v28, v28  }
0x198: {  	v15 =	vmovc v18;
	v18 =	vadd.f32 v33, v35;
	v31 =	vmul.f32 $3.200000000e+01, v17;
	v29 =	vmul.f32 v39, v29  }
.Ltmp2:
0x199: {  	v33 =	vadd.f32 $1.550000000e+01, v27;
	v27 =	vmul.u32 $0x3, v21;
	v32 =	vmul.f32 v32, v24;
	v21 =	vmovc v38;
	(pc) =	sbr.rel @p0 .LBB2_7-.Ltmp2, $4  }
0x19a: {  	v28 =	vmul.f32 $3.200000000e+01, v18;
	v35 =	vadd.f32 $1.550000000e+01, v31;
	v36 =	vmul.f32 v29, v29  }
0x19b: {  	v30 =	vmul.f32 v30, v30;
	v29 =	vmax.f32 v33, $0.0e+00;
	v33 =	vsub.f32 $1.500000000e+00, v32  }
0x19c: {  	v31 =	vmin.f32 v25, $3.100000000e+01;
	v25 =	vmax.f32 v35, $0.0e+00;
	v29 =	vmin.f32 v29, $3.100000000e+01  }
0x19d: {  	s23 =	sadd.s32 $0x10, s23;
	v32 =	vadd.f32 v36, v34;
	v29 =	vadd.f32 $5.000000000e-01, v29;
	v24 =	vmul.f32 v33, v24  }
0x19e: {  	v3 =	vtrunc.f32 v26;
	v4 =	vadd.f32 $5.000000000e-01, v31  }
0x19f: {  	v5 =	vadd.s32 $0x2, v27;
	v6 =	vadd.f32 $1.550000000e+01, v28;
	v34 =	vadd.s32 $0x1, v27  }
0x1a0: {  	v23 =	vshll.u32 v23, $0xA;
	v21 =	vmul.u32 $0x3, v21;
	v19 =	vshll.u32 v19, $0x10  }
0x1a1: {  	v25 =	vmin.f32 v25, $3.100000000e+01;
	v22 =	vshll.u32 v22, $0x10;
	v2 =	vadd.f32 v32, v30  }
0x1a2: {  	v26 =	vcvt.f32.s32 v3;
	v40 =	vtrunc.f32 v29;
	v19 =	vsub.f32 $1.000000000e+00, v19  }
0x1a3: {  	v38 =	vld.idx.msk [tilespmem:v27+s14+$0x0], $0xffff;
	v25 =	vadd.f32 $5.000000000e-01, v25;
	v22 =	vsub.f32 $1.000000000e+00, v22;
	v3 =	vtrunc.f32 v4  }
0x1a4: {  	v6 =	vmax.f32 v6, $0.0e+00;
	v42 =	vadd.s32 $0x1, v21;
	v35 =	vmax.f32 v2, $9.999999960e-13  }
0x1a5: {  	v36 =	vcvt.f32.s32 v3;
	v26 =	vshll.u32 v26, $0x5;
	v6 =	vmin.f32 v6, $3.100000000e+01  }
0x1a6: {  	v25 =	vtrunc.f32 v25;
	v37 =	vshra.s32 v35, $0x1;
	v3 =	vmul.f32 $5.000000000e-01, v35  }
0x1a7: {  	v6 =	vadd.f32 $5.000000000e-01, v6;
	v44 =	vcvt.f32.s32 v25;
	v39 =	vsub.s32 $0x5F3759DF, v37  }
0x1a8: {  	v26 =	vadd.s32 v36, v26;
	v5 =	vld.idx.msk [tilespmem:v5+s14+$0x0], $0xffff;
	v9 =	vsub.f32 v9, v38;
	v51 =	vshll.u32 v36, $0x4  }
0x1a9: {  	v4 =	vld.idx.msk [tilespmem:v34+s14+$0x0], $0xffff;
	v31 =	vmul.f32 v39, v3;
	v23 =	vadd.s32 v23, v26;
	v26 =	vcvt.f32.s32 v40  }
0x1aa: {  	v6 =	vtrunc.f32 v6;
	v45 =	vld.idx.msk [tilespmem:v21+s14+$0x0], $0xffff;
	v21 =	vadd.s32 $0x2, v21;
	v43 =	vshra.s32 v23, $0x1  }
0x1ab: {  	v6 =	vcvt.f32.s32 v6;
	v9 =	vmul.f32 v19, v9;
	v23 =	vmul.u32 $0x3, v23  }
0x1ac: {  	v52 =	vand.u32 $0x10, v51;
	v41 =	vmul.f32 v39, v31;
	v46 =	vshll.u32 v26, $0xA  }
0x1ad: {  	v6 =	vshll.u32 v6, $0x5;
	v9 =	vmul.f32 v9, v9;
	v49 =	vadd.s32 $0x1, v23  }
0x1ae: {  	v50 =	vadd.s32 $0x2, v23;
	v5 =	vsub.f32 v7, v5;
	v4 =	vsub.f32 v8, v4;
	v7 =	vld.idx.msk [tilespmem:v42+s14+$0x0], $0xffff  }
0x1af: {  	v6 =	vadd.s32 v44, v6;
	v47 =	vsub.f32 $1.500000000e+00, v41;
	v8 =	vshll.u32 v44, $0x4  }
0x1b0: {  	v6 =	vadd.s32 v46, v6;
	v48 =	vld.idx.msk [tilespmem:v21+s14+$0x0], $0xffff;
	v10 =	vsub.f32 v10, v45;
	v4 =	vmul.f32 v19, v4  }
0x1b1: {  	v5 =	vmul.f32 v19, v5;
	v19 =	vshra.s32 v6, $0x1;
	v27 =	vld.idx.msk [tilespmem:v43+s16+$0x0], $0xffff;
	v6 =	vmul.u32 $0x3, v6  }
0x1b2: {  	v8 =	vand.u32 $0x10, v8;
	v26 =	vmul.f32 v39, v47;
	v23 =	vld.idx.msk [tilespmem:v23+s14+$0x0], $0xffff;
	v4 =	vmul.f32 v4, v4  }
0x1b3: {  	v10 =	vmul.f32 v22, v10;
	v54 =	vadd.s32 $0x1, v6;
	v57 =	vld.idx.msk [tilespmem:v49+s14+$0x0], $0xffff;
	v7 =	vsub.f32 v13, v7  }
0x1b4: {  	v5 =	vmul.f32 v5, v5;
	v55 =	vadd.s32 $0x2, v6;
	v4 =	vadd.f32 v4, v9  }
0x1b5: {  	v56 =	vmul.f32 v26, v3;
	v25 =	vld.idx.msk [tilespmem:v50+s14+$0x0], $0xffff;
	v9 =	vsub.f32 v11, v48;
	v7 =	vmul.f32 v22, v7  }
0x1b6: {  	v10 =	vmul.f32 v10, v10;
	v53 =	vld.idx.msk [tilespmem:v19+s16+$0x0], $0xffff;
	v13 =	vshrl.u32 v27, v52;
	v4 =	vadd.f32 v4, v5  }
0x1b7: {  	v9 =	vmul.f32 v22, v9;
	v6 =	vld.idx.msk [tilespmem:v6+s14+$0x0], $0xffff;
	v60 =	vshll.u32 v13, $0x10;
	v7 =	vmul.f32 v7, v7  }
0x1b8: {  	v16 =	vsub.f32 v16, v23;
	v61 =	vld.idx.msk [tilespmem:v54+s14+$0x0], $0xffff;
	v63 =	vsub.f32 v15, v57;
	v58 =	vmax.f32 v4, $9.999999960e-13  }
0x1b9: {  	v62 =	vld.idx.msk [tilespmem:v55+s14+$0x0], $0xffff;
	v9 =	vmul.f32 v9, v9;
	v7 =	vadd.f32 v7, v10;
	v10 =	vsub.f32 $1.000000000e+00, v60  }
0x1ba: {  	v15 =	vsub.f32 v14, v25;
	v59 =	vshra.s32 v58, $0x1;
	v21 =	vmul.f32 $5.000000000e-01, v58  }
0x1bb: {  	v5 =	vshrl.u32 v53, v8;
	v7 =	vadd.f32 v7, v9;
	v16 =	vmul.f32 v10, v16  }
0x1bc: {  	v8 =	vmul.f32 v10, v63;
	v6 =	vsub.f32 v20, v6;
	v5 =	vshll.u32 v5, $0x10  }
0x1bd: {  	v9 =	vmul.f32 v10, v15;
	v5 =	vsub.f32 $1.000000000e+00, v5;
	v20 =	vsub.f32 v18, v61  }
0x1be: {  	v22 =	vsub.f32 v17, v62;
	v11 =	vmul.f32 v16, v16;
	v8 =	vmul.f32 v8, v8  }
0x1bf: {  	v23 =	vsub.s32 $0x5F3759DF, v59;
	v6 =	vmul.f32 v5, v6;
	v10 =	vmul.f32 v5, v20  }
0x1c0: {  	v25 =	vmax.f32 v7, $9.999999960e-13;
	v9 =	vmul.f32 v9, v9;
	v5 =	vmul.f32 v5, v22  }
0x1c1: {  	v8 =	vadd.f32 v8, v11;
	v6 =	vmul.f32 v6, v6;
	v10 =	vmul.f32 v10, v10  }
0x1c2: {  	v27 =	vmul.f32 v23, v21;
	v28 =	vshra.s32 v25, $0x1;
	v15 =	vmul.f32 $5.000000000e-01, v25  }
0x1c3: {  	v5 =	vmul.f32 v5, v5;
	v8 =	vadd.f32 v8, v9;
	v6 =	vadd.f32 v10, v6  }
0x1c4: {  	v30 =	vmul.f32 v56, v26;
	v31 =	vmul.f32 v23, v27;
	v32 =	vsub.s32 $0x5F3759DF, v28  }
0x1c5: {  	v13 =	vmul.f32 v32, v15;
	v33 =	vmax.f32 v8, $9.999999960e-13;
	v5 =	vadd.f32 v6, v5  }
0x1c6: {  	v34 =	vsub.f32 $1.500000000e+00, v31;
	v35 =	vshra.s32 v33, $0x1;
	v16 =	vmul.f32 $5.000000000e-01, v33  }
0x1c7: {  	v13 =	vmul.f32 v32, v13;
	v10 =	vsub.s32 $0x5F3759DF, v35;
	v36 =	vmax.f32 v5, $9.999999960e-13  }
0x1c8: {  	v37 =	vmul.f32 v10, v16;
	v38 =	vshra.s32 v36, $0x1;
	v17 =	vmul.f32 $5.000000000e-01, v36  }
0x1c9: {  	v6 =	vmul.f32 v23, v34;
	v13 =	vsub.f32 $1.500000000e+00, v13;
	v39 =	vsub.s32 $0x5F3759DF, v38  }
0x1ca: {  	v9 =	vsub.f32 $1.500000000e+00, v30;
	v18 =	vmul.f32 v10, v37;
	v19 =	vmul.f32 v39, v17  }
0x1cb: {  	v40 =	vmul.f32 v6, v21;
	v11 =	vmul.f32 v32, v13  }
0x1cc: {  	v9 =	vmul.f32 v9, v26;
	v41 =	vsub.f32 $1.500000000e+00, v18;
	v42 =	vmul.f32 v39, v19  }
0x1cd: {  	v43 =	vmul.f32 v40, v6;
	v44 =	vmul.f32 v11, v15  }
0x1ce: {  	v10 =	vmul.f32 v10, v41;
	v45 =	vsub.f32 $1.500000000e+00, v42  }
0x1cf: {  	v3 =	vmul.f32 v9, v3;
	v46 =	vsub.f32 $1.500000000e+00, v43;
	v47 =	vmul.f32 v44, v11  }
0x1d0: {  	v48 =	vmul.f32 v10, v16;
	v13 =	vmul.f32 v39, v45  }
0x1d1: {  	v3 =	vmul.f32 v3, v9;
	v6 =	vmul.f32 v46, v6;
	v49 =	vsub.f32 $1.500000000e+00, v47  }
0x1d2: {  	v50 =	vmul.f32 v48, v10;
	v51 =	vmul.f32 v13, v17  }
0x1d3: {  	v52 =	vmul.f32 v6, v21;
	v11 =	vmul.f32 v49, v11  }
0x1d4: {  	v53 =	vsub.f32 $1.500000000e+00, v50;
	v54 =	vmul.f32 v51, v13  }
0x1d5: {  	v3 =	vsub.f32 $1.500000000e+00, v3;
	v55 =	vmul.f32 v52, v6;
	v15 =	vmul.f32 v11, v15  }
0x1d6: {  	v12 =	vmul.f32 v24, v12;
	v10 =	vmul.f32 v53, v10;
	v56 =	vsub.f32 $1.500000000e+00, v54  }
0x1d7: {  	v3 =	vmul.f32 v3, v9;
	v57 =	vsub.f32 $1.500000000e+00, v55;
	v15 =	vmul.f32 v15, v11  }
0x1d8: {  	v16 =	vmul.f32 v10, v16;
	v13 =	vmul.f32 v56, v13  }
0x1d9: {  	v1 =	vadd.f32 v12, v1;
	v2 =	vmul.f32 v3, v2;
	v3 =	vmul.f32 v57, v6  }
0x1da: {  	v58 =	vsub.f32 $1.500000000e+00, v15;
	v59 =	vmul.f32 v16, v10;
	v60 =	vmul.f32 v13, v17  }
0x1db: {  	v1 =	vadd.f32 v2, v1;
	v2 =	vmul.f32 v3, v4  }
0x1dc: {  	v3 =	vmul.f32 v58, v11;
	v61 =	vsub.f32 $1.500000000e+00, v59;
	v62 =	vmul.f32 v60, v13  }
0x1dd: {  	v1 =	vadd.f32 v2, v1  }
0x1de: {  	s21 =	sadd.s32 $0x1, s21;
	v2 =	vmul.f32 v3, v7;
	v3 =	vmul.f32 v61, v10;
	v63 =	vsub.f32 $1.500000000e+00, v62  }
0x1df: {  	p0 =	sne.s32 s21, $0x8  }
.Ltmp3:
0x1e0: {  	v1 =	vadd.f32 v2, v1;
	v2 =	vmul.f32 v3, v8;
	v3 =	vmul.f32 v63, v13;
	(pc) =	sbr.rel @p0 .LBB2_6-.Ltmp3, $3  }
0x1e1: {  	_ = 	snop  }
0x1e2: {  	v1 =	vadd.f32 v2, v1;
	v2 =	vmul.f32 v3, v5;
	_ =	sdelay $0x1  }
0x1e3: {  	v1 =	vadd.f32 v2, v1  }
0x1e4: {  	[tilespmem:s14], [sflag:$0x1] =	stream.strided.gather [hbm4b:s7+s13], $0x18000, s14, s13, $0x38;
	[tilespmem:$0x1F480] =	vst v63  }
0x1e5: {  	_ =	swait.ge [sflag:s15], $0x18000  }
0x1e6: {  	[sflag:s15] =	ssyncset.done $0x0  }
0x1e7: {  	[sflag:s15] =	ssyncadd.s32 $0xFFFE8000  }
0x1e8: {  	[tilespmem:s16], [sflag:$0x1] =	stream.strided.gather [hbm4b:s8+s13], $0x4000, s14, s13, $0x38;
	[tilespmem:$0x1F480] =	vst v63  }
0x1e9: {  	_ =	swait.ge [sflag:s15], $0x4000  }
0x1ea: {  	[sflag:s15] =	ssyncset.done $0x0  }
0x1eb: {  	[sflag:s15] =	ssyncadd.s32 $0xFFFFC000  }
0x1ec: {  	[tilespmem:s17], [sflag:$0x1] =	stream.strided.gather [hbm4b:s9+s13], $0x3000, s14, s13, $0x38;
	[tilespmem:$0x1F480] =	vst v63  }
0x1ed: {  	_ =	swait.ge [sflag:s15], $0x3000  }
0x1ee: {  	[sflag:s15] =	ssyncset.done $0x0  }
0x1ef: {  	s21 =	simm.s32 $0x0;
	[sflag:s15] =	ssyncadd.s32 $0xFFFFD000  }
0x1f0: {  	[tilespmem:s21], [sflag:$0x1] =	stream.strided.gather [hbm4b:s10+s13], $0x400, s14, s13, $0x38;
	[tilespmem:$0x1F480] =	vst v63  }
0x1f1: {  	_ =	swait.ge [sflag:s15], $0x400  }
0x1f2: {  	[sflag:s15] =	ssyncset.done $0x0  }
0x1f3: {  	s22 =	simm.s32 $0x0;
	[sflag:s15] =	ssyncadd.s32 $0xFFFFFC00  }
.LBB2_10:
0x1f4: {  	s20 =	sshll.u32 s22, $0x6  }
0x1f5: {  	s20 =	sand.u32 $0x3FFFFFC0, s20  }
0x1f6: {  	v2 =	vld [tilespmem:s20+$0x0]  }
0x1f7: {  	v3 =	vld [tilespmem:s20+$0x10];
	_ =	sdelay $0x1  }
0x1f8: {  	v4 =	vld [tilespmem:s20+$0x20];
	_ =	sdelay $0x2  }
0x1f9: {  	v5 =	vmul.f32 v2, v2;
	v6 =	vmul.f32 v3, v3;
	_ =	sdelay $0x1  }
0x1fa: {  	v5 =	vadd.f32 v6, v5;
	v6 =	vmul.f32 v4, v4;
	_ =	sdelay $0x1  }
0x1fb: {  	v5 =	vadd.f32 v6, v5;
	_ =	sdelay $0x1  }
0x1fc: {  	v5 =	vadd.f32 $9.999999930e-09, v5  }
0x1fd: {  	s23 =	simm.s32 $0x1C400  }
0x1fe: {  	s28 =	sand.u32 $0xFF0, s21;
	v9 =	vld [tilespmem:s23+$0x0];
	(erf) = vrcp.f32 v5  }
0x1ff: {  	v8 =	vld [tilespmem:s28+$0x1D400];
	_ =	sdelay $0x1  }
0x200: {  	v10 =	vld [tilespmem:s28+$0x1E400];
	_ =	sdelay $0x2  }
0x201: {  	v7 =	vmul.f32 v8, v3;
	v6 =	vmul.f32 v9, v2  }
0x202: {  	v5 =	vld [tilespmem:s20+$0x30]  }
0x203: {  	v6 =	vadd.f32 v7, v6;
	v7 =	vmul.f32 v10, v4  }
0x204: {  	v11 =	vpop (erf)  }
0x205: {  	s29 =	simm.s32 $0x10;
	s30 =	simm.s32 $0x1C410;
	v7 =	vadd.f32 v7, v6;
	v11 =	vadd.f32 v11, v11  }
0x206: {  	v12 =	vld [tilespmem:s30+$0x0];
	s20 =	sand.u32 $0xFF0, s29  }
0x207: {  	v15 =	vld [tilespmem:s20+$0x1D400];
	v13 =	vadd.f32 v7, v5;
	v6 =	vmul.f32 v11, v3  }
0x208: {  	v7 =	vmul.f32 v11, v4  }
0x209: {  	v16 =	vld [tilespmem:s20+$0x1E400];
	v14 =	vmul.f32 v13, v6  }
0x20a: {  	v17 =	vmul.f32 v13, v7  }
0x20b: {  	s24 =	simm.s32 $0x1C420;
	v20 =	vsub.f32 v8, v14  }
0x20c: {  	s31 =	simm.s32 $0x20;
	v21 =	vld [tilespmem:s24+$0x0];
	v14 =	vsub.f32 v10, v17;
	v10 =	vmul.f32 v12, v2;
	v17 =	vmul.f32 v15, v3  }
0x20d: {  	s20 =	sand.u32 $0xFF0, s31;
	v8 =	vmul.f32 v11, v2  }
0x20e: {  	v22 =	vld [tilespmem:s20+$0x1D400];
	v11 =	vmul.f32 $3.200000000e+01, v20;
	v10 =	vadd.f32 v17, v10;
	v17 =	vmul.f32 v16, v4  }
0x20f: {  	v18 =	vmul.f32 $3.200000000e+01, v14  }
0x210: {  	v13 =	vmul.f32 v13, v8;
	v11 =	vadd.f32 $1.550000000e+01, v11;
	v10 =	vadd.f32 v17, v10  }
0x211: {  	v24 =	vmul.f32 v21, v2;
	v18 =	vadd.f32 $1.550000000e+01, v18  }
0x212: {  	v13 =	vsub.f32 v9, v13;
	v9 =	vmax.f32 v11, $0.0e+00;
	v10 =	vadd.f32 v10, v5  }
0x213: {  	v25 =	vmul.f32 v22, v3;
	v11 =	vmax.f32 v18, $0.0e+00;
	v9 =	vmin.f32 v9, $3.100000000e+01  }
0x214: {  	v17 =	vmul.f32 $3.200000000e+01, v13;
	v9 =	vadd.f32 $5.000000000e-01, v9;
	v18 =	vmul.f32 v10, v6  }
0x215: {  	v24 =	vadd.f32 v25, v24;
	v11 =	vmin.f32 v11, $3.100000000e+01;
	v19 =	vmul.f32 v10, v7  }
0x216: {  	s25 =	simm.s32 $0x30;
	v17 =	vadd.f32 $1.550000000e+01, v17;
	v23 =	vtrunc.f32 v9;
	v9 =	vsub.f32 v15, v18  }
0x217: {  	v11 =	vadd.f32 $5.000000000e-01, v11;
	v19 =	vsub.f32 v16, v19;
	v16 =	vld [tilespmem:s20+$0x1E400];
	s20 =	sand.u32 $0xFF0, s25  }
0x218: {  	v10 =	vmul.f32 v10, v8;
	v17 =	vmax.f32 v17, $0.0e+00;
	v27 =	vld [tilespmem:s20+$0x1D400];
	v18 =	vmul.f32 $3.200000000e+01, v9  }
0x219: {  	v15 =	vcvt.f32.s32 v23;
	v17 =	vmin.f32 v17, $3.100000000e+01;
	v23 =	vmul.f32 $3.200000000e+01, v19  }
0x21a: {  	v11 =	vtrunc.f32 v11;
	v17 =	vadd.f32 $5.000000000e-01, v17;
	v18 =	vadd.f32 $1.550000000e+01, v18  }
0x21b: {  	v11 =	vcvt.f32.s32 v11;
	v15 =	vshll.u32 v15, $0x5;
	v23 =	vadd.f32 $1.550000000e+01, v23  }
0x21c: {  	v26 =	vtrunc.f32 v17;
	v25 =	vmul.f32 v16, v4;
	v17 =	vmax.f32 v18, $0.0e+00  }
0x21d: {  	v30 =	vmul.f32 v27, v3;
	v18 =	vmin.f32 v17, $3.100000000e+01;
	v17 =	vsub.f32 v12, v10  }
0x21e: {  	v10 =	vadd.f32 v25, v24;
	v12 =	vadd.s32 v11, v15;
	v24 =	vcvt.f32.s32 v26  }
0x21f: {  	v15 =	vmax.f32 v23, $0.0e+00;
	v11 =	vshll.u32 v11, $0x4;
	v18 =	vadd.f32 $5.000000000e-01, v18  }
0x220: {  	v23 =	vmul.f32 $3.200000000e+01, v17;
	v10 =	vadd.f32 v10, v5;
	v24 =	vshll.u32 v24, $0xA  }
0x221: {  	s26 =	simm.s32 $0x1C430;
	v15 =	vmin.f32 v15, $3.100000000e+01;
	v18 =	vtrunc.f32 v18;
	v12 =	vadd.s32 v24, v12  }
0x222: {  	v25 =	vld [tilespmem:s26+$0x0];
	v26 =	vcvt.f32.s32 v18;
	v18 =	vadd.f32 $1.550000000e+01, v23;
	v23 =	vmul.f32 v10, v6  }
0x223: {  	v28 =	vand.u32 $0x10, v11;
	v29 =	vadd.f32 $5.000000000e-01, v15;
	v24 =	vmul.u32 $0x3, v12  }
0x224: {  	v11 =	vmul.f32 v10, v7;
	v12 =	vshra.s32 v12, $0x1;
	v15 =	vsub.f32 v22, v23;
	v22 =	vld [tilespmem:s20+$0x1E400]  }
0x225: {  	v10 =	vmul.f32 v10, v8;
	v18 =	vmax.f32 v18, $0.0e+00;
	v32 =	vadd.s32 $0x1, v24  }
0x226: {  	s28 =	simm.s32 $0x40;
	v23 =	vmin.f32 v18, $3.100000000e+01;
	v18 =	vsub.f32 v16, v11;
	v11 =	vtrunc.f32 v29  }
0x227: {  	v26 =	vshll.u32 v26, $0x5;
	s20 =	sand.u32 $0xFF0, s28;
	v29 =	vmul.f32 v25, v2;
	v16 =	vmul.f32 $3.200000000e+01, v15  }
0x228: {  	v45 =	vld [tilespmem:s20+$0x1E400];
	v23 =	vadd.f32 $5.000000000e-01, v23;
	v11 =	vcvt.f32.s32 v11;
	v31 =	vmul.f32 $3.200000000e+01, v18  }
0x229: {  	v29 =	vadd.f32 v30, v29;
	v33 =	vld.idx.msk [tilespmem:v12+s16+$0x0], $0xffff;
	v12 =	vsub.f32 v21, v10;
	v30 =	vmul.f32 v22, v4  }
0x22a: {  	v16 =	vadd.f32 $1.550000000e+01, v16;
	v23 =	vtrunc.f32 v23;
	v26 =	vadd.s32 v11, v26  }
0x22b: {  	v11 =	vshll.u32 v11, $0x4;
	v31 =	vadd.f32 $1.550000000e+01, v31;
	v29 =	vadd.f32 v30, v29  }
0x22c: {  	v23 =	vcvt.f32.s32 v23;
	v43 =	vmul.f32 $3.200000000e+01, v12;
	v30 =	vadd.s32 $0x2, v24  }
0x22d: {  	v34 =	vand.u32 $0x10, v11;
	v16 =	vmax.f32 v16, $0.0e+00;
	v29 =	vadd.f32 v29, v5  }
0x22e: {  	v10 =	vld.idx.msk [tilespmem:v32+s14+$0x0], $0xffff;
	v46 =	vmul.f32 v45, v4;
	v16 =	vmin.f32 v16, $3.100000000e+01;
	v31 =	vmax.f32 v31, $0.0e+00  }
0x22f: {  	v23 =	vshll.u32 v23, $0xA;
	v21 =	vmin.f32 v31, $3.100000000e+01;
	v31 =	vmul.f32 v29, v6  }
0x230: {  	v16 =	vadd.f32 $5.000000000e-01, v16;
	v23 =	vadd.s32 v23, v26;
	v28 =	vshrl.u32 v33, v28  }
0x231: {  	v21 =	vadd.f32 $5.000000000e-01, v21;
	v44 =	vmul.u32 $0x3, v23;
	v30 =	vld.idx.msk [tilespmem:v30+s14+$0x0], $0xffff;
	v11 =	vsub.f32 v27, v31  }
0x232: {  	v23 =	vshra.s32 v23, $0x1;
	v26 =	vmul.f32 v29, v7;
	v27 =	vadd.f32 $1.550000000e+01, v43  }
0x233: {  	v16 =	vtrunc.f32 v16;
	v20 =	vsub.f32 v20, v10;
	v31 =	vmul.f32 $3.200000000e+01, v11  }
0x234: {  	v24 =	vld.idx.msk [tilespmem:v24+s14+$0x0], $0xffff;
	v16 =	vcvt.f32.s32 v16;
	v10 =	vsub.f32 v22, v26;
	v27 =	vmax.f32 v27, $0.0e+00  }
0x235: {  	s29 =	simm.s32 $0x1C440;
	v21 =	vtrunc.f32 v21;
	v22 =	vmin.f32 v27, $3.100000000e+01;
	v27 =	vadd.f32 $1.550000000e+01, v31  }
0x236: {  	v26 =	vshll.u32 v28, $0x10;
	v28 =	vmul.f32 $3.200000000e+01, v10;
	v14 =	vsub.f32 v14, v30;
	v30 =	vld [tilespmem:s29+$0x0]  }
0x237: {  	v21 =	vcvt.f32.s32 v21;
	v16 =	vshll.u32 v16, $0x5;
	v31 =	vld [tilespmem:s20+$0x1D400];
	v27 =	vmax.f32 v27, $0.0e+00  }
0x238: {  	v22 =	vadd.f32 $5.000000000e-01, v22;
	v28 =	vadd.f32 $1.550000000e+01, v28;
	v27 =	vmin.f32 v27, $3.100000000e+01  }
0x239: {  	v13 =	vsub.f32 v13, v24;
	v35 =	vadd.s32 v21, v16;
	v27 =	vadd.f32 $5.000000000e-01, v27  }
0x23a: {  	v26 =	vsub.f32 $1.000000000e+00, v26;
	v22 =	vtrunc.f32 v22;
	v16 =	vmax.f32 v28, $0.0e+00  }
0x23b: {  	v28 =	vmin.f32 v16, $3.100000000e+01;
	v16 =	vtrunc.f32 v27;
	v27 =	vadd.s32 $0x1, v44  }
0x23c: {  	v24 =	vadd.s32 $0x2, v44;
	v36 =	vmul.f32 v30, v2;
	v37 =	vmul.f32 v31, v3  }
0x23d: {  	v21 =	vshll.u32 v21, $0x4;
	v20 =	vmul.f32 v26, v20;
	v22 =	vcvt.f32.s32 v22  }
0x23e: {  	v23 =	vld.idx.msk [tilespmem:v23+s16+$0x0], $0xffff;
	v38 =	vcvt.f32.s32 v16;
	v16 =	vmul.f32 v29, v8;
	v29 =	vadd.f32 v37, v36  }
0x23f: {  	s30 =	simm.s32 $0x50;
	v13 =	vmul.f32 v26, v13;
	v14 =	vmul.f32 v26, v14;
	v22 =	vshll.u32 v22, $0xA  }
0x240: {  	s20 =	sand.u32 $0xFF0, s30;
	v22 =	vadd.s32 v22, v35;
	v16 =	vsub.f32 v25, v16;
	v26 =	vadd.f32 v46, v29;
	v25 =	vld.idx.msk [tilespmem:v27+s14+$0x0], $0xffff  }
0x241: {  	v13 =	vmul.f32 v13, v13;
	v52 =	vld [tilespmem:s20+$0x1D400];
	v51 =	vmul.u32 $0x3, v22;
	v22 =	vshra.s32 v22, $0x1  }
0x242: {  	v27 =	vmul.f32 v14, v14;
	v14 =	vmul.f32 $3.200000000e+01, v16;
	v26 =	vadd.f32 v26, v5  }
0x243: {  	v20 =	vmul.f32 v20, v20;
	v23 =	vshrl.u32 v23, v34;
	v29 =	vand.u32 $0x10, v21;
	v21 =	vld.idx.msk [tilespmem:v24+s14+$0x0], $0xffff  }
0x244: {  	v28 =	vadd.f32 $5.000000000e-01, v28;
	v14 =	vadd.f32 $1.550000000e+01, v14;
	v24 =	vmul.f32 v26, v6  }
0x245: {  	v25 =	vsub.f32 v9, v25;
	v9 =	vadd.f32 v20, v13;
	v13 =	vmul.f32 v26, v7  }
0x246: {  	v41 =	vmul.f32 v52, v3;
	v22 =	vld.idx.msk [tilespmem:v22+s16+$0x0], $0xffff;
	v20 =	vmax.f32 v14, $0.0e+00;
	v14 =	vsub.f32 v31, v24  }
0x247: {  	v47 =	vshll.u32 v38, $0x5;
	v55 =	vadd.s32 $0x1, v51;
	v13 =	vsub.f32 v45, v13  }
0x248: {  	v19 =	vsub.f32 v19, v21;
	v24 =	vshll.u32 v23, $0x10;
	v21 =	vmul.f32 $3.200000000e+01, v14  }
0x249: {  	v23 =	vtrunc.f32 v28;
	v20 =	vmin.f32 v20, $3.100000000e+01;
	v28 =	vmul.f32 $3.200000000e+01, v13  }
0x24a: {  	v48 =	vcvt.f32.s32 v23;
	v24 =	vsub.f32 $1.000000000e+00, v24;
	v21 =	vadd.f32 $1.550000000e+01, v21  }
0x24b: {  	v22 =	vshrl.u32 v22, v29;
	v9 =	vadd.f32 v9, v27;
	v23 =	vadd.f32 $1.550000000e+01, v28  }
0x24c: {  	s31 =	simm.s32 $0x1C450;
	v27 =	vadd.f32 $5.000000000e-01, v20;
	v49 =	vadd.s32 v48, v47;
	v28 =	vld.idx.msk [tilespmem:v44+s14+$0x0], $0xffff;
	v21 =	vmax.f32 v21, $0.0e+00  }
0x24d: {  	v31 =	vmax.f32 v9, $9.999999960e-13;
	v21 =	vmin.f32 v21, $3.100000000e+01;
	v50 =	vmax.f32 v23, $0.0e+00;
	v23 =	vld [tilespmem:s31+$0x0]  }
0x24e: {  	v20 =	vmul.f32 $5.000000000e-01, v31;
	v31 =	vshra.s32 v31, $0x1;
	v21 =	vadd.f32 $5.000000000e-01, v21  }
0x24f: {  	v39 =	vld [tilespmem:s20+$0x1E400];
	v25 =	vmul.f32 v24, v25;
	v19 =	vmul.f32 v24, v19;
	v31 =	vsub.s32 $0x5F3759DF, v31  }
0x250: {  	v34 =	vshll.u32 v48, $0x4;
	v54 =	vmul.f32 v31, v20;
	v21 =	vtrunc.f32 v21  }
0x251: {  	v40 =	vcvt.f32.s32 v21;
	v21 =	vmul.f32 v26, v8;
	v17 =	vsub.f32 v17, v28  }
0x252: {  	v27 =	vtrunc.f32 v27;
	v28 =	vadd.s32 $0x2, v51;
	v26 =	vmul.f32 v23, v2  }
0x253: {  	v33 =	vmul.f32 v31, v54;
	v24 =	vmul.f32 v24, v17;
	v17 =	vsub.f32 v30, v21  }
0x254: {  	v38 =	vld.idx.msk [tilespmem:v55+s14+$0x0], $0xffff;
	v21 =	vcvt.f32.s32 v27;
	v27 =	vmul.f32 v39, v4;
	v26 =	vadd.f32 v41, v26  }
0x255: {  	v19 =	vmul.f32 v19, v19;
	v25 =	vmul.f32 v25, v25;
	v33 =	vsub.f32 $1.500000000e+00, v33  }
0x256: {  	v53 =	vmin.f32 v50, $3.100000000e+01;
	v30 =	vmul.f32 $3.200000000e+01, v17;
	v26 =	vadd.f32 v27, v26  }
0x257: {  	v58 =	vadd.f32 $5.000000000e-01, v53;
	v33 =	vmul.f32 v31, v33;
	v24 =	vmul.f32 v24, v24;
	v28 =	vld.idx.msk [tilespmem:v28+s14+$0x0], $0xffff  }
0x258: {  	v61 =	vshll.u32 v40, $0x5;
	v57 =	vadd.f32 $1.550000000e+01, v30;
	v27 =	vadd.f32 v26, v5  }
0x259: {  	v56 =	vshll.u32 v21, $0xA;
	v26 =	vsub.f32 v15, v38;
	v15 =	vadd.f32 v25, v24  }
0x25a: {  	v21 =	vand.u32 $0x10, v34;
	v34 =	vshll.u32 v22, $0x10;
	v24 =	vmul.f32 v27, v6  }
0x25b: {  	v29 =	vmax.f32 v57, $0.0e+00;
	v31 =	vmul.f32 v27, v7;
	v15 =	vadd.f32 v15, v19  }
0x25c: {  	v25 =	vmin.f32 v29, $3.100000000e+01;
	v29 =	vsub.f32 v18, v28;
	v19 =	vsub.f32 v52, v24  }
0x25d: {  	v28 =	vmul.f32 v33, v20;
	v25 =	vadd.f32 $5.000000000e-01, v25;
	v18 =	vsub.f32 v39, v31  }
0x25e: {  	v30 =	vadd.s32 v56, v49;
	v24 =	vtrunc.f32 v58;
	v31 =	vmul.f32 $3.200000000e+01, v19  }
0x25f: {  	v59 =	vmax.f32 v15, $9.999999960e-13;
	v32 =	vtrunc.f32 v25;
	v60 =	vmul.f32 $3.200000000e+01, v18  }
0x260: {  	v35 =	vcvt.f32.s32 v24;
	v24 =	vmul.f32 v28, v33;
	v31 =	vadd.f32 $1.550000000e+01, v31  }
0x261: {  	v22 =	vmul.f32 $5.000000000e-01, v59;
	v25 =	vshra.s32 v59, $0x1;
	v62 =	vadd.f32 $1.550000000e+01, v60  }
0x262: {  	v28 =	vadd.s32 v35, v61;
	v36 =	vsub.f32 $1.500000000e+00, v24;
	v31 =	vmax.f32 v31, $0.0e+00  }
0x263: {  	v24 =	vsub.s32 $0x5F3759DF, v25;
	v63 =	vmin.f32 v31, $3.100000000e+01;
	v31 =	vmax.f32 v62, $0.0e+00  }
0x264: {  	s23 =	simm.s32 $0x1C460;
	s20 =	simm.s32 $0x60;
	v25 =	vld.idx.msk [tilespmem:v51+s14+$0x0], $0xffff;
	v38 =	vmul.f32 v24, v22;
	v31 =	vmin.f32 v31, $3.100000000e+01;
	v37 =	vadd.f32 $5.000000000e-01, v63  }
.LBB2_11:
0x265: {  	v39 =	vld [tilespmem:s23+$0x0];
	s24 =	sand.u32 $0xFF0, s20;
	p0 =	sne.s32 s20, $0xFF0;
	s20 =	sadd.s32 $0x10, s20;
	v40 =	vshra.s32 v30, $0x1;
	v30 =	vmul.u32 $0x3, v30;
	v33 =	vmul.f32 v36, v33  }
0x266: {  	v34 =	vsub.f32 $1.000000000e+00, v34;
	v36 =	vld [tilespmem:s24+$0x1D400];
	v37 =	vtrunc.f32 v37;
	v38 =	vmul.f32 v24, v38  }
0x267: {  	v35 =	vshll.u32 v35, $0x4;
	v41 =	vadd.s32 $0x1, v30;
	v42 =	vmul.f32 v33, v20;
	v20 =	vmovc v22  }
0x268: {  	v37 =	vcvt.f32.s32 v37;
	v26 =	vmul.f32 v34, v26;
	v22 =	vld [tilespmem:s24+$0x1E400];
	v38 =	vsub.f32 $1.500000000e+00, v38  }
0x269: {  	v27 =	vmul.f32 v27, v8;
	v43 =	vsub.f32 v12, v25;
	v12 =	vmovc v16;
	v42 =	vmul.f32 v42, v33  }
0x26a: {  	v16 =	vmovc v17;
	v45 =	vadd.s32 $0x2, v30;
	v29 =	vmul.f32 v34, v29;
	v44 =	vmul.f32 v39, v2;
	v40 =	vld.idx.msk [tilespmem:v40+s16+$0x0], $0xffff  }
0x26b: {  	v46 =	vmul.f32 v36, v3;
	v25 =	vld.idx.msk [tilespmem:v30+s14+$0x0], $0xffff;
	v30 =	vmul.f32 v34, v43;
	v34 =	vsub.f32 $1.500000000e+00, v42  }
0x26c: {  	v17 =	vsub.f32 v23, v27;
	v27 =	vcvt.f32.s32 v32;
	v29 =	vmul.f32 v29, v29;
	v23 =	vmovc v39;
	v32 =	vld.idx.msk [tilespmem:v41+s14+$0x0], $0xffff  }
0x26d: {  	v39 =	vadd.f32 v46, v44;
	v41 =	vmul.f32 v22, v4;
	v33 =	vmul.f32 v34, v33  }
0x26e: {  	v27 =	vshll.u32 v27, $0xA;
	v34 =	vmul.f32 $3.200000000e+01, v17;
	v42 =	vmul.f32 v30, v30  }
0x26f: {  	v35 =	vand.u32 $0x10, v35;
	v39 =	vadd.f32 v41, v39;
	v41 =	vld.idx.msk [tilespmem:v45+s14+$0x0], $0xffff;
	v33 =	vmul.f32 v33, v9;
	v9 =	vmovc v15  }
0x270: {  	v30 =	vadd.s32 v27, v28;
	v28 =	vmul.f32 v26, v26;
	v15 =	vadd.f32 $1.550000000e+01, v34  }
0x271: {  	v34 =	vshrl.u32 v40, v21;
	v21 =	vmovc v35;
	v27 =	vadd.f32 v39, v5;
	v0 =	vadd.f32 v33, v0  }
0x272: {  	v28 =	vadd.f32 v28, v42;
	v15 =	vmax.f32 v15, $0.0e+00;
	v26 =	vsub.f32 v11, v32;
	v11 =	vmovc v14;
	v14 =	vmovc v19  }
0x273: {  	v33 =	vmul.f32 v24, v38;
	v32 =	vmin.f32 v15, $3.100000000e+01;
	v19 =	vmul.f32 v27, v6  }
0x274: {  	v31 =	vadd.f32 $5.000000000e-01, v31;
	v15 =	vadd.f32 v28, v29;
	v24 =	vmul.f32 v27, v7  }
0x275: {  	v34 =	vshll.u32 v34, $0x10;
	v29 =	vsub.f32 v10, v41;
	v10 =	vmovc v13;
	v13 =	vmovc v18;
	v19 =	vsub.f32 v36, v19  }
0x276: {  	v28 =	vmul.f32 v33, v20;
	v18 =	vsub.f32 v22, v24;
	v24 =	vtrunc.f32 v31  }
0x277: {  	v32 =	vadd.f32 $5.000000000e-01, v32;
	v36 =	vmax.f32 v15, $9.999999960e-13;
	v31 =	vmul.f32 $3.200000000e+01, v19  }
0x278: {  	v37 =	vshll.u32 v37, $0x5;
	v22 =	vmul.f32 $5.000000000e-01, v36;
	v38 =	vmul.f32 $3.200000000e+01, v18  }
.Ltmp4:
0x279: {  	v35 =	vcvt.f32.s32 v24;
	v24 =	vmul.f32 v28, v33;
	v31 =	vadd.f32 $1.550000000e+01, v31;
	(pc) =	sbr.rel @p0 .LBB2_11-.Ltmp4, $4  }
0x27a: {  	v32 =	vtrunc.f32 v32;
	v39 =	vshra.s32 v36, $0x1;
	v38 =	vadd.f32 $1.550000000e+01, v38  }
0x27b: {  	v28 =	vadd.s32 v35, v37;
	v36 =	vsub.f32 $1.500000000e+00, v24;
	v31 =	vmax.f32 v31, $0.0e+00  }
0x27c: {  	v24 =	vsub.s32 $0x5F3759DF, v39;
	v37 =	vmin.f32 v31, $3.100000000e+01;
	v31 =	vmax.f32 v38, $0.0e+00  }
0x27d: {  	s23 =	sadd.s32 $0x10, s23;
	v38 =	vmul.f32 v24, v22;
	v31 =	vmin.f32 v31, $3.100000000e+01;
	v37 =	vadd.f32 $5.000000000e-01, v37  }
0x27e: {  	v2 =	vmul.f32 v27, v8  }
0x27f: {  	v5 =	vshra.s32 v30, $0x1;
	v6 =	vmul.u32 $0x3, v30  }
0x280: {  	v60 =	vsub.f32 $1.000000000e+00, v34;
	v62 =	vshll.u32 v35, $0x4;
	v4 =	vsub.f32 v23, v2  }
0x281: {  	v12 =	vsub.f32 v12, v25;
	v40 =	vcvt.f32.s32 v32;
	v7 =	vtrunc.f32 v37  }
0x282: {  	v31 =	vadd.f32 $5.000000000e-01, v31;
	v61 =	vmul.f32 v24, v38;
	v3 =	vmul.f32 $3.200000000e+01, v4  }
0x283: {  	v50 =	vand.u32 $0x10, v62;
	v2 =	vmul.f32 v36, v33;
	v30 =	vadd.s32 $0x1, v6  }
0x284: {  	v7 =	vcvt.f32.s32 v7;
	v36 =	vmul.f32 v60, v26;
	v63 =	vadd.f32 $1.550000000e+01, v3  }
0x285: {  	v37 =	vadd.s32 $0x2, v6;
	v29 =	vmul.f32 v60, v29;
	v8 =	vmul.f32 v60, v12  }
0x286: {  	v26 =	vshll.u32 v40, $0xA;
	v31 =	vtrunc.f32 v31;
	v38 =	vmax.f32 v63, $0.0e+00  }
0x287: {  	v23 =	vsub.f32 $1.500000000e+00, v61;
	v26 =	vadd.s32 v26, v28;
	v39 =	vmin.f32 v38, $3.100000000e+01  }
0x288: {  	v41 =	vcvt.f32.s32 v31;
	v29 =	vmul.f32 v29, v29;
	v12 =	vadd.f32 $5.000000000e-01, v39  }
0x289: {  	v8 =	vmul.f32 v8, v8;
	v7 =	vshll.u32 v7, $0x5;
	v42 =	vshra.s32 v26, $0x1  }
0x28a: {  	v26 =	vmul.u32 $0x3, v26;
	v5 =	vld.idx.msk [tilespmem:v5+s16+$0x0], $0xffff;
	v7 =	vadd.s32 v41, v7;
	v12 =	vtrunc.f32 v12  }
0x28b: {  	v23 =	vmul.f32 v24, v23;
	v57 =	vshll.u32 v41, $0x4;
	v6 =	vld.idx.msk [tilespmem:v6+s14+$0x0], $0xffff;
	v12 =	vcvt.f32.s32 v12  }
0x28c: {  	v3 =	vmul.f32 v2, v20;
	v20 =	vmul.f32 v36, v36;
	v43 =	vadd.s32 $0x1, v26;
	v30 =	vld.idx.msk [tilespmem:v30+s14+$0x0], $0xffff  }
0x28d: {  	v44 =	vadd.s32 $0x2, v26;
	v59 =	vand.u32 $0x10, v57;
	v25 =	vld.idx.msk [tilespmem:v37+s14+$0x0], $0xffff;
	v12 =	vshll.u32 v12, $0xA  }
0x28e: {  	v51 =	vmul.f32 v23, v22;
	v8 =	vadd.f32 v20, v8;
	v7 =	vadd.s32 v12, v7  }
0x28f: {  	v46 =	vld.idx.msk [tilespmem:v42+s16+$0x0], $0xffff;
	v5 =	vshrl.u32 v5, v21;
	v45 =	vmul.u32 $0x3, v7;
	v7 =	vshra.s32 v7, $0x1  }
0x290: {  	v8 =	vadd.f32 v8, v29;
	v5 =	vshll.u32 v5, $0x10;
	v6 =	vsub.f32 v16, v6  }
0x291: {  	v21 =	vld.idx.msk [tilespmem:v43+s14+$0x0], $0xffff;
	v11 =	vsub.f32 v11, v30;
	v5 =	vsub.f32 $1.000000000e+00, v5;
	v47 =	vadd.s32 $0x1, v45  }
0x292: {  	v3 =	vmul.f32 v3, v2;
	v48 =	vld.idx.msk [tilespmem:v26+s14+$0x0], $0xffff;
	v10 =	vsub.f32 v10, v25;
	v49 =	vadd.s32 $0x2, v45  }
0x293: {  	v52 =	vld.idx.msk [tilespmem:v44+s14+$0x0], $0xffff;
	v53 =	vmax.f32 v8, $9.999999960e-13;
	v11 =	vmul.f32 v5, v11;
	v6 =	vmul.f32 v5, v6  }
0x294: {  	v54 =	vmul.f32 $5.000000000e-01, v53;
	v5 =	vmul.f32 v5, v10;
	v16 =	vshrl.u32 v46, v50;
	v7 =	vld.idx.msk [tilespmem:v7+s16+$0x0], $0xffff  }
0x295: {  	v55 =	vshll.u32 v16, $0x10;
	v6 =	vmul.f32 v6, v6;
	v11 =	vmul.f32 v11, v11;
	v56 =	vld.idx.msk [tilespmem:v45+s14+$0x0], $0xffff  }
0x296: {  	v12 =	vshra.s32 v53, $0x1;
	v5 =	vmul.f32 v5, v5;
	v14 =	vsub.f32 v14, v21;
	v20 =	vld.idx.msk [tilespmem:v47+s14+$0x0], $0xffff  }
0x297: {  	v12 =	vsub.s32 $0x5F3759DF, v12;
	v6 =	vadd.f32 v11, v6;
	v11 =	vsub.f32 $1.000000000e+00, v55;
	v58 =	vld.idx.msk [tilespmem:v49+s14+$0x0], $0xffff  }
0x298: {  	v60 =	vsub.f32 v17, v48;
	v10 =	vsub.f32 v13, v52;
	v25 =	vmul.f32 v12, v54  }
0x299: {  	v5 =	vadd.f32 v6, v5;
	v61 =	vmul.f32 v11, v14;
	v7 =	vshrl.u32 v7, v59  }
0x29a: {  	v6 =	vmul.f32 v11, v60;
	v7 =	vshll.u32 v7, $0x10;
	v4 =	vsub.f32 v4, v56  }
0x29b: {  	v10 =	vmul.f32 v11, v10;
	v62 =	vsub.f32 v19, v20;
	v7 =	vsub.f32 $1.000000000e+00, v7  }
0x29c: {  	v6 =	vmul.f32 v6, v6;
	v63 =	vmul.f32 v61, v61;
	v20 =	vsub.f32 v18, v58  }
0x29d: {  	v14 =	vmul.f32 v7, v62;
	v4 =	vmul.f32 v7, v4  }
0x29e: {  	v10 =	vmul.f32 v10, v10;
	v6 =	vadd.f32 v63, v6;
	v7 =	vmul.f32 v7, v20  }
0x29f: {  	v21 =	vmax.f32 v5, $9.999999960e-13;
	v4 =	vmul.f32 v4, v4;
	v24 =	vmul.f32 v14, v14  }
0x2a0: {  	v26 =	vmul.f32 $5.000000000e-01, v21;
	v16 =	vshra.s32 v21, $0x1;
	v6 =	vadd.f32 v6, v10  }
0x2a1: {  	v30 =	vsub.s32 $0x5F3759DF, v16;
	v7 =	vmul.f32 v7, v7;
	v4 =	vadd.f32 v24, v4  }
0x2a2: {  	v28 =	vmul.f32 v12, v25;
	v16 =	vmul.f32 v30, v26;
	v31 =	vmax.f32 v6, $9.999999960e-13  }
0x2a3: {  	v33 =	vmul.f32 $5.000000000e-01, v31;
	v17 =	vshra.s32 v31, $0x1;
	v4 =	vadd.f32 v4, v7  }
0x2a4: {  	v27 =	vmul.f32 v51, v23;
	v32 =	vsub.f32 $1.500000000e+00, v28;
	v17 =	vsub.s32 $0x5F3759DF, v17  }
0x2a5: {  	v16 =	vmul.f32 v30, v16;
	v35 =	vmul.f32 v17, v33;
	v34 =	vmax.f32 v4, $9.999999960e-13  }
0x2a6: {  	v10 =	vsub.f32 $1.500000000e+00, v27;
	v36 =	vmul.f32 $5.000000000e-01, v34;
	v18 =	vshra.s32 v34, $0x1  }
0x2a7: {  	v37 =	vsub.f32 $1.500000000e+00, v16;
	v39 =	vmul.f32 v17, v35;
	v38 =	vsub.s32 $0x5F3759DF, v18  }
0x2a8: {  	v7 =	vmul.f32 v12, v32;
	v40 =	vmul.f32 v38, v36  }
0x2a9: {  	v10 =	vmul.f32 v10, v23;
	v42 =	vsub.f32 $1.500000000e+00, v39;
	v12 =	vmul.f32 v30, v37  }
0x2aa: {  	v41 =	vmul.f32 v7, v54;
	v43 =	vmul.f32 v38, v40  }
0x2ab: {  	v3 =	vsub.f32 $1.500000000e+00, v3;
	v13 =	vmul.f32 v17, v42;
	v45 =	vmul.f32 v12, v26  }
0x2ac: {  	v47 =	vmul.f32 v10, v22;
	v44 =	vmul.f32 v41, v7;
	v46 =	vsub.f32 $1.500000000e+00, v43  }
0x2ad: {  	v48 =	vmul.f32 v13, v33;
	v21 =	vmul.f32 v45, v12  }
0x2ae: {  	v2 =	vmul.f32 v3, v2;
	v19 =	vsub.f32 $1.500000000e+00, v44;
	v16 =	vmul.f32 v38, v46  }
0x2af: {  	v49 =	vmul.f32 v47, v10;
	v51 =	vmul.f32 v48, v13;
	v50 =	vsub.f32 $1.500000000e+00, v21  }
0x2b0: {  	v7 =	vmul.f32 v19, v7;
	v52 =	vmul.f32 v16, v36  }
0x2b1: {  	v2 =	vmul.f32 v2, v9;
	v3 =	vsub.f32 $1.500000000e+00, v51;
	v12 =	vmul.f32 v50, v12  }
0x2b2: {  	v17 =	vsub.f32 $1.500000000e+00, v49;
	v53 =	vmul.f32 v7, v54;
	v54 =	vmul.f32 v52, v16  }
0x2b3: {  	v3 =	vmul.f32 v3, v13;
	v14 =	vmul.f32 v12, v26  }
0x2b4: {  	v10 =	vmul.f32 v17, v10;
	v55 =	vmul.f32 v53, v7;
	v56 =	vsub.f32 $1.500000000e+00, v54  }
0x2b5: {  	v11 =	vmul.f32 v3, v33;
	v14 =	vmul.f32 v14, v12  }
0x2b6: {  	v0 =	vadd.f32 v2, v0;
	v57 =	vsub.f32 $1.500000000e+00, v55;
	v9 =	vmul.f32 v56, v16  }
0x2b7: {  	v2 =	vmul.f32 v10, v15;
	v11 =	vmul.f32 v11, v3;
	v58 =	vsub.f32 $1.500000000e+00, v14  }
0x2b8: {  	v7 =	vmul.f32 v57, v7;
	v59 =	vmul.f32 v9, v36  }
0x2b9: {  	v61 =	vsub.f32 $1.500000000e+00, v11;
	v60 =	vmul.f32 v58, v12  }
0x2ba: {  	v0 =	vadd.f32 v2, v0;
	v2 =	vmul.f32 v7, v8;
	v62 =	vmul.f32 v59, v9  }
0x2bb: {  	v3 =	vmul.f32 v61, v3  }
0x2bc: {  	s22 =	sadd.s32 $0x1, s22;
	v0 =	vadd.f32 v2, v0;
	v2 =	vmul.f32 v60, v5;
	v63 =	vsub.f32 $1.500000000e+00, v62  }
0x2bd: {  	p0 =	sne.s32 s22, $0x8  }
.Ltmp5:
0x2be: {  	v0 =	vadd.f32 v2, v0;
	v2 =	vmul.f32 v3, v6;
	v3 =	vmul.f32 v63, v9;
	(pc) =	sbr.rel @p0 .LBB2_10-.Ltmp5, $3  }
0x2bf: {  	_ = 	snop  }
0x2c0: {  	v0 =	vadd.f32 v2, v0;
	v2 =	vmul.f32 v3, v4;
	_ =	sdelay $0x1  }
0x2c1: {  	s20 =	simm.s32 $0x0;
	v0 =	vadd.f32 v2, v0  }
0x2c2: {  	s21 =	simm.s32 $0x0  }
.LBB2_14:
0x2c3: {  	s24 =	simm.s32 $0x1C400  }
0x2c4: {  	s22 =	sshll.u32 s21, $0x6;
	s29 =	sand.u32 $0xFF0, s20;
	v7 =	vld [tilespmem:s24+$0x0]  }
0x2c5: {  	s23 =	sand.u32 $0x3FFFFFC0, s22;
	v8 =	vld [tilespmem:s29+$0x1D400]  }
0x2c6: {  	v2 =	vld [tilespmem:s23+$0x210]  }
0x2c7: {  	v3 =	vld [tilespmem:s23+$0x220]  }
0x2c8: {  	v9 =	vld [tilespmem:s29+$0x1E400]  }
0x2c9: {  	v4 =	vld [tilespmem:s23+$0x230];
	_ =	sdelay $0x1  }
0x2ca: {  	s22 =	sand.u32 $0x1C0, s22  }
0x2cb: {  	v6 =	vld [tilespmem:s22+$0x200];
	v5 =	vmul.f32 v2, v2;
	v10 =	vmul.f32 v3, v3  }
0x2cc: {  	v11 =	vmul.f32 v8, v3;
	v12 =	vmul.f32 v7, v2  }
0x2cd: {  	v13 =	vmul.f32 v9, v4  }
0x2ce: {  	v5 =	vadd.f32 v10, v5;
	v10 =	vmul.f32 v4, v4;
	v11 =	vadd.f32 v11, v12;
	_ =	sdelay $0x1  }
0x2cf: {  	v12 =	vmul.f32 v6, v6;
	v5 =	vadd.f32 v10, v5;
	v10 =	vadd.f32 v13, v11  }
0x2d0: {  	v11 =	vmul.f32 v8, v4  }
0x2d1: {  	s30 =	simm.s32 $0x10;
	v5 =	vsub.f32 v12, v5;
	v12 =	vmul.f32 v9, v3;
	v10 =	vadd.f32 v10, v10  }
0x2d2: {  	s22 =	sand.u32 $0xFF0, s30;
	v14 =	vmul.f32 v9, v2;
	v15 =	vmul.f32 v7, v3;
	v6 =	vadd.f32 v6, v6  }
0x2d3: {  	v16 =	vld [tilespmem:s22+$0x1D400];
	v11 =	vsub.f32 v12, v11;
	v12 =	vmul.f32 v7, v5;
	v13 =	vmul.f32 v10, v2  }
0x2d4: {  	s31 =	simm.s32 $0x1C410;
	v17 =	vmul.f32 v8, v2;
	v7 =	vmul.f32 v7, v4  }
0x2d5: {  	v9 =	vmul.f32 v9, v5;
	v11 =	vmul.f32 v11, v6;
	v12 =	vadd.f32 v13, v12;
	v13 =	vld [tilespmem:s31+$0x0]  }
0x2d6: {  	v17 =	vsub.f32 v17, v15;
	v18 =	vmul.f32 v10, v4;
	v8 =	vmul.f32 v8, v5  }
0x2d7: {  	v10 =	vmul.f32 v10, v3;
	v7 =	vsub.f32 v7, v14;
	v15 =	vadd.f32 v12, v11;
	v11 =	vld [tilespmem:s22+$0x1E400]  }
0x2d8: {  	v20 =	vmul.f32 v16, v2;
	v9 =	vadd.f32 v18, v9;
	v12 =	vmul.f32 v17, v6  }
0x2d9: {  	v8 =	vadd.f32 v10, v8;
	v7 =	vmul.f32 v7, v6;
	v14 =	vmul.f32 $3.200000000e+01, v15  }
0x2da: {  	v17 =	vmul.f32 v16, v3;
	v12 =	vadd.f32 v9, v12;
	v18 =	vmul.f32 v13, v2  }
0x2db: {  	v19 =	vmul.f32 v13, v3;
	v9 =	vadd.f32 $1.550000000e+01, v14;
	v14 =	vadd.f32 v8, v7  }
0x2dc: {  	v7 =	vmul.f32 $3.200000000e+01, v12;
	v10 =	vmul.f32 v11, v4;
	v17 =	vadd.f32 v17, v18  }
0x2dd: {  	v18 =	vmul.f32 v11, v3;
	v22 =	vmul.f32 v11, v5;
	v19 =	vsub.f32 v20, v19  }
0x2de: {  	v11 =	vmul.f32 v11, v2;
	v8 =	vmax.f32 v9, $0.0e+00;
	v7 =	vadd.f32 $1.550000000e+01, v7  }
0x2df: {  	v9 =	vadd.f32 v10, v17;
	v8 =	vmin.f32 v8, $3.100000000e+01;
	v17 =	vmul.f32 v16, v4  }
0x2e0: {  	v10 =	vmul.f32 $3.200000000e+01, v14;
	v19 =	vmul.f32 v19, v6;
	v8 =	vadd.f32 $5.000000000e-01, v8  }
0x2e1: {  	v7 =	vmax.f32 v7, $0.0e+00;
	v9 =	vadd.f32 v9, v9;
	v17 =	vsub.f32 v18, v17  }
0x2e2: {  	v18 =	vmul.f32 v13, v5;
	v13 =	vmul.f32 v13, v4;
	v7 =	vmin.f32 v7, $3.100000000e+01  }
0x2e3: {  	s31 =	simm.s32 $0x1C450;
	v10 =	vadd.f32 $1.550000000e+01, v10;
	v7 =	vadd.f32 $5.000000000e-01, v7;
	v21 =	vmul.f32 v9, v2  }
0x2e4: {  	v58 =	vld [tilespmem:s31+$0x0];
	v17 =	vmul.f32 v17, v6;
	v20 =	vmul.f32 v9, v4;
	v11 =	vsub.f32 v13, v11  }
0x2e5: {  	v13 =	vmul.f32 v16, v5;
	v9 =	vmul.f32 v9, v3;
	v10 =	vmax.f32 v10, $0.0e+00  }
0x2e6: {  	s23 =	simm.s32 $0x20;
	v10 =	vmin.f32 v10, $3.100000000e+01;
	v18 =	vadd.f32 v21, v18;
	v21 =	vadd.f32 v20, v22  }
0x2e7: {  	s22 =	sand.u32 $0xFF0, s23;
	v9 =	vadd.f32 v9, v13;
	v11 =	vmul.f32 v11, v6;
	v10 =	vadd.f32 $5.000000000e-01, v10  }
0x2e8: {  	s24 =	simm.s32 $0x1C420;
	v8 =	vtrunc.f32 v8;
	v20 =	vadd.f32 v18, v17;
	v17 =	vadd.f32 v21, v19;
	v19 =	vld [tilespmem:s22+$0x1D400]  }
0x2e9: {  	v41 =	vmul.f32 v58, v2;
	v8 =	vcvt.f32.s32 v8;
	v18 =	vadd.f32 v9, v11;
	v9 =	vld [tilespmem:s24+$0x0]  }
0x2ea: {  	v7 =	vtrunc.f32 v7;
	v21 =	vld [tilespmem:s22+$0x1E400];
	v10 =	vtrunc.f32 v10  }
0x2eb: {  	v10 =	vcvt.f32.s32 v10;
	v16 =	vmul.f32 $3.200000000e+01, v20  }
0x2ec: {  	v7 =	vcvt.f32.s32 v7;
	v13 =	vmul.f32 $3.200000000e+01, v17  }
0x2ed: {  	v8 =	vshll.u32 v8, $0xA;
	v10 =	vshll.u32 v10, $0x5;
	v16 =	vadd.f32 $1.550000000e+01, v16  }
0x2ee: {  	v11 =	vadd.f32 $1.550000000e+01, v13;
	v10 =	vadd.s32 v7, v10;
	v22 =	vmul.f32 v19, v3  }
0x2ef: {  	v23 =	vmul.f32 v9, v2;
	v24 =	vmul.f32 v21, v4;
	v25 =	vadd.s32 v8, v10  }
0x2f0: {  	v26 =	vmul.f32 v9, v4;
	v27 =	vmul.f32 v19, v2;
	v13 =	vmax.f32 v16, $0.0e+00  }
0x2f1: {  	v16 =	vmul.f32 $3.200000000e+01, v18;
	v11 =	vmax.f32 v11, $0.0e+00;
	v13 =	vmin.f32 v13, $3.100000000e+01  }
0x2f2: {  	v8 =	vshra.s32 v25, $0x1;
	v11 =	vmin.f32 v11, $3.100000000e+01;
	v13 =	vadd.f32 $5.000000000e-01, v13  }
0x2f3: {  	v25 =	vmul.u32 $0x3, v25;
	v16 =	vadd.f32 $1.550000000e+01, v16;
	v11 =	vadd.f32 $5.000000000e-01, v11  }
0x2f4: {  	v22 =	vadd.f32 v22, v23;
	v23 =	vmul.f32 v19, v4;
	v19 =	vmul.f32 v19, v5  }
0x2f5: {  	v13 =	vtrunc.f32 v13;
	v16 =	vmax.f32 v16, $0.0e+00;
	v11 =	vtrunc.f32 v11  }
0x2f6: {  	v10 =	vmin.f32 v16, $3.100000000e+01;
	v16 =	vadd.f32 v24, v22;
	v22 =	vmul.f32 v21, v2  }
0x2f7: {  	v7 =	vshll.u32 v7, $0x4;
	v24 =	vmul.f32 v21, v3;
	v21 =	vmul.f32 v21, v5  }
0x2f8: {  	v33 =	vadd.s32 $0x1, v25;
	v13 =	vcvt.f32.s32 v13;
	v11 =	vcvt.f32.s32 v11  }
0x2f9: {  	v10 =	vadd.f32 $5.000000000e-01, v10;
	v36 =	vld.idx.msk [tilespmem:v25+s14+$0x0], $0xffff;
	v25 =	vadd.s32 $0x2, v25;
	v16 =	vadd.f32 v16, v16  }
0x2fa: {  	v23 =	vsub.f32 v24, v23;
	v24 =	vmul.f32 v9, v3;
	v22 =	vsub.f32 v26, v22  }
0x2fb: {  	s25 =	simm.s32 $0x30;
	v9 =	vmul.f32 v9, v5;
	v13 =	vshll.u32 v13, $0xA;
	v26 =	vmul.f32 v16, v2  }
0x2fc: {  	s22 =	sand.u32 $0xFF0, s25;
	v8 =	vld.idx.msk [tilespmem:v8+s16+$0x0], $0xffff;
	v10 =	vtrunc.f32 v10;
	v24 =	vsub.f32 v27, v24;
	v27 =	vmul.f32 v16, v4  }
0x2fd: {  	s26 =	simm.s32 $0x1C430;
	v23 =	vmul.f32 v23, v6;
	v16 =	vmul.f32 v16, v3;
	v9 =	vadd.f32 v26, v9;
	v26 =	vld [tilespmem:s22+$0x1D400]  }
0x2fe: {  	v10 =	vcvt.f32.s32 v10;
	v24 =	vmul.f32 v24, v6;
	v21 =	vadd.f32 v27, v21;
	v27 =	vld [tilespmem:s26+$0x0]  }
0x2ff: {  	v16 =	vadd.f32 v16, v19;
	v19 =	vmul.f32 v22, v6;
	v22 =	vand.u32 $0x10, v7;
	v25 =	vld.idx.msk [tilespmem:v25+s14+$0x0], $0xffff  }
0x300: {  	v10 =	vshll.u32 v10, $0x5;
	v9 =	vadd.f32 v9, v23;
	v7 =	vadd.f32 v21, v24;
	v21 =	vld [tilespmem:s22+$0x1E400]  }
0x301: {  	v28 =	vshrl.u32 v8, v22;
	v10 =	vadd.s32 v11, v10;
	v8 =	vadd.f32 v16, v19  }
0x302: {  	v30 =	vadd.s32 v13, v10;
	v23 =	vmul.f32 $3.200000000e+01, v9;
	v16 =	vmul.f32 $3.200000000e+01, v7  }
0x303: {  	v28 =	vshll.u32 v28, $0x10;
	v19 =	vmul.f32 v26, v3;
	v22 =	vmul.f32 v27, v2  }
0x304: {  	v28 =	vsub.f32 $1.000000000e+00, v28;
	v24 =	vmul.f32 $3.200000000e+01, v8;
	v13 =	vmul.f32 v27, v5  }
0x305: {  	v12 =	vsub.f32 v12, v25;
	v29 =	vmul.f32 v21, v4;
	v19 =	vadd.f32 v19, v22  }
0x306: {  	v32 =	vmul.f32 v26, v2;
	v23 =	vadd.f32 $1.550000000e+01, v23;
	v16 =	vadd.f32 $1.550000000e+01, v16  }
0x307: {  	v24 =	vadd.f32 $1.550000000e+01, v24;
	v31 =	vmul.f32 v21, v2;
	v19 =	vadd.f32 v29, v19  }
0x308: {  	v12 =	vmul.f32 v28, v12;
	v22 =	vmax.f32 v23, $0.0e+00;
	v16 =	vmax.f32 v16, $0.0e+00  }
0x309: {  	v23 =	vmul.f32 v26, v4;
	v29 =	vmul.f32 v21, v3;
	v19 =	vadd.f32 v19, v19  }
0x30a: {  	v24 =	vmax.f32 v24, $0.0e+00;
	v22 =	vmin.f32 v22, $3.100000000e+01;
	v16 =	vmin.f32 v16, $3.100000000e+01  }
0x30b: {  	v22 =	vadd.f32 $5.000000000e-01, v22;
	v10 =	vsub.f32 v29, v23;
	v23 =	vmul.f32 v19, v2  }
0x30c: {  	v21 =	vmul.f32 v21, v5;
	v16 =	vadd.f32 $5.000000000e-01, v16;
	v29 =	vshra.s32 v30, $0x1  }
0x30d: {  	v22 =	vtrunc.f32 v22;
	v10 =	vmul.f32 v10, v6;
	v13 =	vadd.f32 v23, v13  }
0x30e: {  	v16 =	vtrunc.f32 v16;
	v23 =	vmin.f32 v24, $3.100000000e+01;
	v24 =	vmul.f32 v27, v3  }
0x30f: {  	v27 =	vmul.f32 v27, v4;
	v23 =	vadd.f32 $5.000000000e-01, v23;
	v10 =	vadd.f32 v13, v10  }
0x310: {  	v13 =	vsub.f32 v32, v24;
	v24 =	vmul.f32 v26, v5;
	v26 =	vmul.f32 v19, v4  }
0x311: {  	v29 =	vld.idx.msk [tilespmem:v29+s16+$0x0], $0xffff;
	v27 =	vsub.f32 v27, v31;
	v19 =	vmul.f32 v19, v3;
	v23 =	vtrunc.f32 v23  }
0x312: {  	v15 =	vsub.f32 v15, v36;
	v31 =	vmul.f32 $3.200000000e+01, v10;
	v13 =	vmul.f32 v13, v6  }
0x313: {  	s28 =	simm.s32 $0x40;
	v21 =	vadd.f32 v26, v21;
	v19 =	vadd.f32 v19, v24;
	v24 =	vmul.f32 v27, v6  }
0x314: {  	s22 =	sand.u32 $0xFF0, s28;
	v27 =	vcvt.f32.s32 v22;
	v22 =	vshll.u32 v11, $0x4;
	v23 =	vcvt.f32.s32 v23  }
0x315: {  	s29 =	simm.s32 $0x1C440;
	v26 =	vadd.f32 $1.550000000e+01, v31;
	v11 =	vadd.f32 v21, v13;
	v21 =	vand.u32 $0x10, v22;
	v31 =	vld [tilespmem:s22+$0x1E400]  }
0x316: {  	v16 =	vcvt.f32.s32 v16;
	v13 =	vadd.f32 v19, v24;
	v22 =	vshrl.u32 v29, v21;
	v29 =	vld [tilespmem:s29+$0x0]  }
0x317: {  	v12 =	vmul.f32 v12, v12;
	v23 =	vshll.u32 v23, $0x5;
	v19 =	vmax.f32 v26, $0.0e+00;
	v26 =	vld [tilespmem:s22+$0x1D400]  }
0x318: {  	v23 =	vadd.s32 v16, v23;
	v24 =	vmul.f32 $3.200000000e+01, v13;
	v19 =	vmin.f32 v19, $3.100000000e+01  }
0x319: {  	v16 =	vshll.u32 v16, $0x4;
	v21 =	vmul.f32 $3.200000000e+01, v11;
	v19 =	vadd.f32 $5.000000000e-01, v19  }
0x31a: {  	v57 =	vand.u32 $0x10, v16;
	v24 =	vadd.f32 $1.550000000e+01, v24;
	v37 =	vmul.f32 v31, v2  }
0x31b: {  	v21 =	vadd.f32 $1.550000000e+01, v21;
	v38 =	vmul.f32 v31, v3;
	v19 =	vtrunc.f32 v19  }
0x31c: {  	v50 =	vmax.f32 v24, $0.0e+00;
	v35 =	vmul.f32 v29, v2;
	v34 =	vmul.f32 v26, v3  }
0x31d: {  	v24 =	vshll.u32 v27, $0xA;
	v52 =	vmul.f32 v29, v4;
	v53 =	vmul.f32 v29, v3  }
0x31e: {  	v24 =	vadd.s32 v24, v23;
	v23 =	vmul.f32 v31, v4;
	v34 =	vadd.f32 v34, v35  }
0x31f: {  	v21 =	vmax.f32 v21, $0.0e+00;
	v29 =	vmul.f32 v29, v5;
	v27 =	vmul.f32 v26, v4  }
0x320: {  	v32 =	vmin.f32 v50, $3.100000000e+01;
	v39 =	vcvt.f32.s32 v19;
	v23 =	vadd.f32 v23, v34  }
0x321: {  	v54 =	vmul.f32 v26, v2;
	v26 =	vmul.f32 v26, v5;
	v21 =	vmin.f32 v21, $3.100000000e+01  }
0x322: {  	v51 =	vshra.s32 v24, $0x1;
	v21 =	vadd.f32 $5.000000000e-01, v21;
	v23 =	vadd.f32 v23, v23  }
0x323: {  	v33 =	vld.idx.msk [tilespmem:v33+s14+$0x0], $0xffff;
	v50 =	vmul.f32 v58, v4;
	v19 =	vsub.f32 v38, v27;
	v27 =	vmul.f32 v31, v5  }
0x324: {  	v22 =	vshll.u32 v22, $0x10;
	v21 =	vtrunc.f32 v21;
	v55 =	vmul.f32 v23, v2  }
0x325: {  	v31 =	vsub.f32 v52, v37;
	v56 =	vmul.f32 v23, v3;
	v23 =	vmul.f32 v23, v4  }
0x326: {  	v34 =	vsub.f32 v54, v53;
	v19 =	vmul.f32 v19, v6;
	v29 =	vadd.f32 v55, v29  }
0x327: {  	v25 =	vmul.f32 v31, v6;
	v35 =	vld.idx.msk [tilespmem:v51+s16+$0x0], $0xffff;
	v26 =	vadd.f32 v56, v26;
	v23 =	vadd.f32 v23, v27  }
0x328: {  	v27 =	vsub.f32 v14, v33;
	v16 =	vadd.f32 v29, v19;
	v19 =	vmul.f32 v34, v6  }
0x329: {  	v31 =	vmul.f32 v28, v15;
	v53 =	vmul.f32 v58, v3;
	v15 =	vadd.f32 v26, v25  }
0x32a: {  	v29 =	vmul.f32 $3.200000000e+01, v16;
	v14 =	vadd.f32 v23, v19;
	v23 =	vmul.f32 v28, v27  }
0x32b: {  	v32 =	vadd.f32 $5.000000000e-01, v32;
	v26 =	vmul.f32 v31, v31;
	v28 =	vmul.f32 $3.200000000e+01, v15  }
0x32c: {  	v19 =	vshrl.u32 v35, v57;
	v25 =	vadd.f32 $1.550000000e+01, v29;
	v23 =	vmul.f32 v23, v23  }
0x32d: {  	v27 =	vmul.f32 $3.200000000e+01, v14;
	v28 =	vadd.f32 $1.550000000e+01, v28;
	v29 =	vtrunc.f32 v32  }
0x32e: {  	v32 =	vmul.f32 v58, v5;
	v58 =	vsub.f32 $1.000000000e+00, v22;
	v23 =	vadd.f32 v23, v26  }
0x32f: {  	s30 =	simm.s32 $0x50;
	v25 =	vmax.f32 v25, $0.0e+00;
	v27 =	vadd.f32 $1.550000000e+01, v27;
	v26 =	vmul.u32 $0x3, v30  }
0x330: {  	s22 =	sand.u32 $0xFF0, s30;
	v28 =	vmax.f32 v28, $0.0e+00;
	v30 =	vcvt.f32.s32 v21;
	v12 =	vadd.f32 v23, v12  }
0x331: {  	v25 =	vmin.f32 v25, $3.100000000e+01;
	v31 =	vmax.f32 v27, $0.0e+00;
	v27 =	vld [tilespmem:s22+$0x1D400];
	v23 =	vcvt.f32.s32 v29  }
0x332: {  	v28 =	vmin.f32 v28, $3.100000000e+01;
	v25 =	vadd.f32 $5.000000000e-01, v25;
	v21 =	vmax.f32 v12, $9.999999960e-13  }
0x333: {  	v29 =	vld [tilespmem:s22+$0x1E400];
	v23 =	vshll.u32 v23, $0x5;
	v59 =	vshra.s32 v21, $0x1;
	v60 =	vmul.f32 $5.000000000e-01, v21  }
0x334: {  	v21 =	vshll.u32 v39, $0xA;
	v23 =	vadd.s32 v30, v23;
	v33 =	vsub.s32 $0x5F3759DF, v59  }
0x335: {  	v61 =	vadd.s32 $0x1, v26;
	v21 =	vadd.s32 v21, v23;
	v23 =	vmul.f32 v33, v60  }
0x336: {  	v43 =	vadd.s32 $0x2, v26;
	v31 =	vmin.f32 v31, $3.100000000e+01;
	v63 =	vmul.f32 v27, v3  }
0x337: {  	v25 =	vtrunc.f32 v25;
	v30 =	vshll.u32 v30, $0x4;
	v23 =	vmul.f32 v33, v23  }
0x338: {  	v40 =	vld.idx.msk [tilespmem:v26+s14+$0x0], $0xffff;
	v26 =	vadd.f32 $5.000000000e-01, v28;
	v49 =	vmul.f32 v29, v4;
	v37 =	vadd.f32 v63, v41  }
0x339: {  	v62 =	vmul.f32 v27, v4;
	v48 =	vshra.s32 v21, $0x1;
	v28 =	vsub.f32 $1.500000000e+00, v23  }
0x33a: {  	v42 =	vmul.f32 v29, v2;
	v44 =	vmul.f32 v29, v3;
	v51 =	vadd.f32 v49, v37  }
0x33b: {  	v30 =	vand.u32 $0x10, v30;
	v29 =	vmul.f32 v29, v5;
	v28 =	vmul.f32 v33, v28  }
0x33c: {  	v54 =	vmul.f32 v27, v2;
	v27 =	vmul.f32 v27, v5;
	v33 =	vadd.f32 v51, v51  }
0x33d: {  	v55 =	vld.idx.msk [tilespmem:v43+s14+$0x0], $0xffff;
	v23 =	vcvt.f32.s32 v25;
	v40 =	vsub.f32 v20, v40;
	v20 =	vmul.f32 v28, v60  }
0x33e: {  	v35 =	vld.idx.msk [tilespmem:v61+s14+$0x0], $0xffff;
	v25 =	vsub.f32 v44, v62;
	v56 =	vmul.f32 v33, v3;
	v57 =	vmul.f32 v33, v2  }
0x33f: {  	v37 =	vsub.f32 v54, v53;
	v38 =	vld.idx.msk [tilespmem:v48+s16+$0x0], $0xffff;
	v33 =	vmul.f32 v33, v4;
	v20 =	vmul.f32 v20, v28  }
0x340: {  	v52 =	vsub.f32 v50, v42;
	v25 =	vmul.f32 v25, v6;
	v32 =	vadd.f32 v57, v32  }
0x341: {  	v37 =	vmul.f32 v37, v6;
	v22 =	vadd.f32 v33, v29;
	v20 =	vsub.f32 $1.500000000e+00, v20  }
0x342: {  	v36 =	vmul.f32 v52, v6;
	v27 =	vadd.f32 v56, v27;
	v29 =	vsub.f32 v17, v55  }
0x343: {  	v17 =	vadd.f32 v22, v37;
	v59 =	vmul.f32 v20, v28;
	v20 =	vadd.f32 v32, v25  }
0x344: {  	v22 =	vshrl.u32 v38, v30;
	v25 =	vmul.f32 v58, v40;
	v28 =	vsub.f32 v18, v35  }
0x345: {  	v18 =	vadd.f32 v27, v36;
	v60 =	vmul.f32 v59, v60;
	v61 =	vmul.f32 $3.200000000e+01, v20  }
0x346: {  	v27 =	vmul.u32 $0x3, v24;
	v62 =	vmul.f32 v25, v25;
	v25 =	vmul.f32 $3.200000000e+01, v17  }
0x347: {  	v30 =	vmul.f32 v58, v28;
	v34 =	vadd.f32 $1.550000000e+01, v61;
	v24 =	vmul.f32 v60, v59  }
0x348: {  	v29 =	vmul.f32 v58, v29;
	v28 =	vmul.f32 $3.200000000e+01, v18;
	v25 =	vadd.f32 $1.550000000e+01, v25  }
0x349: {  	v63 =	vmul.f32 v30, v30;
	v34 =	vmax.f32 v34, $0.0e+00;
	v24 =	vsub.f32 $1.500000000e+00, v24  }
0x34a: {  	v30 =	vmul.f32 v29, v29;
	v25 =	vmax.f32 v25, $0.0e+00;
	v29 =	vmin.f32 v34, $3.100000000e+01  }
0x34b: {  	s23 =	simm.s32 $0x1C460;
	s22 =	simm.s32 $0x60;
	v32 =	vadd.f32 v63, v62;
	v29 =	vadd.f32 $5.000000000e-01, v29;
	v24 =	vmul.f32 v24, v59  }
.LBB2_15:
0x34c: {  	s24 =	sand.u32 $0xFF0, s22;
	p0 =	sne.s32 s22, $0xFF0;
	s22 =	sadd.s32 $0x10, s22;
	v28 =	vadd.f32 $1.550000000e+01, v28;
	v26 =	vtrunc.f32 v26;
	v31 =	vadd.f32 $5.000000000e-01, v31  }
0x34d: {  	v33 =	vld [tilespmem:s24+$0x1D400];
	v29 =	vtrunc.f32 v29;
	v26 =	vcvt.f32.s32 v26;
	v30 =	vadd.f32 v32, v30  }
0x34e: {  	v34 =	vadd.s32 $0x1, v27;
	v32 =	vld [tilespmem:s24+$0x1E400];
	v28 =	vmax.f32 v28, $0.0e+00;
	v31 =	vtrunc.f32 v31  }
0x34f: {  	v24 =	vmul.f32 v24, v12;
	v35 =	vld [tilespmem:s23+$0x0];
	v31 =	vcvt.f32.s32 v31;
	v36 =	vmax.f32 v30, $9.999999960e-13;
	v12 =	vmovc v30  }
0x350: {  	v26 =	vshll.u32 v26, $0x5;
	v30 =	vshra.s32 v36, $0x1;
	v36 =	vmul.f32 $5.000000000e-01, v36  }
0x351: {  	v23 =	vshll.u32 v23, $0xA;
	v26 =	vadd.s32 v31, v26;
	v30 =	vsub.s32 $0x5F3759DF, v30  }
0x352: {  	v37 =	vmul.f32 v33, v4;
	v38 =	vadd.s32 v23, v26;
	v23 =	vmul.f32 v30, v36  }
0x353: {  	v1 =	vadd.f32 v24, v1;
	v39 =	vmul.f32 v33, v3;
	v40 =	vshra.s32 v38, $0x1  }
0x354: {  	v26 =	vmin.f32 v28, $3.100000000e+01;
	v24 =	vmul.f32 v32, v4;
	v28 =	vld.idx.msk [tilespmem:v27+s14+$0x0], $0xffff;
	v23 =	vmul.f32 v30, v23  }
0x355: {  	v42 =	vmul.f32 v32, v2;
	v41 =	vmul.f32 v35, v2;
	v27 =	vadd.s32 $0x2, v27  }
0x356: {  	v43 =	vmul.f32 v32, v3;
	v26 =	vadd.f32 $5.000000000e-01, v26;
	v44 =	vsub.f32 $1.500000000e+00, v23  }
0x357: {  	v39 =	vadd.f32 v39, v41;
	v41 =	vmul.f32 v35, v4;
	v23 =	vcvt.f32.s32 v29  }
0x358: {  	v32 =	vmul.f32 v32, v5;
	v29 =	vsub.f32 v43, v37;
	v37 =	vld.idx.msk [tilespmem:v40+s16+$0x0], $0xffff;
	v30 =	vmul.f32 v30, v44  }
0x359: {  	v24 =	vadd.f32 v24, v39;
	v39 =	vsub.f32 v41, v42;
	v40 =	vmul.f32 v35, v3  }
0x35a: {  	v41 =	vmul.f32 v33, v2;
	v28 =	vsub.f32 v9, v28;
	v27 =	vld.idx.msk [tilespmem:v27+s14+$0x0], $0xffff;
	v42 =	vmul.f32 v30, v36  }
0x35b: {  	v31 =	vshll.u32 v31, $0x4;
	v35 =	vmul.f32 v35, v5;
	v9 =	vmovc v10;
	v10 =	vmovc v16;
	v24 =	vadd.f32 v24, v24  }
0x35c: {  	v33 =	vmul.f32 v33, v5;
	v40 =	vsub.f32 v41, v40;
	v34 =	vld.idx.msk [tilespmem:v34+s14+$0x0], $0xffff;
	v41 =	vmul.f32 v42, v30  }
0x35d: {  	v31 =	vand.u32 $0x10, v31;
	v29 =	vmul.f32 v29, v6;
	v16 =	vmovc v20;
	v42 =	vmul.f32 v24, v3  }
0x35e: {  	v43 =	vshll.u32 v19, $0x10;
	v19 =	vmovc v22;
	v20 =	vmul.f32 v24, v2;
	v40 =	vmul.f32 v40, v6  }
0x35f: {  	v22 =	vmul.f32 v24, v4;
	v33 =	vadd.f32 v42, v33;
	v24 =	vsub.f32 $1.500000000e+00, v41  }
0x360: {  	v20 =	vadd.f32 v20, v35;
	v35 =	vmul.f32 v39, v6;
	v39 =	vsub.f32 $1.000000000e+00, v43  }
0x361: {  	v22 =	vadd.f32 v22, v32;
	v27 =	vsub.f32 v7, v27;
	v7 =	vmovc v11;
	v24 =	vmul.f32 v24, v30  }
0x362: {  	v11 =	vmovc v14;
	v20 =	vadd.f32 v20, v29;
	v28 =	vmul.f32 v39, v28;
	v29 =	vsub.f32 v8, v34  }
0x363: {  	v14 =	vmovc v17;
	v17 =	vadd.f32 v22, v40;
	v30 =	vmul.f32 v39, v27;
	v32 =	vmul.f32 v24, v36  }
0x364: {  	v22 =	vshrl.u32 v37, v31;
	v8 =	vmovc v13;
	v13 =	vmovc v15;
	v27 =	vmul.f32 $3.200000000e+01, v20;
	v34 =	vmul.f32 v28, v28  }
0x365: {  	v15 =	vmovc v18;
	v18 =	vadd.f32 v33, v35;
	v31 =	vmul.f32 $3.200000000e+01, v17;
	v29 =	vmul.f32 v39, v29  }
.Ltmp6:
0x366: {  	v33 =	vadd.f32 $1.550000000e+01, v27;
	v27 =	vmul.u32 $0x3, v21;
	v32 =	vmul.f32 v32, v24;
	v21 =	vmovc v38;
	(pc) =	sbr.rel @p0 .LBB2_15-.Ltmp6, $4  }
0x367: {  	v28 =	vmul.f32 $3.200000000e+01, v18;
	v35 =	vadd.f32 $1.550000000e+01, v31;
	v36 =	vmul.f32 v29, v29  }
0x368: {  	v30 =	vmul.f32 v30, v30;
	v29 =	vmax.f32 v33, $0.0e+00;
	v33 =	vsub.f32 $1.500000000e+00, v32  }
0x369: {  	v31 =	vmin.f32 v25, $3.100000000e+01;
	v25 =	vmax.f32 v35, $0.0e+00;
	v29 =	vmin.f32 v29, $3.100000000e+01  }
0x36a: {  	s23 =	sadd.s32 $0x10, s23;
	v32 =	vadd.f32 v36, v34;
	v29 =	vadd.f32 $5.000000000e-01, v29;
	v24 =	vmul.f32 v33, v24  }
0x36b: {  	v3 =	vtrunc.f32 v26;
	v4 =	vadd.f32 $5.000000000e-01, v31  }
0x36c: {  	v5 =	vadd.s32 $0x2, v27;
	v6 =	vadd.f32 $1.550000000e+01, v28;
	v34 =	vadd.s32 $0x1, v27  }
0x36d: {  	v23 =	vshll.u32 v23, $0xA;
	v21 =	vmul.u32 $0x3, v21;
	v19 =	vshll.u32 v19, $0x10  }
0x36e: {  	v25 =	vmin.f32 v25, $3.100000000e+01;
	v22 =	vshll.u32 v22, $0x10;
	v2 =	vadd.f32 v32, v30  }
0x36f: {  	v26 =	vcvt.f32.s32 v3;
	v40 =	vtrunc.f32 v29;
	v19 =	vsub.f32 $1.000000000e+00, v19  }
0x370: {  	v38 =	vld.idx.msk [tilespmem:v27+s14+$0x0], $0xffff;
	v25 =	vadd.f32 $5.000000000e-01, v25;
	v22 =	vsub.f32 $1.000000000e+00, v22;
	v3 =	vtrunc.f32 v4  }
0x371: {  	v6 =	vmax.f32 v6, $0.0e+00;
	v42 =	vadd.s32 $0x1, v21;
	v35 =	vmax.f32 v2, $9.999999960e-13  }
0x372: {  	v36 =	vcvt.f32.s32 v3;
	v26 =	vshll.u32 v26, $0x5;
	v6 =	vmin.f32 v6, $3.100000000e+01  }
0x373: {  	v25 =	vtrunc.f32 v25;
	v37 =	vshra.s32 v35, $0x1;
	v3 =	vmul.f32 $5.000000000e-01, v35  }
0x374: {  	v6 =	vadd.f32 $5.000000000e-01, v6;
	v44 =	vcvt.f32.s32 v25;
	v39 =	vsub.s32 $0x5F3759DF, v37  }
0x375: {  	v26 =	vadd.s32 v36, v26;
	v5 =	vld.idx.msk [tilespmem:v5+s14+$0x0], $0xffff;
	v9 =	vsub.f32 v9, v38;
	v51 =	vshll.u32 v36, $0x4  }
0x376: {  	v4 =	vld.idx.msk [tilespmem:v34+s14+$0x0], $0xffff;
	v31 =	vmul.f32 v39, v3;
	v23 =	vadd.s32 v23, v26;
	v26 =	vcvt.f32.s32 v40  }
0x377: {  	v6 =	vtrunc.f32 v6;
	v45 =	vld.idx.msk [tilespmem:v21+s14+$0x0], $0xffff;
	v21 =	vadd.s32 $0x2, v21;
	v43 =	vshra.s32 v23, $0x1  }
0x378: {  	v6 =	vcvt.f32.s32 v6;
	v9 =	vmul.f32 v19, v9;
	v23 =	vmul.u32 $0x3, v23  }
0x379: {  	v52 =	vand.u32 $0x10, v51;
	v41 =	vmul.f32 v39, v31;
	v46 =	vshll.u32 v26, $0xA  }
0x37a: {  	v6 =	vshll.u32 v6, $0x5;
	v9 =	vmul.f32 v9, v9;
	v49 =	vadd.s32 $0x1, v23  }
0x37b: {  	v50 =	vadd.s32 $0x2, v23;
	v5 =	vsub.f32 v7, v5;
	v4 =	vsub.f32 v8, v4;
	v7 =	vld.idx.msk [tilespmem:v42+s14+$0x0], $0xffff  }
0x37c: {  	v6 =	vadd.s32 v44, v6;
	v47 =	vsub.f32 $1.500000000e+00, v41;
	v8 =	vshll.u32 v44, $0x4  }
0x37d: {  	v6 =	vadd.s32 v46, v6;
	v48 =	vld.idx.msk [tilespmem:v21+s14+$0x0], $0xffff;
	v10 =	vsub.f32 v10, v45;
	v4 =	vmul.f32 v19, v4  }
0x37e: {  	v5 =	vmul.f32 v19, v5;
	v19 =	vshra.s32 v6, $0x1;
	v27 =	vld.idx.msk [tilespmem:v43+s16+$0x0], $0xffff;
	v6 =	vmul.u32 $0x3, v6  }
0x37f: {  	v8 =	vand.u32 $0x10, v8;
	v26 =	vmul.f32 v39, v47;
	v23 =	vld.idx.msk [tilespmem:v23+s14+$0x0], $0xffff;
	v4 =	vmul.f32 v4, v4  }
0x380: {  	v10 =	vmul.f32 v22, v10;
	v54 =	vadd.s32 $0x1, v6;
	v57 =	vld.idx.msk [tilespmem:v49+s14+$0x0], $0xffff;
	v7 =	vsub.f32 v13, v7  }
0x381: {  	v5 =	vmul.f32 v5, v5;
	v55 =	vadd.s32 $0x2, v6;
	v4 =	vadd.f32 v4, v9  }
0x382: {  	v56 =	vmul.f32 v26, v3;
	v25 =	vld.idx.msk [tilespmem:v50+s14+$0x0], $0xffff;
	v9 =	vsub.f32 v11, v48;
	v7 =	vmul.f32 v22, v7  }
0x383: {  	v10 =	vmul.f32 v10, v10;
	v53 =	vld.idx.msk [tilespmem:v19+s16+$0x0], $0xffff;
	v13 =	vshrl.u32 v27, v52;
	v4 =	vadd.f32 v4, v5  }
0x384: {  	v9 =	vmul.f32 v22, v9;
	v6 =	vld.idx.msk [tilespmem:v6+s14+$0x0], $0xffff;
	v60 =	vshll.u32 v13, $0x10;
	v7 =	vmul.f32 v7, v7  }
0x385: {  	v16 =	vsub.f32 v16, v23;
	v61 =	vld.idx.msk [tilespmem:v54+s14+$0x0], $0xffff;
	v63 =	vsub.f32 v15, v57;
	v58 =	vmax.f32 v4, $9.999999960e-13  }
0x386: {  	v62 =	vld.idx.msk [tilespmem:v55+s14+$0x0], $0xffff;
	v9 =	vmul.f32 v9, v9;
	v7 =	vadd.f32 v7, v10;
	v10 =	vsub.f32 $1.000000000e+00, v60  }
0x387: {  	v15 =	vsub.f32 v14, v25;
	v59 =	vshra.s32 v58, $0x1;
	v21 =	vmul.f32 $5.000000000e-01, v58  }
0x388: {  	v5 =	vshrl.u32 v53, v8;
	v7 =	vadd.f32 v7, v9;
	v16 =	vmul.f32 v10, v16  }
0x389: {  	v8 =	vmul.f32 v10, v63;
	v6 =	vsub.f32 v20, v6;
	v5 =	vshll.u32 v5, $0x10  }
0x38a: {  	v9 =	vmul.f32 v10, v15;
	v5 =	vsub.f32 $1.000000000e+00, v5;
	v20 =	vsub.f32 v18, v61  }
0x38b: {  	v22 =	vsub.f32 v17, v62;
	v11 =	vmul.f32 v16, v16;
	v8 =	vmul.f32 v8, v8  }
0x38c: {  	v23 =	vsub.s32 $0x5F3759DF, v59;
	v6 =	vmul.f32 v5, v6;
	v10 =	vmul.f32 v5, v20  }
0x38d: {  	v25 =	vmax.f32 v7, $9.999999960e-13;
	v9 =	vmul.f32 v9, v9;
	v5 =	vmul.f32 v5, v22  }
0x38e: {  	v8 =	vadd.f32 v8, v11;
	v6 =	vmul.f32 v6, v6;
	v10 =	vmul.f32 v10, v10  }
0x38f: {  	v27 =	vmul.f32 v23, v21;
	v28 =	vshra.s32 v25, $0x1;
	v15 =	vmul.f32 $5.000000000e-01, v25  }
0x390: {  	v5 =	vmul.f32 v5, v5;
	v8 =	vadd.f32 v8, v9;
	v6 =	vadd.f32 v10, v6  }
0x391: {  	v30 =	vmul.f32 v56, v26;
	v31 =	vmul.f32 v23, v27;
	v32 =	vsub.s32 $0x5F3759DF, v28  }
0x392: {  	v13 =	vmul.f32 v32, v15;
	v33 =	vmax.f32 v8, $9.999999960e-13;
	v5 =	vadd.f32 v6, v5  }
0x393: {  	v34 =	vsub.f32 $1.500000000e+00, v31;
	v35 =	vshra.s32 v33, $0x1;
	v16 =	vmul.f32 $5.000000000e-01, v33  }
0x394: {  	v13 =	vmul.f32 v32, v13;
	v10 =	vsub.s32 $0x5F3759DF, v35;
	v36 =	vmax.f32 v5, $9.999999960e-13  }
0x395: {  	v37 =	vmul.f32 v10, v16;
	v38 =	vshra.s32 v36, $0x1;
	v17 =	vmul.f32 $5.000000000e-01, v36  }
0x396: {  	v6 =	vmul.f32 v23, v34;
	v13 =	vsub.f32 $1.500000000e+00, v13;
	v39 =	vsub.s32 $0x5F3759DF, v38  }
0x397: {  	v9 =	vsub.f32 $1.500000000e+00, v30;
	v18 =	vmul.f32 v10, v37;
	v19 =	vmul.f32 v39, v17  }
0x398: {  	v40 =	vmul.f32 v6, v21;
	v11 =	vmul.f32 v32, v13  }
0x399: {  	v9 =	vmul.f32 v9, v26;
	v41 =	vsub.f32 $1.500000000e+00, v18;
	v42 =	vmul.f32 v39, v19  }
0x39a: {  	v43 =	vmul.f32 v40, v6;
	v44 =	vmul.f32 v11, v15  }
0x39b: {  	v10 =	vmul.f32 v10, v41;
	v45 =	vsub.f32 $1.500000000e+00, v42  }
0x39c: {  	v3 =	vmul.f32 v9, v3;
	v46 =	vsub.f32 $1.500000000e+00, v43;
	v47 =	vmul.f32 v44, v11  }
0x39d: {  	v48 =	vmul.f32 v10, v16;
	v13 =	vmul.f32 v39, v45  }
0x39e: {  	v3 =	vmul.f32 v3, v9;
	v6 =	vmul.f32 v46, v6;
	v49 =	vsub.f32 $1.500000000e+00, v47  }
0x39f: {  	v50 =	vmul.f32 v48, v10;
	v51 =	vmul.f32 v13, v17  }
0x3a0: {  	v52 =	vmul.f32 v6, v21;
	v11 =	vmul.f32 v49, v11  }
0x3a1: {  	v53 =	vsub.f32 $1.500000000e+00, v50;
	v54 =	vmul.f32 v51, v13  }
0x3a2: {  	v3 =	vsub.f32 $1.500000000e+00, v3;
	v55 =	vmul.f32 v52, v6;
	v15 =	vmul.f32 v11, v15  }
0x3a3: {  	v12 =	vmul.f32 v24, v12;
	v10 =	vmul.f32 v53, v10;
	v56 =	vsub.f32 $1.500000000e+00, v54  }
0x3a4: {  	v3 =	vmul.f32 v3, v9;
	v57 =	vsub.f32 $1.500000000e+00, v55;
	v15 =	vmul.f32 v15, v11  }
0x3a5: {  	v16 =	vmul.f32 v10, v16;
	v13 =	vmul.f32 v56, v13  }
0x3a6: {  	v1 =	vadd.f32 v12, v1;
	v2 =	vmul.f32 v3, v2;
	v3 =	vmul.f32 v57, v6  }
0x3a7: {  	v58 =	vsub.f32 $1.500000000e+00, v15;
	v59 =	vmul.f32 v16, v10;
	v60 =	vmul.f32 v13, v17  }
0x3a8: {  	v1 =	vadd.f32 v2, v1;
	v2 =	vmul.f32 v3, v4  }
0x3a9: {  	v3 =	vmul.f32 v58, v11;
	v61 =	vsub.f32 $1.500000000e+00, v59;
	v62 =	vmul.f32 v60, v13  }
0x3aa: {  	v1 =	vadd.f32 v2, v1  }
0x3ab: {  	s21 =	sadd.s32 $0x1, s21;
	v2 =	vmul.f32 v3, v7;
	v3 =	vmul.f32 v61, v10;
	v63 =	vsub.f32 $1.500000000e+00, v62  }
0x3ac: {  	p0 =	sne.s32 s21, $0x8  }
.Ltmp7:
0x3ad: {  	v1 =	vadd.f32 v2, v1;
	v2 =	vmul.f32 v3, v8;
	v3 =	vmul.f32 v63, v13;
	(pc) =	sbr.rel @p0 .LBB2_14-.Ltmp7, $3  }
0x3ae: {  	_ = 	snop  }
0x3af: {  	v1 =	vadd.f32 v2, v1;
	v2 =	vmul.f32 v3, v5;
	_ =	sdelay $0x1  }
0x3b0: {  	v1 =	vadd.f32 v2, v1  }
0x3b1: {  	s19 =	sadd.s32 $0x1, s19  }
0x3b2: {  	[tilespmem:$0x1F400] =	vst v0;
	p0 =	sne.s32 s19, s12  }
.Ltmp8:
0x3b3: {  	[tilespmem:$0x1F410] =	vst v1;
	(pc) =	sbr.rel @p0 .LBB2_1-.Ltmp8, $4  }
0x3b4: {  	[hbm4b:s11+s2] =	stream.linear.scatter [tilespmem:s18], [sflag:$0x1], $0x80, $0x38;
	[tilespmem:$0x1F480] =	vst v63  }
0x3b5: {  	_ =	swait.ge [sflag:s15], $0x80  }
0x3b6: {  	[sflag:s15] =	ssyncset.done $0x0  }
0x3b7: {  	[sflag:s15] =	ssyncadd.s32 $0xFFFFFF80  }
0x3b8: {  	_ =	sfence.sel $0x180000  }
0x3b9: {  	[bflag:$0x0] =	sbarrier.arrive $0xFFFF  }
0x3ba: {  	p0 =	sne.s32 s1, $0x0;
	_ =	strace $0x90000047  }
0x3bb: {  	s0 =	sadd.s32 @!p0 $0x100000, s0;
	[bflag:$0x2] =	sbarrier.arrive $0xFFFF  }
0x3bc: {  	[sflag:s0] =	ssyncadd.tile.s32 @!p0 $0x1;
	_ =	shalt  }
.Lfunc_end2:
_tile_overlayer_lowered:
.L_overlay_start_2:
0x3bd: {  	(tag) =	ssettag $0x2  }
0x3be: {  	s0 =	rddreg [dreg:$0x0];
	s2 =	stileid.u32  }
0x3bf: {  	s1 =	rddreg [dreg:$0x1];
	p0 =	sne.s32 s2, $0x0  }
0x3c0: {  	s3 =	rddreg [dreg:$0x2];
	[bflag:$0x3] =	sbarrier.arrive $0xFFFF;
	s2 =	simm.s32 @!p0 $0x1C01  }
0x3c1: {  	[timem:s3], [sflag:s2] =	dma.local @!p0 [hbm:s0], s1  }
0x3c2: {  	s0 =	simm.s32 @!p0 $0x1  }
0x3c3: {  	_ =	swait.ge @!p0 [sflag:s0], s1  }
0x3c4: {  	s1 =	ssub.s32 @!p0 $0x0, s1;
	[sflag:s0] =	ssyncset.done @!p0 $0x0  }
0x3c5: {  	[sflag:s0] =	ssyncadd.s32 @!p0 s1  }
0x3c6: {  	[bflag:$0x3] =	sbarrier.arrive $0xFFFF  }
0x3c7: {  	_ =	shalt  }

</sc_bundles>
